<compile_context>
chip_gen: v7x
topology: tpu7x:2x2x1
jax: 0.10.2.dev20260603
libtpu: 0.0.44.dev20260713+nightly
codegen_flags: <defaults>
</compile_context>

<pallas_src>
import functools

import jax
import jax.numpy as jnp
from jax import lax
from jax.experimental import pallas as pl
from jax.experimental.pallas import tpu as pltpu
from jax.experimental.pallas import tpu_sc as plsc

N = 10000
E = 320000
D = 128
NC = 2
NS = 16
NW = NC * NS
WIN = 64
NWIN = 160
CW = 10
NCHUNK = NWIN // CW
NB = 5
ZDUM = 128
PAD = NW * NWIN * WIN - E
SLAB = 624
TAIL_BASE = NS * SLAB
TAIL = N - TAIL_BASE


def _sc_partials(x, ei5, zeros):
    mesh = plsc.VectorSubcoreMesh(core_axis_name="c", subcore_axis_name="s")

    @functools.partial(
        pl.kernel,
        out_type=jax.ShapeDtypeStruct((NC, N, D), jnp.float32),
        mesh=mesh,
        scratch_types=[
            pltpu.VMEM((CW, WIN), jnp.int32),
            pltpu.VMEM((CW, WIN), jnp.int32),
            pltpu.VMEM((CW, WIN), jnp.int32),
            pltpu.VMEM((CW, WIN), jnp.int32),
            pltpu.VMEM((WIN, D), jnp.float32),
            pltpu.VMEM((WIN, D), jnp.float32),
            pltpu.VMEM((WIN, D), jnp.float32),
            pltpu.VMEM((WIN, D), jnp.float32),
            pltpu.VMEM((WIN, D), jnp.float32),
            pltpu.VMEM_SHARED((N + ZDUM, D), jnp.float32),
            pltpu.SemaphoreType.DMA,
            pltpu.SemaphoreType.DMA,
            pltpu.SemaphoreType.DMA,
            pltpu.SemaphoreType.DMA,
            pltpu.SemaphoreType.DMA,
            pltpu.SemaphoreType.DMA,
            pltpu.SemaphoreType.DMA,
            pltpu.SemaphoreType.DMA,
            pltpu.SemaphoreType.DMA,
            pltpu.SemaphoreType.DMA,
            pltpu.SemaphoreType.DMA,
            pltpu.SemaphoreType.DMA,
        ],
    )
    def kern(x_hbm, ei_hbm, z_hbm, out_hbm,
             sc0, sc1, dc0, dc1, r0, r1, r2, r3, r4, acc,
             g0, g1, g2, g3, g4, s0, s1, s2, s3, s4, i0, i1):
        src_hbm = ei_hbm.at[0]
        dst_hbm = ei_hbm.at[1]
        src_c = (sc0, sc1)
        dst_c = (dc0, dc1)
        rows = (r0, r1, r2, r3, r4)
        gsem = (g0, g1, g2, g3, g4)
        ssem = (s0, s1, s2, s3, s4)
        isem = (i0, i1)
        c = lax.axis_index("c")
        s = lax.axis_index("s")
        wid = c * NS + s

        pltpu.sync_copy(
            z_hbm.at[pl.ds(s * SLAB, SLAB)],
            acc.at[pl.ds(s * SLAB, SLAB)],
        )

        @pl.when(s == 0)
        def _():
            pltpu.sync_copy(
                z_hbm.at[pl.ds(TAIL_BASE, TAIL)],
                acc.at[pl.ds(TAIL_BASE, TAIL)],
            )
        plsc.subcore_barrier()

        pltpu.sync_copy(src_hbm.at[wid].at[0], src_c[0])
        pltpu.sync_copy(dst_hbm.at[wid].at[0], dst_c[0])
        for k in range(NB - 1):
            pltpu.async_copy(x_hbm.at[src_c[0].at[k]], rows[k], gsem[k])

        @pl.loop(0, NCHUNK, step=2)
        def _(ic):
            for u in range(2):
                ch = ic + u
                cb = u
                cbn = 1 - u
                for k in range(CW):
                    ww = ch * CW + k
                    b = k % NB
                    bp = (b - 1) % NB
                    bn = (b + NB - 1) % NB
                    pltpu.make_async_copy(
                        x_hbm.at[src_c[cb].at[k]], rows[b], gsem[b]).wait()
                    pltpu.async_copy(rows[b], acc.at[dst_c[cb].at[k]],
                                     ssem[b], add=True)
                    if k == 0:
                        @pl.when(ww >= 1)
                        def _():
                            pltpu.make_async_copy(
                                rows[bp], acc.at[dst_c[cb].at[k]],
                                ssem[bp]).wait()

                        @pl.when(ch < NCHUNK - 1)
                        def _():
                            pltpu.async_copy(src_hbm.at[wid].at[ch + 1],
                                             src_c[cbn], isem[cbn])
                            pltpu.async_copy(dst_hbm.at[wid].at[ch + 1],
                                             dst_c[cbn], isem[cbn])
                    else:
                        pltpu.make_async_copy(
                            rows[bp], acc.at[dst_c[cb].at[k]],
                            ssem[bp]).wait()
                    if k == CW - (NB - 1):
                        @pl.when(ch < NCHUNK - 1)
                        def _():
                            pltpu.make_async_copy(
                                src_hbm.at[wid].at[0], src_c[cbn],
                                isem[cbn]).wait()
                            pltpu.make_async_copy(
                                dst_hbm.at[wid].at[0], dst_c[cbn],
                                isem[cbn]).wait()
                    if k < CW - (NB - 1):
                        pltpu.async_copy(
                            x_hbm.at[src_c[cb].at[k + NB - 1]],
                            rows[bn], gsem[bn])
                    else:
                        @pl.when(ch < NCHUNK - 1)
                        def _():
                            pltpu.async_copy(
                                x_hbm.at[src_c[cbn].at[k + NB - 1 - CW]],
                                rows[bn], gsem[bn])

        pltpu.make_async_copy(
            rows[(NWIN - 1) % NB], acc.at[dst_c[1].at[0]],
            ssem[(NWIN - 1) % NB]).wait()
        plsc.subcore_barrier()

        pltpu.sync_copy(
            acc.at[pl.ds(s * SLAB, SLAB)],
            out_hbm.at[c].at[pl.ds(s * SLAB, SLAB)],
        )

        @pl.when(s == 0)
        def _():
            pltpu.sync_copy(
                acc.at[pl.ds(TAIL_BASE, TAIL)],
                out_hbm.at[c].at[pl.ds(TAIL_BASE, TAIL)],
            )

    return kern(x, ei5, zeros)


def _tc_mlp(x, partials, W1, b1, W2, b2, eps):
    BLK = 2000

    def body(x_ref, p_ref, w1_ref, b1_ref, w2_ref, b2_ref, eps_ref, o_ref):
        h = (1.0 + eps_ref[0, 0]) * x_ref[...] + p_ref[0] + p_ref[1]
        h = jnp.dot(h, w1_ref[...], preferred_element_type=jnp.float32)
        h = jnp.maximum(h + b1_ref[...], 0.0)
        h = jnp.dot(h, w2_ref[...], preferred_element_type=jnp.float32)
        o_ref[...] = h + b2_ref[...]

    return pl.pallas_call(
        body,
        grid=(N // BLK,),
        in_specs=[
            pl.BlockSpec((BLK, D), lambda i: (i, 0)),
            pl.BlockSpec((NC, BLK, D), lambda i: (0, i, 0)),
            pl.BlockSpec((D, D), lambda i: (0, 0)),
            pl.BlockSpec((1, D), lambda i: (0, 0)),
            pl.BlockSpec((D, D), lambda i: (0, 0)),
            pl.BlockSpec((1, D), lambda i: (0, 0)),
            pl.BlockSpec((1, 1), lambda i: (0, 0)),
        ],
        out_specs=pl.BlockSpec((BLK, D), lambda i: (i, 0)),
        out_shape=jax.ShapeDtypeStruct((N, D), jnp.float32),
    )(x, partials, W1, b1.reshape(1, D), W2, b2.reshape(1, D),
      eps.reshape(1, 1))


def kernel(x, edge_index, W1, b1, W2, b2, eps):
    pad_iota = jnp.arange(PAD, dtype=jnp.int32)
    pad_pair = jnp.stack([pad_iota, N + (pad_iota & (ZDUM - 1))])
    ei5 = jnp.concatenate(
        [edge_index.astype(jnp.int32), pad_pair], axis=1).reshape(
        2, NW, NCHUNK, CW, WIN)
    zeros = jnp.zeros((N, D), jnp.float32)
    partials = _sc_partials(x, ei5, zeros)
    return _tc_mlp(x, partials, W1, b1, W2, b2, eps)

# --- scband reference (transcript-rebuilt; emitter-appended) ---
"""Pipeline reference for scband-ginconv-dgl-32126355374949 (READ-ONLY COPY).

The authoritative reference and input builder live on the scoring server;
editing this copy changes nothing except your own understanding.
"""

import jax, jax.numpy as jnp
import numpy as np

N_NODES = 10000
N_EDGES = 320000
D_IN = 128
D_OUT = 128

def setup_inputs(seed: int = 0) -> dict:
    key = jax.random.key(seed)
    k1, k2, k3, k4, k5, k6 = jax.random.split(key, 6)
    x = jax.random.normal(k1, (N_NODES, D_IN), dtype=jnp.float32)
    edge_index = jax.random.randint(k2, (2, N_EDGES), 0, N_NODES, dtype=jnp.int64)
    s1 = 1.0 / np.sqrt(D_IN)
    s2 = 1.0 / np.sqrt(D_OUT)
    W1 = jax.random.uniform(k3, (D_IN, D_OUT), minval=-s1, maxval=s1, dtype=jnp.float32)
    b1 = jax.random.uniform(k4, (D_OUT,), minval=-s1, maxval=s1, dtype=jnp.float32)
    W2 = jax.random.uniform(k5, (D_OUT, D_OUT), minval=-s2, maxval=s2, dtype=jnp.float32)
    b2 = jax.random.uniform(k6, (D_OUT,), minval=-s2, maxval=s2, dtype=jnp.float32)
    eps = jnp.zeros((1,), dtype=jnp.float32)
    return {"x": x, "edge_index": edge_index, "W1": W1, "b1": b1, "W2": W2, "b2": b2, "eps": eps}

def reference(x, edge_index, W1, b1, W2, b2, eps):
    src = edge_index[0]
    dst = edge_index[1]
    # message: copy_u('h','m') -> gather source node features per edge
    m = jnp.take(x, src, axis=0)
    # reduce: sum('m','h_neigh') -> scatter-add by destination node
    h_neigh = jax.ops.segment_sum(m, dst, num_segments=N_NODES)
    h = (1.0 + eps) * x + h_neigh
    # MLP: Linear -> ReLU -> Linear
    h = jax.nn.relu(h @ W1 + b1)
    out = h @ W2 + b2
    return out

if __name__ == "__main__":
    import jax
    _d = setup_inputs()
    print(jax.jit(kernel)(*tuple(_d.values())))

</pallas_src>

<mosaic_0001>
#map = affine_map<(d0, d1) -> (0, 0)>
#map1 = affine_map<(d0, d1) -> (0, 0, 0, 0, 0)>
#map2 = affine_map<(d0, d1) -> (0, 0, 0)>
module attributes {stable_mosaic.version = 14 : i64} {
  func.func @kern(%arg0: i32, %arg1: i32, %arg2: memref<10000x128xf32, #tpu.memory_space<hbm>>, %arg3: memref<2x32x16x10x64xi32, #tpu.memory_space<hbm>>, %arg4: memref<10000x128xf32, #tpu.memory_space<hbm>>, %arg5: memref<2x10000x128xf32, #tpu.memory_space<hbm>>, %arg6: memref<10x64xi32, #tpu.memory_space<vmem>>, %arg7: memref<10x64xi32, #tpu.memory_space<vmem>>, %arg8: memref<10x64xi32, #tpu.memory_space<vmem>>, %arg9: memref<10x64xi32, #tpu.memory_space<vmem>>, %arg10: memref<64x128xf32, #tpu.memory_space<vmem>>, %arg11: memref<64x128xf32, #tpu.memory_space<vmem>>, %arg12: memref<64x128xf32, #tpu.memory_space<vmem>>, %arg13: memref<64x128xf32, #tpu.memory_space<vmem>>, %arg14: memref<64x128xf32, #tpu.memory_space<vmem>>, %arg15: memref<10128x128xf32, #tpu.memory_space<vmem_shared>>, %arg16: memref<!tpu.dma_semaphore, #tpu.memory_space<semaphore_mem>>, %arg17: memref<!tpu.dma_semaphore, #tpu.memory_space<semaphore_mem>>, %arg18: memref<!tpu.dma_semaphore, #tpu.memory_space<semaphore_mem>>, %arg19: memref<!tpu.dma_semaphore, #tpu.memory_space<semaphore_mem>>, %arg20: memref<!tpu.dma_semaphore, #tpu.memory_space<semaphore_mem>>, %arg21: memref<!tpu.dma_semaphore, #tpu.memory_space<semaphore_mem>>, %arg22: memref<!tpu.dma_semaphore, #tpu.memory_space<semaphore_mem>>, %arg23: memref<!tpu.dma_semaphore, #tpu.memory_space<semaphore_mem>>, %arg24: memref<!tpu.dma_semaphore, #tpu.memory_space<semaphore_mem>>, %arg25: memref<!tpu.dma_semaphore, #tpu.memory_space<semaphore_mem>>, %arg26: memref<!tpu.dma_semaphore, #tpu.memory_space<semaphore_mem>>, %arg27: memref<!tpu.dma_semaphore, #tpu.memory_space<semaphore_mem>>) attributes {dimension_semantics = [#tpu.dimension_semantics<core_parallel>, #tpu.dimension_semantics<subcore_parallel>], iteration_bounds = array<i64: 2, 16>, scalar_prefetch = 0 : i64, scratch_operands = 22 : i64, tpu.core_type = #tpu.core_type<sc_vector_subcore>, window_params = [{transform_indices = #map}, {transform_indices = #map1}, {transform_indices = #map}, {transform_indices = #map2}]} {
    %mul3A = arith.constant 16 : i32
    %mul3A_0 = arith.muli %arg0, %mul3A : i32
    %add3A = arith.addi %mul3A_0, %arg1 : i32
    %mul3A_1 = arith.constant 624 : i32
    %mul3A_2 = arith.muli %arg1, %mul3A_1 : i32
    %mul3A_3 = arith.constant 624 : i32
    %mul3A_4 = arith.muli %arg1, %mul3A_3 : i32
    "tpu.region"() ({
      %run_scoped3A_59 = tpu.sem_alloc : memref<!tpu.dma_semaphore, #tpu.memory_space<semaphore_mem>>
      %dma_start3A_60 = arith.constant 0 : i32
      %dma_start3A_61 = tpu.memref_slice %arg15[%mul3A_4, %dma_start3A_60] : memref<10128x128xf32, #tpu.memory_space<vmem_shared>> -> memref<624x128xf32, #tpu.memory_space<vmem_shared>>
      %dma_start3A_62 = arith.constant 0 : i32
      %dma_start3A_63 = tpu.memref_slice %arg4[%mul3A_2, %dma_start3A_62] : memref<10000x128xf32, #tpu.memory_space<hbm>> -> memref<624x128xf32, #tpu.memory_space<hbm>>
      tpu.enqueue_dma source(%dma_start3A_63 : memref<624x128xf32, #tpu.memory_space<hbm>>) target(%dma_start3A_61 : memref<624x128xf32, #tpu.memory_space<vmem_shared>>) target_semaphore(%run_scoped3A_59 : memref<!tpu.dma_semaphore, #tpu.memory_space<semaphore_mem>>)
      %dma_wait3A_64 = arith.constant 0 : i32
      %dma_wait3A_65 = tpu.memref_slice %arg15[%mul3A_4, %dma_wait3A_64] : memref<10128x128xf32, #tpu.memory_space<vmem_shared>> -> memref<624x128xf32, #tpu.memory_space<vmem_shared>>
      %dma_wait3A_66 = arith.constant 0 : i32
      %dma_wait3A_67 = tpu.memref_slice %arg4[%mul3A_2, %dma_wait3A_66] : memref<10000x128xf32, #tpu.memory_space<hbm>> -> memref<624x128xf32, #tpu.memory_space<hbm>>
      tpu.wait_dma2 semaphore(%run_scoped3A_59 : memref<!tpu.dma_semaphore, #tpu.memory_space<semaphore_mem>>) src(%dma_wait3A_67 : memref<624x128xf32, #tpu.memory_space<hbm>>) dst(%dma_wait3A_65 : memref<624x128xf32, #tpu.memory_space<vmem_shared>>)
      tpu.yield
    }) : () -> ()
    %eq3A = arith.constant 0 : i32
    %eq3A_5 = arith.cmpi eq, %arg1, %eq3A : i32
    %convert_element_type3A = arith.extui %eq3A_5 : i1 to i32
    %cond3A = arith.constant 0 : i32
    %cond3A_6 = arith.cmpi ne, %convert_element_type3A, %cond3A : i32
    scf.if %cond3A_6 {
      "tpu.region"() ({
        %run_scoped3A_59 = tpu.sem_alloc : memref<!tpu.dma_semaphore, #tpu.memory_space<semaphore_mem>>
        %dma_start3A_60 = arith.constant 9984 : i32
        %dma_start3A_61 = arith.constant 0 : i32
        %dma_start3A_62 = tpu.memref_slice %arg15[%dma_start3A_60, %dma_start3A_61] : memref<10128x128xf32, #tpu.memory_space<vmem_shared>> -> memref<16x128xf32, #tpu.memory_space<vmem_shared>>
        %dma_start3A_63 = arith.constant 9984 : i32
        %dma_start3A_64 = arith.constant 0 : i32
        %dma_start3A_65 = tpu.memref_slice %arg4[%dma_start3A_63, %dma_start3A_64] : memref<10000x128xf32, #tpu.memory_space<hbm>> -> memref<16x128xf32, #tpu.memory_space<hbm>>
        tpu.enqueue_dma source(%dma_start3A_65 : memref<16x128xf32, #tpu.memory_space<hbm>>) target(%dma_start3A_62 : memref<16x128xf32, #tpu.memory_space<vmem_shared>>) target_semaphore(%run_scoped3A_59 : memref<!tpu.dma_semaphore, #tpu.memory_space<semaphore_mem>>)
        %dma_wait3A_66 = arith.constant 9984 : i32
        %dma_wait3A_67 = arith.constant 0 : i32
        %dma_wait3A_68 = tpu.memref_slice %arg15[%dma_wait3A_66, %dma_wait3A_67] : memref<10128x128xf32, #tpu.memory_space<vmem_shared>> -> memref<16x128xf32, #tpu.memory_space<vmem_shared>>
        %dma_wait3A_69 = arith.constant 9984 : i32
        %dma_wait3A_70 = arith.constant 0 : i32
        %dma_wait3A_71 = tpu.memref_slice %arg4[%dma_wait3A_69, %dma_wait3A_70] : memref<10000x128xf32, #tpu.memory_space<hbm>> -> memref<16x128xf32, #tpu.memory_space<hbm>>
        tpu.wait_dma2 semaphore(%run_scoped3A_59 : memref<!tpu.dma_semaphore, #tpu.memory_space<semaphore_mem>>) src(%dma_wait3A_71 : memref<16x128xf32, #tpu.memory_space<hbm>>) dst(%dma_wait3A_68 : memref<16x128xf32, #tpu.memory_space<vmem_shared>>)
        tpu.yield
      }) : () -> ()
    } else {
    }
    %barrier3A = arith.constant 0 : index
    tpu.barrier barrier_id(%barrier3A)
    %run_scoped3A = arith.constant 0 : i32
    %run_scoped3A_7 = arith.constant 0 : i32
    "tpu.region"() ({
      %run_scoped3A_59 = tpu.sem_alloc : memref<!tpu.dma_semaphore, #tpu.memory_space<semaphore_mem>>
      %dma_start3A_60 = arith.constant 0 : i32
      %dma_start3A_61 = arith.constant 0 : i32
      %dma_start3A_62 = arith.constant 0 : i32
      %dma_start3A_63 = arith.constant 0 : i32
      %dma_start3A_64 = tpu.memref_slice %arg3[%run_scoped3A, %dma_start3A_60, %dma_start3A_61, %dma_start3A_62, %dma_start3A_63] : memref<2x32x16x10x64xi32, #tpu.memory_space<hbm>> -> memref<1x32x16x10x64xi32, #tpu.memory_space<hbm>>
      %dma_start3A_65 = tpu.memref_squeeze %dma_start3A_64 : memref<1x32x16x10x64xi32, #tpu.memory_space<hbm>> -> memref<32x16x10x64xi32, #tpu.memory_space<hbm>>
      %dma_start3A_66 = arith.constant 0 : i32
      %dma_start3A_67 = arith.constant 0 : i32
      %dma_start3A_68 = arith.constant 0 : i32
      %dma_start3A_69 = tpu.memref_slice %dma_start3A_65[%add3A, %dma_start3A_66, %dma_start3A_67, %dma_start3A_68] : memref<32x16x10x64xi32, #tpu.memory_space<hbm>> -> memref<1x16x10x64xi32, #tpu.memory_space<hbm>>
      %dma_start3A_70 = tpu.memref_squeeze %dma_start3A_69 : memref<1x16x10x64xi32, #tpu.memory_space<hbm>> -> memref<16x10x64xi32, #tpu.memory_space<hbm>>
      %dma_start3A_71 = arith.constant 0 : i32
      %dma_start3A_72 = arith.constant 0 : i32
      %dma_start3A_73 = tpu.memref_slice %dma_start3A_70[%run_scoped3A_7, %dma_start3A_71, %dma_start3A_72] : memref<16x10x64xi32, #tpu.memory_space<hbm>> -> memref<1x10x64xi32, #tpu.memory_space<hbm>>
      %dma_start3A_74 = tpu.memref_squeeze %dma_start3A_73 : memref<1x10x64xi32, #tpu.memory_space<hbm>> -> memref<10x64xi32, #tpu.memory_space<hbm>>
      %dma_start3A_75 = arith.constant 0 : i32
      %dma_start3A_76 = arith.constant 0 : i32
      %dma_start3A_77 = arith.constant 0 : i32
      %dma_start3A_78 = arith.constant 0 : i32
      %dma_start3A_79 = tpu.memref_slice %arg3[%run_scoped3A, %dma_start3A_75, %dma_start3A_76, %dma_start3A_77, %dma_start3A_78] : memref<2x32x16x10x64xi32, #tpu.memory_space<hbm>> -> memref<1x32x16x10x64xi32, #tpu.memory_space<hbm>>
      %dma_start3A_80 = tpu.memref_squeeze %dma_start3A_79 : memref<1x32x16x10x64xi32, #tpu.memory_space<hbm>> -> memref<32x16x10x64xi32, #tpu.memory_space<hbm>>
      %dma_start3A_81 = arith.constant 0 : i32
      %dma_start3A_82 = arith.constant 0 : i32
      %dma_start3A_83 = arith.constant 0 : i32
      %dma_start3A_84 = tpu.memref_slice %dma_start3A_80[%add3A, %dma_start3A_81, %dma_start3A_82, %dma_start3A_83] : memref<32x16x10x64xi32, #tpu.memory_space<hbm>> -> memref<1x16x10x64xi32, #tpu.memory_space<hbm>>
      %dma_start3A_85 = tpu.memref_squeeze %dma_start3A_84 : memref<1x16x10x64xi32, #tpu.memory_space<hbm>> -> memref<16x10x64xi32, #tpu.memory_space<hbm>>
      %dma_start3A_86 = arith.constant 0 : i32
      %dma_start3A_87 = arith.constant 0 : i32
      %dma_start3A_88 = tpu.memref_slice %dma_start3A_85[%run_scoped3A_7, %dma_start3A_86, %dma_start3A_87] : memref<16x10x64xi32, #tpu.memory_space<hbm>> -> memref<1x10x64xi32, #tpu.memory_space<hbm>>
      %dma_start3A_89 = tpu.memref_squeeze %dma_start3A_88 : memref<1x10x64xi32, #tpu.memory_space<hbm>> -> memref<10x64xi32, #tpu.memory_space<hbm>>
      tpu.enqueue_dma source(%dma_start3A_89 : memref<10x64xi32, #tpu.memory_space<hbm>>) target(%arg6 : memref<10x64xi32, #tpu.memory_space<vmem>>) target_semaphore(%run_scoped3A_59 : memref<!tpu.dma_semaphore, #tpu.memory_space<semaphore_mem>>)
      %dma_wait3A_90 = arith.constant 0 : i32
      %dma_wait3A_91 = arith.constant 0 : i32
      %dma_wait3A_92 = arith.constant 0 : i32
      %dma_wait3A_93 = arith.constant 0 : i32
      %dma_wait3A_94 = tpu.memref_slice %arg3[%run_scoped3A, %dma_wait3A_90, %dma_wait3A_91, %dma_wait3A_92, %dma_wait3A_93] : memref<2x32x16x10x64xi32, #tpu.memory_space<hbm>> -> memref<1x32x16x10x64xi32, #tpu.memory_space<hbm>>
      %dma_wait3A_95 = tpu.memref_squeeze %dma_wait3A_94 : memref<1x32x16x10x64xi32, #tpu.memory_space<hbm>> -> memref<32x16x10x64xi32, #tpu.memory_space<hbm>>
      %dma_wait3A_96 = arith.constant 0 : i32
      %dma_wait3A_97 = arith.constant 0 : i32
      %dma_wait3A_98 = arith.constant 0 : i32
      %dma_wait3A_99 = tpu.memref_slice %dma_wait3A_95[%add3A, %dma_wait3A_96, %dma_wait3A_97, %dma_wait3A_98] : memref<32x16x10x64xi32, #tpu.memory_space<hbm>> -> memref<1x16x10x64xi32, #tpu.memory_space<hbm>>
      %dma_wait3A_100 = tpu.memref_squeeze %dma_wait3A_99 : memref<1x16x10x64xi32, #tpu.memory_space<hbm>> -> memref<16x10x64xi32, #tpu.memory_space<hbm>>
      %dma_wait3A_101 = arith.constant 0 : i32
      %dma_wait3A_102 = arith.constant 0 : i32
      %dma_wait3A_103 = tpu.memref_slice %dma_wait3A_100[%run_scoped3A_7, %dma_wait3A_101, %dma_wait3A_102] : memref<16x10x64xi32, #tpu.memory_space<hbm>> -> memref<1x10x64xi32, #tpu.memory_space<hbm>>
      %dma_wait3A_104 = tpu.memref_squeeze %dma_wait3A_103 : memref<1x10x64xi32, #tpu.memory_space<hbm>> -> memref<10x64xi32, #tpu.memory_space<hbm>>
      %dma_wait3A_105 = arith.constant 0 : i32
      %dma_wait3A_106 = arith.constant 0 : i32
      %dma_wait3A_107 = arith.constant 0 : i32
      %dma_wait3A_108 = arith.constant 0 : i32
      %dma_wait3A_109 = tpu.memref_slice %arg3[%run_scoped3A, %dma_wait3A_105, %dma_wait3A_106, %dma_wait3A_107, %dma_wait3A_108] : memref<2x32x16x10x64xi32, #tpu.memory_space<hbm>> -> memref<1x32x16x10x64xi32, #tpu.memory_space<hbm>>
      %dma_wait3A_110 = tpu.memref_squeeze %dma_wait3A_109 : memref<1x32x16x10x64xi32, #tpu.memory_space<hbm>> -> memref<32x16x10x64xi32, #tpu.memory_space<hbm>>
      %dma_wait3A_111 = arith.constant 0 : i32
      %dma_wait3A_112 = arith.constant 0 : i32
      %dma_wait3A_113 = arith.constant 0 : i32
      %dma_wait3A_114 = tpu.memref_slice %dma_wait3A_110[%add3A, %dma_wait3A_111, %dma_wait3A_112, %dma_wait3A_113] : memref<32x16x10x64xi32, #tpu.memory_space<hbm>> -> memref<1x16x10x64xi32, #tpu.memory_space<hbm>>
      %dma_wait3A_115 = tpu.memref_squeeze %dma_wait3A_114 : memref<1x16x10x64xi32, #tpu.memory_space<hbm>> -> memref<16x10x64xi32, #tpu.memory_space<hbm>>
      %dma_wait3A_116 = arith.constant 0 : i32
      %dma_wait3A_117 = arith.constant 0 : i32
      %dma_wait3A_118 = tpu.memref_slice %dma_wait3A_115[%run_scoped3A_7, %dma_wait3A_116, %dma_wait3A_117] : memref<16x10x64xi32, #tpu.memory_space<hbm>> -> memref<1x10x64xi32, #tpu.memory_space<hbm>>
      %dma_wait3A_119 = tpu.memref_squeeze %dma_wait3A_118 : memref<1x10x64xi32, #tpu.memory_space<hbm>> -> memref<10x64xi32, #tpu.memory_space<hbm>>
      tpu.wait_dma2 semaphore(%run_scoped3A_59 : memref<!tpu.dma_semaphore, #tpu.memory_space<semaphore_mem>>) src(%dma_wait3A_119 : memref<10x64xi32, #tpu.memory_space<hbm>>) dst(%arg6 : memref<10x64xi32, #tpu.memory_space<vmem>>)
      tpu.yield
    }) : () -> ()
    %run_scoped3A_8 = arith.constant 1 : i32
    %run_scoped3A_9 = arith.constant 0 : i32
    "tpu.region"() ({
      %run_scoped3A_59 = tpu.sem_alloc : memref<!tpu.dma_semaphore, #tpu.memory_space<semaphore_mem>>
      %dma_start3A_60 = arith.constant 0 : i32
      %dma_start3A_61 = arith.constant 0 : i32
      %dma_start3A_62 = arith.constant 0 : i32
      %dma_start3A_63 = arith.constant 0 : i32
      %dma_start3A_64 = tpu.memref_slice %arg3[%run_scoped3A_8, %dma_start3A_60, %dma_start3A_61, %dma_start3A_62, %dma_start3A_63] : memref<2x32x16x10x64xi32, #tpu.memory_space<hbm>> -> memref<1x32x16x10x64xi32, #tpu.memory_space<hbm>>
      %dma_start3A_65 = tpu.memref_squeeze %dma_start3A_64 : memref<1x32x16x10x64xi32, #tpu.memory_space<hbm>> -> memref<32x16x10x64xi32, #tpu.memory_space<hbm>>
      %dma_start3A_66 = arith.constant 0 : i32
      %dma_start3A_67 = arith.constant 0 : i32
      %dma_start3A_68 = arith.constant 0 : i32
      %dma_start3A_69 = tpu.memref_slice %dma_start3A_65[%add3A, %dma_start3A_66, %dma_start3A_67, %dma_start3A_68] : memref<32x16x10x64xi32, #tpu.memory_space<hbm>> -> memref<1x16x10x64xi32, #tpu.memory_space<hbm>>
      %dma_start3A_70 = tpu.memref_squeeze %dma_start3A_69 : memref<1x16x10x64xi32, #tpu.memory_space<hbm>> -> memref<16x10x64xi32, #tpu.memory_space<hbm>>
      %dma_start3A_71 = arith.constant 0 : i32
      %dma_start3A_72 = arith.constant 0 : i32
      %dma_start3A_73 = tpu.memref_slice %dma_start3A_70[%run_scoped3A_9, %dma_start3A_71, %dma_start3A_72] : memref<16x10x64xi32, #tpu.memory_space<hbm>> -> memref<1x10x64xi32, #tpu.memory_space<hbm>>
      %dma_start3A_74 = tpu.memref_squeeze %dma_start3A_73 : memref<1x10x64xi32, #tpu.memory_space<hbm>> -> memref<10x64xi32, #tpu.memory_space<hbm>>
      %dma_start3A_75 = arith.constant 0 : i32
      %dma_start3A_76 = arith.constant 0 : i32
      %dma_start3A_77 = arith.constant 0 : i32
      %dma_start3A_78 = arith.constant 0 : i32
      %dma_start3A_79 = tpu.memref_slice %arg3[%run_scoped3A_8, %dma_start3A_75, %dma_start3A_76, %dma_start3A_77, %dma_start3A_78] : memref<2x32x16x10x64xi32, #tpu.memory_space<hbm>> -> memref<1x32x16x10x64xi32, #tpu.memory_space<hbm>>
      %dma_start3A_80 = tpu.memref_squeeze %dma_start3A_79 : memref<1x32x16x10x64xi32, #tpu.memory_space<hbm>> -> memref<32x16x10x64xi32, #tpu.memory_space<hbm>>
      %dma_start3A_81 = arith.constant 0 : i32
      %dma_start3A_82 = arith.constant 0 : i32
      %dma_start3A_83 = arith.constant 0 : i32
      %dma_start3A_84 = tpu.memref_slice %dma_start3A_80[%add3A, %dma_start3A_81, %dma_start3A_82, %dma_start3A_83] : memref<32x16x10x64xi32, #tpu.memory_space<hbm>> -> memref<1x16x10x64xi32, #tpu.memory_space<hbm>>
      %dma_start3A_85 = tpu.memref_squeeze %dma_start3A_84 : memref<1x16x10x64xi32, #tpu.memory_space<hbm>> -> memref<16x10x64xi32, #tpu.memory_space<hbm>>
      %dma_start3A_86 = arith.constant 0 : i32
      %dma_start3A_87 = arith.constant 0 : i32
      %dma_start3A_88 = tpu.memref_slice %dma_start3A_85[%run_scoped3A_9, %dma_start3A_86, %dma_start3A_87] : memref<16x10x64xi32, #tpu.memory_space<hbm>> -> memref<1x10x64xi32, #tpu.memory_space<hbm>>
      %dma_start3A_89 = tpu.memref_squeeze %dma_start3A_88 : memref<1x10x64xi32, #tpu.memory_space<hbm>> -> memref<10x64xi32, #tpu.memory_space<hbm>>
      tpu.enqueue_dma source(%dma_start3A_89 : memref<10x64xi32, #tpu.memory_space<hbm>>) target(%arg8 : memref<10x64xi32, #tpu.memory_space<vmem>>) target_semaphore(%run_scoped3A_59 : memref<!tpu.dma_semaphore, #tpu.memory_space<semaphore_mem>>)
      %dma_wait3A_90 = arith.constant 0 : i32
      %dma_wait3A_91 = arith.constant 0 : i32
      %dma_wait3A_92 = arith.constant 0 : i32
      %dma_wait3A_93 = arith.constant 0 : i32
      %dma_wait3A_94 = tpu.memref_slice %arg3[%run_scoped3A_8, %dma_wait3A_90, %dma_wait3A_91, %dma_wait3A_92, %dma_wait3A_93] : memref<2x32x16x10x64xi32, #tpu.memory_space<hbm>> -> memref<1x32x16x10x64xi32, #tpu.memory_space<hbm>>
      %dma_wait3A_95 = tpu.memref_squeeze %dma_wait3A_94 : memref<1x32x16x10x64xi32, #tpu.memory_space<hbm>> -> memref<32x16x10x64xi32, #tpu.memory_space<hbm>>
      %dma_wait3A_96 = arith.constant 0 : i32
      %dma_wait3A_97 = arith.constant 0 : i32
      %dma_wait3A_98 = arith.constant 0 : i32
      %dma_wait3A_99 = tpu.memref_slice %dma_wait3A_95[%add3A, %dma_wait3A_96, %dma_wait3A_97, %dma_wait3A_98] : memref<32x16x10x64xi32, #tpu.memory_space<hbm>> -> memref<1x16x10x64xi32, #tpu.memory_space<hbm>>
      %dma_wait3A_100 = tpu.memref_squeeze %dma_wait3A_99 : memref<1x16x10x64xi32, #tpu.memory_space<hbm>> -> memref<16x10x64xi32, #tpu.memory_space<hbm>>
      %dma_wait3A_101 = arith.constant 0 : i32
      %dma_wait3A_102 = arith.constant 0 : i32
      %dma_wait3A_103 = tpu.memref_slice %dma_wait3A_100[%run_scoped3A_9, %dma_wait3A_101, %dma_wait3A_102] : memref<16x10x64xi32, #tpu.memory_space<hbm>> -> memref<1x10x64xi32, #tpu.memory_space<hbm>>
      %dma_wait3A_104 = tpu.memref_squeeze %dma_wait3A_103 : memref<1x10x64xi32, #tpu.memory_space<hbm>> -> memref<10x64xi32, #tpu.memory_space<hbm>>
      %dma_wait3A_105 = arith.constant 0 : i32
      %dma_wait3A_106 = arith.constant 0 : i32
      %dma_wait3A_107 = arith.constant 0 : i32
      %dma_wait3A_108 = arith.constant 0 : i32
      %dma_wait3A_109 = tpu.memref_slice %arg3[%run_scoped3A_8, %dma_wait3A_105, %dma_wait3A_106, %dma_wait3A_107, %dma_wait3A_108] : memref<2x32x16x10x64xi32, #tpu.memory_space<hbm>> -> memref<1x32x16x10x64xi32, #tpu.memory_space<hbm>>
      %dma_wait3A_110 = tpu.memref_squeeze %dma_wait3A_109 : memref<1x32x16x10x64xi32, #tpu.memory_space<hbm>> -> memref<32x16x10x64xi32, #tpu.memory_space<hbm>>
      %dma_wait3A_111 = arith.constant 0 : i32
      %dma_wait3A_112 = arith.constant 0 : i32
      %dma_wait3A_113 = arith.constant 0 : i32
      %dma_wait3A_114 = tpu.memref_slice %dma_wait3A_110[%add3A, %dma_wait3A_111, %dma_wait3A_112, %dma_wait3A_113] : memref<32x16x10x64xi32, #tpu.memory_space<hbm>> -> memref<1x16x10x64xi32, #tpu.memory_space<hbm>>
      %dma_wait3A_115 = tpu.memref_squeeze %dma_wait3A_114 : memref<1x16x10x64xi32, #tpu.memory_space<hbm>> -> memref<16x10x64xi32, #tpu.memory_space<hbm>>
      %dma_wait3A_116 = arith.constant 0 : i32
      %dma_wait3A_117 = arith.constant 0 : i32
      %dma_wait3A_118 = tpu.memref_slice %dma_wait3A_115[%run_scoped3A_9, %dma_wait3A_116, %dma_wait3A_117] : memref<16x10x64xi32, #tpu.memory_space<hbm>> -> memref<1x10x64xi32, #tpu.memory_space<hbm>>
      %dma_wait3A_119 = tpu.memref_squeeze %dma_wait3A_118 : memref<1x10x64xi32, #tpu.memory_space<hbm>> -> memref<10x64xi32, #tpu.memory_space<hbm>>
      tpu.wait_dma2 semaphore(%run_scoped3A_59 : memref<!tpu.dma_semaphore, #tpu.memory_space<semaphore_mem>>) src(%dma_wait3A_119 : memref<10x64xi32, #tpu.memory_space<hbm>>) dst(%arg8 : memref<10x64xi32, #tpu.memory_space<vmem>>)
      tpu.yield
    }) : () -> ()
    %dma_start3A = arith.constant 0 : i32
    %dma_start3A_10 = arith.constant 0 : i32
    %dma_start3A_11 = tpu.memref_slice %arg6[%dma_start3A, %dma_start3A_10] : memref<10x64xi32, #tpu.memory_space<vmem>> -> memref<1x64xi32, #tpu.memory_space<vmem>>
    %dma_start3A_12 = tpu.memref_squeeze %dma_start3A_11 : memref<1x64xi32, #tpu.memory_space<vmem>> -> memref<64xi32, #tpu.memory_space<vmem>>
    %dma_start3A_13 = arith.constant 0 : i32
    %dma_start3A_14 = arith.constant 0 : i32
    %dma_start3A_15 = tpu.memref_slice %arg2[%dma_start3A_13, %dma_start3A_14] : memref<10000x128xf32, #tpu.memory_space<hbm>> -> memref<10000x128xf32, #tpu.memory_space<hbm>>
    tpu.enqueue_indirect_dma source(%dma_start3A_15 : memref<10000x128xf32, #tpu.memory_space<hbm>>) target(%arg10 : memref<64x128xf32, #tpu.memory_space<vmem>>) offsets(%dma_start3A_12 : memref<64xi32, #tpu.memory_space<vmem>>) semaphore(%arg16 : memref<!tpu.dma_semaphore, #tpu.memory_space<semaphore_mem>>)
    %dma_start3A_16 = arith.constant 1 : i32
    %dma_start3A_17 = arith.constant 0 : i32
    %dma_start3A_18 = tpu.memref_slice %arg6[%dma_start3A_16, %dma_start3A_17] : memref<10x64xi32, #tpu.memory_space<vmem>> -> memref<1x64xi32, #tpu.memory_space<vmem>>
    %dma_start3A_19 = tpu.memref_squeeze %dma_start3A_18 : memref<1x64xi32, #tpu.memory_space<vmem>> -> memref<64xi32, #tpu.memory_space<vmem>>
    %dma_start3A_20 = arith.constant 0 : i32
    %dma_start3A_21 = arith.constant 0 : i32
    %dma_start3A_22 = tpu.memref_slice %arg2[%dma_start3A_20, %dma_start3A_21] : memref<10000x128xf32, #tpu.memory_space<hbm>> -> memref<10000x128xf32, #tpu.memory_space<hbm>>
    tpu.enqueue_indirect_dma source(%dma_start3A_22 : memref<10000x128xf32, #tpu.memory_space<hbm>>) target(%arg11 : memref<64x128xf32, #tpu.memory_space<vmem>>) offsets(%dma_start3A_19 : memref<64xi32, #tpu.memory_space<vmem>>) semaphore(%arg17 : memref<!tpu.dma_semaphore, #tpu.memory_space<semaphore_mem>>)
    %dma_start3A_23 = arith.constant 2 : i32
    %dma_start3A_24 = arith.constant 0 : i32
    %dma_start3A_25 = tpu.memref_slice %arg6[%dma_start3A_23, %dma_start3A_24] : memref<10x64xi32, #tpu.memory_space<vmem>> -> memref<1x64xi32, #tpu.memory_space<vmem>>
    %dma_start3A_26 = tpu.memref_squeeze %dma_start3A_25 : memref<1x64xi32, #tpu.memory_space<vmem>> -> memref<64xi32, #tpu.memory_space<vmem>>
    %dma_start3A_27 = arith.constant 0 : i32
    %dma_start3A_28 = arith.constant 0 : i32
    %dma_start3A_29 = tpu.memref_slice %arg2[%dma_start3A_27, %dma_start3A_28] : memref<10000x128xf32, #tpu.memory_space<hbm>> -> memref<10000x128xf32, #tpu.memory_space<hbm>>
    tpu.enqueue_indirect_dma source(%dma_start3A_29 : memref<10000x128xf32, #tpu.memory_space<hbm>>) target(%arg12 : memref<64x128xf32, #tpu.memory_space<vmem>>) offsets(%dma_start3A_26 : memref<64xi32, #tpu.memory_space<vmem>>) semaphore(%arg18 : memref<!tpu.dma_semaphore, #tpu.memory_space<semaphore_mem>>)
    %dma_start3A_30 = arith.constant 3 : i32
    %dma_start3A_31 = arith.constant 0 : i32
    %dma_start3A_32 = tpu.memref_slice %arg6[%dma_start3A_30, %dma_start3A_31] : memref<10x64xi32, #tpu.memory_space<vmem>> -> memref<1x64xi32, #tpu.memory_space<vmem>>
    %dma_start3A_33 = tpu.memref_squeeze %dma_start3A_32 : memref<1x64xi32, #tpu.memory_space<vmem>> -> memref<64xi32, #tpu.memory_space<vmem>>
    %dma_start3A_34 = arith.constant 0 : i32
    %dma_start3A_35 = arith.constant 0 : i32
    %dma_start3A_36 = tpu.memref_slice %arg2[%dma_start3A_34, %dma_start3A_35] : memref<10000x128xf32, #tpu.memory_space<hbm>> -> memref<10000x128xf32, #tpu.memory_space<hbm>>
    tpu.enqueue_indirect_dma source(%dma_start3A_36 : memref<10000x128xf32, #tpu.memory_space<hbm>>) target(%arg13 : memref<64x128xf32, #tpu.memory_space<vmem>>) offsets(%dma_start3A_33 : memref<64xi32, #tpu.memory_space<vmem>>) semaphore(%arg19 : memref<!tpu.dma_semaphore, #tpu.memory_space<semaphore_mem>>)
    %scan3A = arith.constant 0 : i32
    %scan3A_37 = arith.constant 1 : i32
    %scan3A_38 = arith.constant 0 : i32
    %scan3A_39 = arith.constant 8 : i32
    %scan3A_40 = arith.addi %scan3A_38, %scan3A_39 : i32
    %scan3A_41 = arith.constant 1 : i32
    scf.for %scan3A_59 = %scan3A_38 to %scan3A_40 step %scan3A_41  : i32 {
      %mul3A_60 = arith.constant 2 : i32
      %mul3A_61 = arith.muli %scan3A_59, %mul3A_60 : i32
      %add3A_62 = arith.constant 0 : i32
      %add3A_63 = arith.addi %add3A_62, %mul3A_61 : i32
      %add3A_64 = arith.constant 0 : i32
      %add3A_65 = arith.addi %add3A_63, %add3A_64 : i32
      %mul3A_66 = arith.constant 10 : i32
      %mul3A_67 = arith.muli %add3A_65, %mul3A_66 : i32
      %add3A_68 = arith.constant 0 : i32
      %add3A_69 = arith.addi %mul3A_67, %add3A_68 : i32
      %dma_wait3A_70 = arith.constant 0 : i32
      %dma_wait3A_71 = arith.constant 0 : i32
      %dma_wait3A_72 = tpu.memref_slice %arg6[%dma_wait3A_70, %dma_wait3A_71] : memref<10x64xi32, #tpu.memory_space<vmem>> -> memref<1x64xi32, #tpu.memory_space<vmem>>
      %dma_wait3A_73 = tpu.memref_squeeze %dma_wait3A_72 : memref<1x64xi32, #tpu.memory_space<vmem>> -> memref<64xi32, #tpu.memory_space<vmem>>
      %dma_wait3A_74 = arith.constant 0 : i32
      %dma_wait3A_75 = arith.constant 0 : i32
      %dma_wait3A_76 = tpu.memref_slice %arg2[%dma_wait3A_74, %dma_wait3A_75] : memref<10000x128xf32, #tpu.memory_space<hbm>> -> memref<10000x128xf32, #tpu.memory_space<hbm>>
      tpu.wait_indirect_dma semaphore(%arg16 : memref<!tpu.dma_semaphore, #tpu.memory_space<semaphore_mem>>) src(%dma_wait3A_76 : memref<10000x128xf32, #tpu.memory_space<hbm>>) dst(%arg10 : memref<64x128xf32, #tpu.memory_space<vmem>>)
      %dma_start3A_77 = arith.constant 0 : i32
      %dma_start3A_78 = arith.constant 0 : i32
      %dma_start3A_79 = tpu.memref_slice %arg8[%dma_start3A_77, %dma_start3A_78] : memref<10x64xi32, #tpu.memory_space<vmem>> -> memref<1x64xi32, #tpu.memory_space<vmem>>
      %dma_start3A_80 = tpu.memref_squeeze %dma_start3A_79 : memref<1x64xi32, #tpu.memory_space<vmem>> -> memref<64xi32, #tpu.memory_space<vmem>>
      %dma_start3A_81 = arith.constant 0 : i32
      %dma_start3A_82 = arith.constant 0 : i32
      %dma_start3A_83 = tpu.memref_slice %arg15[%dma_start3A_81, %dma_start3A_82] : memref<10128x128xf32, #tpu.memory_space<vmem_shared>> -> memref<10128x128xf32, #tpu.memory_space<vmem_shared>>
      tpu.enqueue_indirect_dma source(%arg10 : memref<64x128xf32, #tpu.memory_space<vmem>>) target(%dma_start3A_83 : memref<10128x128xf32, #tpu.memory_space<vmem_shared>>) offsets(%dma_start3A_80 : memref<64xi32, #tpu.memory_space<vmem>>) semaphore(%arg21 : memref<!tpu.dma_semaphore, #tpu.memory_space<semaphore_mem>>) {add = true}
      %ge3A = arith.constant 1 : i32
      %ge3A_84 = arith.cmpi sge, %add3A_69, %ge3A : i32
      %convert_element_type3A_85 = arith.extui %ge3A_84 : i1 to i32
      %cond3A_86 = arith.constant 0 : i32
      %cond3A_87 = arith.cmpi ne, %convert_element_type3A_85, %cond3A_86 : i32
      scf.if %cond3A_87 {
        %dma_wait3A_706 = arith.constant 0 : i32
        %dma_wait3A_707 = arith.constant 0 : i32
        %dma_wait3A_708 = tpu.memref_slice %arg8[%dma_wait3A_706, %dma_wait3A_707] : memref<10x64xi32, #tpu.memory_space<vmem>> -> memref<1x64xi32, #tpu.memory_space<vmem>>
        %dma_wait3A_709 = tpu.memref_squeeze %dma_wait3A_708 : memref<1x64xi32, #tpu.memory_space<vmem>> -> memref<64xi32, #tpu.memory_space<vmem>>
        %dma_wait3A_710 = arith.constant 0 : i32
        %dma_wait3A_711 = arith.constant 0 : i32
        %dma_wait3A_712 = tpu.memref_slice %arg15[%dma_wait3A_710, %dma_wait3A_711] : memref<10128x128xf32, #tpu.memory_space<vmem_shared>> -> memref<10128x128xf32, #tpu.memory_space<vmem_shared>>
        tpu.wait_indirect_dma semaphore(%arg25 : memref<!tpu.dma_semaphore, #tpu.memory_space<semaphore_mem>>) src(%arg14 : memref<64x128xf32, #tpu.memory_space<vmem>>) dst(%dma_wait3A_712 : memref<10128x128xf32, #tpu.memory_space<vmem_shared>>)
      } else {
      }
      %lt3A = arith.constant 15 : i32
      %lt3A_88 = arith.cmpi slt, %add3A_65, %lt3A : i32
      %convert_element_type3A_89 = arith.extui %lt3A_88 : i1 to i32
      %cond3A_90 = arith.constant 0 : i32
      %cond3A_91 = arith.cmpi ne, %convert_element_type3A_89, %cond3A_90 : i32
      scf.if %cond3A_91 {
        %add3A_706 = arith.constant 1 : i32
        %add3A_707 = arith.addi %add3A_65, %add3A_706 : i32
        %dma_start3A_708 = arith.constant 0 : i32
        %dma_start3A_709 = arith.constant 0 : i32
        %dma_start3A_710 = arith.constant 0 : i32
        %dma_start3A_711 = arith.constant 0 : i32
        %dma_start3A_712 = tpu.memref_slice %arg3[%scan3A, %dma_start3A_708, %dma_start3A_709, %dma_start3A_710, %dma_start3A_711] : memref<2x32x16x10x64xi32, #tpu.memory_space<hbm>> -> memref<1x32x16x10x64xi32, #tpu.memory_space<hbm>>
        %dma_start3A_713 = tpu.memref_squeeze %dma_start3A_712 : memref<1x32x16x10x64xi32, #tpu.memory_space<hbm>> -> memref<32x16x10x64xi32, #tpu.memory_space<hbm>>
        %dma_start3A_714 = arith.constant 0 : i32
        %dma_start3A_715 = arith.constant 0 : i32
        %dma_start3A_716 = arith.constant 0 : i32
        %dma_start3A_717 = tpu.memref_slice %dma_start3A_713[%add3A, %dma_start3A_714, %dma_start3A_715, %dma_start3A_716] : memref<32x16x10x64xi32, #tpu.memory_space<hbm>> -> memref<1x16x10x64xi32, #tpu.memory_space<hbm>>
        %dma_start3A_718 = tpu.memref_squeeze %dma_start3A_717 : memref<1x16x10x64xi32, #tpu.memory_space<hbm>> -> memref<16x10x64xi32, #tpu.memory_space<hbm>>
        %dma_start3A_719 = arith.constant 0 : i32
        %dma_start3A_720 = arith.constant 0 : i32
        %dma_start3A_721 = tpu.memref_slice %dma_start3A_718[%add3A_707, %dma_start3A_719, %dma_start3A_720] : memref<16x10x64xi32, #tpu.memory_space<hbm>> -> memref<1x10x64xi32, #tpu.memory_space<hbm>>
        %dma_start3A_722 = tpu.memref_squeeze %dma_start3A_721 : memref<1x10x64xi32, #tpu.memory_space<hbm>> -> memref<10x64xi32, #tpu.memory_space<hbm>>
        %dma_start3A_723 = arith.constant 0 : i32
        %dma_start3A_724 = arith.constant 0 : i32
        %dma_start3A_725 = arith.constant 0 : i32
        %dma_start3A_726 = arith.constant 0 : i32
        %dma_start3A_727 = tpu.memref_slice %arg3[%scan3A, %dma_start3A_723, %dma_start3A_724, %dma_start3A_725, %dma_start3A_726] : memref<2x32x16x10x64xi32, #tpu.memory_space<hbm>> -> memref<1x32x16x10x64xi32, #tpu.memory_space<hbm>>
        %dma_start3A_728 = tpu.memref_squeeze %dma_start3A_727 : memref<1x32x16x10x64xi32, #tpu.memory_space<hbm>> -> memref<32x16x10x64xi32, #tpu.memory_space<hbm>>
        %dma_start3A_729 = arith.constant 0 : i32
        %dma_start3A_730 = arith.constant 0 : i32
        %dma_start3A_731 = arith.constant 0 : i32
        %dma_start3A_732 = tpu.memref_slice %dma_start3A_728[%add3A, %dma_start3A_729, %dma_start3A_730, %dma_start3A_731] : memref<32x16x10x64xi32, #tpu.memory_space<hbm>> -> memref<1x16x10x64xi32, #tpu.memory_space<hbm>>
        %dma_start3A_733 = tpu.memref_squeeze %dma_start3A_732 : memref<1x16x10x64xi32, #tpu.memory_space<hbm>> -> memref<16x10x64xi32, #tpu.memory_space<hbm>>
        %dma_start3A_734 = arith.constant 0 : i32
        %dma_start3A_735 = arith.constant 0 : i32
        %dma_start3A_736 = tpu.memref_slice %dma_start3A_733[%add3A_707, %dma_start3A_734, %dma_start3A_735] : memref<16x10x64xi32, #tpu.memory_space<hbm>> -> memref<1x10x64xi32, #tpu.memory_space<hbm>>
        %dma_start3A_737 = tpu.memref_squeeze %dma_start3A_736 : memref<1x10x64xi32, #tpu.memory_space<hbm>> -> memref<10x64xi32, #tpu.memory_space<hbm>>
        tpu.enqueue_dma source(%dma_start3A_737 : memref<10x64xi32, #tpu.memory_space<hbm>>) target(%arg7 : memref<10x64xi32, #tpu.memory_space<vmem>>) target_semaphore(%arg27 : memref<!tpu.dma_semaphore, #tpu.memory_space<semaphore_mem>>)
        %add3A_738 = arith.constant 1 : i32
        %add3A_739 = arith.addi %add3A_65, %add3A_738 : i32
        %dma_start3A_740 = arith.constant 0 : i32
        %dma_start3A_741 = arith.constant 0 : i32
        %dma_start3A_742 = arith.constant 0 : i32
        %dma_start3A_743 = arith.constant 0 : i32
        %dma_start3A_744 = tpu.memref_slice %arg3[%scan3A_37, %dma_start3A_740, %dma_start3A_741, %dma_start3A_742, %dma_start3A_743] : memref<2x32x16x10x64xi32, #tpu.memory_space<hbm>> -> memref<1x32x16x10x64xi32, #tpu.memory_space<hbm>>
        %dma_start3A_745 = tpu.memref_squeeze %dma_start3A_744 : memref<1x32x16x10x64xi32, #tpu.memory_space<hbm>> -> memref<32x16x10x64xi32, #tpu.memory_space<hbm>>
        %dma_start3A_746 = arith.constant 0 : i32
        %dma_start3A_747 = arith.constant 0 : i32
        %dma_start3A_748 = arith.constant 0 : i32
        %dma_start3A_749 = tpu.memref_slice %dma_start3A_745[%add3A, %dma_start3A_746, %dma_start3A_747, %dma_start3A_748] : memref<32x16x10x64xi32, #tpu.memory_space<hbm>> -> memref<1x16x10x64xi32, #tpu.memory_space<hbm>>
        %dma_start3A_750 = tpu.memref_squeeze %dma_start3A_749 : memref<1x16x10x64xi32, #tpu.memory_space<hbm>> -> memref<16x10x64xi32, #tpu.memory_space<hbm>>
        %dma_start3A_751 = arith.constant 0 : i32
        %dma_start3A_752 = arith.constant 0 : i32
        %dma_start3A_753 = tpu.memref_slice %dma_start3A_750[%add3A_739, %dma_start3A_751, %dma_start3A_752] : memref<16x10x64xi32, #tpu.memory_space<hbm>> -> memref<1x10x64xi32, #tpu.memory_space<hbm>>
        %dma_start3A_754 = tpu.memref_squeeze %dma_start3A_753 : memref<1x10x64xi32, #tpu.memory_space<hbm>> -> memref<10x64xi32, #tpu.memory_space<hbm>>
        %dma_start3A_755 = arith.constant 0 : i32
        %dma_start3A_756 = arith.constant 0 : i32
        %dma_start3A_757 = arith.constant 0 : i32
        %dma_start3A_758 = arith.constant 0 : i32
        %dma_start3A_759 = tpu.memref_slice %arg3[%scan3A_37, %dma_start3A_755, %dma_start3A_756, %dma_start3A_757, %dma_start3A_758] : memref<2x32x16x10x64xi32, #tpu.memory_space<hbm>> -> memref<1x32x16x10x64xi32, #tpu.memory_space<hbm>>
        %dma_start3A_760 = tpu.memref_squeeze %dma_start3A_759 : memref<1x32x16x10x64xi32, #tpu.memory_space<hbm>> -> memref<32x16x10x64xi32, #tpu.memory_space<hbm>>
        %dma_start3A_761 = arith.constant 0 : i32
        %dma_start3A_762 = arith.constant 0 : i32
        %dma_start3A_763 = arith.constant 0 : i32
        %dma_start3A_764 = tpu.memref_slice %dma_start3A_760[%add3A, %dma_start3A_761, %dma_start3A_762, %dma_start3A_763] : memref<32x16x10x64xi32, #tpu.memory_space<hbm>> -> memref<1x16x10x64xi32, #tpu.memory_space<hbm>>
        %dma_start3A_765 = tpu.memref_squeeze %dma_start3A_764 : memref<1x16x10x64xi32, #tpu.memory_space<hbm>> -> memref<16x10x64xi32, #tpu.memory_space<hbm>>
        %dma_start3A_766 = arith.constant 0 : i32
        %dma_start3A_767 = arith.constant 0 : i32
        %dma_start3A_768 = tpu.memref_slice %dma_start3A_765[%add3A_739, %dma_start3A_766, %dma_start3A_767] : memref<16x10x64xi32, #tpu.memory_space<hbm>> -> memref<1x10x64xi32, #tpu.memory_space<hbm>>
        %dma_start3A_769 = tpu.memref_squeeze %dma_start3A_768 : memref<1x10x64xi32, #tpu.memory_space<hbm>> -> memref<10x64xi32, #tpu.memory_space<hbm>>
        tpu.enqueue_dma source(%dma_start3A_769 : memref<10x64xi32, #tpu.memory_space<hbm>>) target(%arg9 : memref<10x64xi32, #tpu.memory_space<vmem>>) target_semaphore(%arg27 : memref<!tpu.dma_semaphore, #tpu.memory_space<semaphore_mem>>)
      } else {
      }
      %dma_start3A_92 = arith.constant 4 : i32
      %dma_start3A_93 = arith.constant 0 : i32
      %dma_start3A_94 = tpu.memref_slice %arg6[%dma_start3A_92, %dma_start3A_93] : memref<10x64xi32, #tpu.memory_space<vmem>> -> memref<1x64xi32, #tpu.memory_space<vmem>>
      %dma_start3A_95 = tpu.memref_squeeze %dma_start3A_94 : memref<1x64xi32, #tpu.memory_space<vmem>> -> memref<64xi32, #tpu.memory_space<vmem>>
      %dma_start3A_96 = arith.constant 0 : i32
      %dma_start3A_97 = arith.constant 0 : i32
      %dma_start3A_98 = tpu.memref_slice %arg2[%dma_start3A_96, %dma_start3A_97] : memref<10000x128xf32, #tpu.memory_space<hbm>> -> memref<10000x128xf32, #tpu.memory_space<hbm>>
      tpu.enqueue_indirect_dma source(%dma_start3A_98 : memref<10000x128xf32, #tpu.memory_space<hbm>>) target(%arg14 : memref<64x128xf32, #tpu.memory_space<vmem>>) offsets(%dma_start3A_95 : memref<64xi32, #tpu.memory_space<vmem>>) semaphore(%arg20 : memref<!tpu.dma_semaphore, #tpu.memory_space<semaphore_mem>>)
      %mul3A_99 = arith.constant 10 : i32
      %mul3A_100 = arith.muli %add3A_65, %mul3A_99 : i32
      %add3A_101 = arith.constant 1 : i32
      %add3A_102 = arith.addi %mul3A_100, %add3A_101 : i32
      %dma_wait3A_103 = arith.constant 1 : i32
      %dma_wait3A_104 = arith.constant 0 : i32
      %dma_wait3A_105 = tpu.memref_slice %arg6[%dma_wait3A_103, %dma_wait3A_104] : memref<10x64xi32, #tpu.memory_space<vmem>> -> memref<1x64xi32, #tpu.memory_space<vmem>>
      %dma_wait3A_106 = tpu.memref_squeeze %dma_wait3A_105 : memref<1x64xi32, #tpu.memory_space<vmem>> -> memref<64xi32, #tpu.memory_space<vmem>>
      %dma_wait3A_107 = arith.constant 0 : i32
      %dma_wait3A_108 = arith.constant 0 : i32
      %dma_wait3A_109 = tpu.memref_slice %arg2[%dma_wait3A_107, %dma_wait3A_108] : memref<10000x128xf32, #tpu.memory_space<hbm>> -> memref<10000x128xf32, #tpu.memory_space<hbm>>
      tpu.wait_indirect_dma semaphore(%arg17 : memref<!tpu.dma_semaphore, #tpu.memory_space<semaphore_mem>>) src(%dma_wait3A_109 : memref<10000x128xf32, #tpu.memory_space<hbm>>) dst(%arg11 : memref<64x128xf32, #tpu.memory_space<vmem>>)
      %dma_start3A_110 = arith.constant 1 : i32
      %dma_start3A_111 = arith.constant 0 : i32
      %dma_start3A_112 = tpu.memref_slice %arg8[%dma_start3A_110, %dma_start3A_111] : memref<10x64xi32, #tpu.memory_space<vmem>> -> memref<1x64xi32, #tpu.memory_space<vmem>>
      %dma_start3A_113 = tpu.memref_squeeze %dma_start3A_112 : memref<1x64xi32, #tpu.memory_space<vmem>> -> memref<64xi32, #tpu.memory_space<vmem>>
      %dma_start3A_114 = arith.constant 0 : i32
      %dma_start3A_115 = arith.constant 0 : i32
      %dma_start3A_116 = tpu.memref_slice %arg15[%dma_start3A_114, %dma_start3A_115] : memref<10128x128xf32, #tpu.memory_space<vmem_shared>> -> memref<10128x128xf32, #tpu.memory_space<vmem_shared>>
      tpu.enqueue_indirect_dma source(%arg11 : memref<64x128xf32, #tpu.memory_space<vmem>>) target(%dma_start3A_116 : memref<10128x128xf32, #tpu.memory_space<vmem_shared>>) offsets(%dma_start3A_113 : memref<64xi32, #tpu.memory_space<vmem>>) semaphore(%arg22 : memref<!tpu.dma_semaphore, #tpu.memory_space<semaphore_mem>>) {add = true}
      %dma_wait3A_117 = arith.constant 1 : i32
      %dma_wait3A_118 = arith.constant 0 : i32
      %dma_wait3A_119 = tpu.memref_slice %arg8[%dma_wait3A_117, %dma_wait3A_118] : memref<10x64xi32, #tpu.memory_space<vmem>> -> memref<1x64xi32, #tpu.memory_space<vmem>>
      %dma_wait3A_120 = tpu.memref_squeeze %dma_wait3A_119 : memref<1x64xi32, #tpu.memory_space<vmem>> -> memref<64xi32, #tpu.memory_space<vmem>>
      %dma_wait3A_121 = arith.constant 0 : i32
      %dma_wait3A_122 = arith.constant 0 : i32
      %dma_wait3A_123 = tpu.memref_slice %arg15[%dma_wait3A_121, %dma_wait3A_122] : memref<10128x128xf32, #tpu.memory_space<vmem_shared>> -> memref<10128x128xf32, #tpu.memory_space<vmem_shared>>
      tpu.wait_indirect_dma semaphore(%arg21 : memref<!tpu.dma_semaphore, #tpu.memory_space<semaphore_mem>>) src(%arg10 : memref<64x128xf32, #tpu.memory_space<vmem>>) dst(%dma_wait3A_123 : memref<10128x128xf32, #tpu.memory_space<vmem_shared>>)
      %dma_start3A_124 = arith.constant 5 : i32
      %dma_start3A_125 = arith.constant 0 : i32
      %dma_start3A_126 = tpu.memref_slice %arg6[%dma_start3A_124, %dma_start3A_125] : memref<10x64xi32, #tpu.memory_space<vmem>> -> memref<1x64xi32, #tpu.memory_space<vmem>>
      %dma_start3A_127 = tpu.memref_squeeze %dma_start3A_126 : memref<1x64xi32, #tpu.memory_space<vmem>> -> memref<64xi32, #tpu.memory_space<vmem>>
      %dma_start3A_128 = arith.constant 0 : i32
      %dma_start3A_129 = arith.constant 0 : i32
      %dma_start3A_130 = tpu.memref_slice %arg2[%dma_start3A_128, %dma_start3A_129] : memref<10000x128xf32, #tpu.memory_space<hbm>> -> memref<10000x128xf32, #tpu.memory_space<hbm>>
      tpu.enqueue_indirect_dma source(%dma_start3A_130 : memref<10000x128xf32, #tpu.memory_space<hbm>>) target(%arg10 : memref<64x128xf32, #tpu.memory_space<vmem>>) offsets(%dma_start3A_127 : memref<64xi32, #tpu.memory_space<vmem>>) semaphore(%arg16 : memref<!tpu.dma_semaphore, #tpu.memory_space<semaphore_mem>>)
      %mul3A_131 = arith.constant 10 : i32
      %mul3A_132 = arith.muli %add3A_65, %mul3A_131 : i32
      %add3A_133 = arith.constant 2 : i32
      %add3A_134 = arith.addi %mul3A_132, %add3A_133 : i32
      %dma_wait3A_135 = arith.constant 2 : i32
      %dma_wait3A_136 = arith.constant 0 : i32
      %dma_wait3A_137 = tpu.memref_slice %arg6[%dma_wait3A_135, %dma_wait3A_136] : memref<10x64xi32, #tpu.memory_space<vmem>> -> memref<1x64xi32, #tpu.memory_space<vmem>>
      %dma_wait3A_138 = tpu.memref_squeeze %dma_wait3A_137 : memref<1x64xi32, #tpu.memory_space<vmem>> -> memref<64xi32, #tpu.memory_space<vmem>>
      %dma_wait3A_139 = arith.constant 0 : i32
      %dma_wait3A_140 = arith.constant 0 : i32
      %dma_wait3A_141 = tpu.memref_slice %arg2[%dma_wait3A_139, %dma_wait3A_140] : memref<10000x128xf32, #tpu.memory_space<hbm>> -> memref<10000x128xf32, #tpu.memory_space<hbm>>
      tpu.wait_indirect_dma semaphore(%arg18 : memref<!tpu.dma_semaphore, #tpu.memory_space<semaphore_mem>>) src(%dma_wait3A_141 : memref<10000x128xf32, #tpu.memory_space<hbm>>) dst(%arg12 : memref<64x128xf32, #tpu.memory_space<vmem>>)
      %dma_start3A_142 = arith.constant 2 : i32
      %dma_start3A_143 = arith.constant 0 : i32
      %dma_start3A_144 = tpu.memref_slice %arg8[%dma_start3A_142, %dma_start3A_143] : memref<10x64xi32, #tpu.memory_space<vmem>> -> memref<1x64xi32, #tpu.memory_space<vmem>>
      %dma_start3A_145 = tpu.memref_squeeze %dma_start3A_144 : memref<1x64xi32, #tpu.memory_space<vmem>> -> memref<64xi32, #tpu.memory_space<vmem>>
      %dma_start3A_146 = arith.constant 0 : i32
      %dma_start3A_147 = arith.constant 0 : i32
      %dma_start3A_148 = tpu.memref_slice %arg15[%dma_start3A_146, %dma_start3A_147] : memref<10128x128xf32, #tpu.memory_space<vmem_shared>> -> memref<10128x128xf32, #tpu.memory_space<vmem_shared>>
      tpu.enqueue_indirect_dma source(%arg12 : memref<64x128xf32, #tpu.memory_space<vmem>>) target(%dma_start3A_148 : memref<10128x128xf32, #tpu.memory_space<vmem_shared>>) offsets(%dma_start3A_145 : memref<64xi32, #tpu.memory_space<vmem>>) semaphore(%arg23 : memref<!tpu.dma_semaphore, #tpu.memory_space<semaphore_mem>>) {add = true}
      %dma_wait3A_149 = arith.constant 2 : i32
      %dma_wait3A_150 = arith.constant 0 : i32
      %dma_wait3A_151 = tpu.memref_slice %arg8[%dma_wait3A_149, %dma_wait3A_150] : memref<10x64xi32, #tpu.memory_space<vmem>> -> memref<1x64xi32, #tpu.memory_space<vmem>>
      %dma_wait3A_152 = tpu.memref_squeeze %dma_wait3A_151 : memref<1x64xi32, #tpu.memory_space<vmem>> -> memref<64xi32, #tpu.memory_space<vmem>>
      %dma_wait3A_153 = arith.constant 0 : i32
      %dma_wait3A_154 = arith.constant 0 : i32
      %dma_wait3A_155 = tpu.memref_slice %arg15[%dma_wait3A_153, %dma_wait3A_154] : memref<10128x128xf32, #tpu.memory_space<vmem_shared>> -> memref<10128x128xf32, #tpu.memory_space<vmem_shared>>
      tpu.wait_indirect_dma semaphore(%arg22 : memref<!tpu.dma_semaphore, #tpu.memory_space<semaphore_mem>>) src(%arg11 : memref<64x128xf32, #tpu.memory_space<vmem>>) dst(%dma_wait3A_155 : memref<10128x128xf32, #tpu.memory_space<vmem_shared>>)
      %dma_start3A_156 = arith.constant 6 : i32
      %dma_start3A_157 = arith.constant 0 : i32
      %dma_start3A_158 = tpu.memref_slice %arg6[%dma_start3A_156, %dma_start3A_157] : memref<10x64xi32, #tpu.memory_space<vmem>> -> memref<1x64xi32, #tpu.memory_space<vmem>>
      %dma_start3A_159 = tpu.memref_squeeze %dma_start3A_158 : memref<1x64xi32, #tpu.memory_space<vmem>> -> memref<64xi32, #tpu.memory_space<vmem>>
      %dma_start3A_160 = arith.constant 0 : i32
      %dma_start3A_161 = arith.constant 0 : i32
      %dma_start3A_162 = tpu.memref_slice %arg2[%dma_start3A_160, %dma_start3A_161] : memref<10000x128xf32, #tpu.memory_space<hbm>> -> memref<10000x128xf32, #tpu.memory_space<hbm>>
      tpu.enqueue_indirect_dma source(%dma_start3A_162 : memref<10000x128xf32, #tpu.memory_space<hbm>>) target(%arg11 : memref<64x128xf32, #tpu.memory_space<vmem>>) offsets(%dma_start3A_159 : memref<64xi32, #tpu.memory_space<vmem>>) semaphore(%arg17 : memref<!tpu.dma_semaphore, #tpu.memory_space<semaphore_mem>>)
      %mul3A_163 = arith.constant 10 : i32
      %mul3A_164 = arith.muli %add3A_65, %mul3A_163 : i32
      %add3A_165 = arith.constant 3 : i32
      %add3A_166 = arith.addi %mul3A_164, %add3A_165 : i32
      %dma_wait3A_167 = arith.constant 3 : i32
      %dma_wait3A_168 = arith.constant 0 : i32
      %dma_wait3A_169 = tpu.memref_slice %arg6[%dma_wait3A_167, %dma_wait3A_168] : memref<10x64xi32, #tpu.memory_space<vmem>> -> memref<1x64xi32, #tpu.memory_space<vmem>>
      %dma_wait3A_170 = tpu.memref_squeeze %dma_wait3A_169 : memref<1x64xi32, #tpu.memory_space<vmem>> -> memref<64xi32, #tpu.memory_space<vmem>>
      %dma_wait3A_171 = arith.constant 0 : i32
      %dma_wait3A_172 = arith.constant 0 : i32
      %dma_wait3A_173 = tpu.memref_slice %arg2[%dma_wait3A_171, %dma_wait3A_172] : memref<10000x128xf32, #tpu.memory_space<hbm>> -> memref<10000x128xf32, #tpu.memory_space<hbm>>
      tpu.wait_indirect_dma semaphore(%arg19 : memref<!tpu.dma_semaphore, #tpu.memory_space<semaphore_mem>>) src(%dma_wait3A_173 : memref<10000x128xf32, #tpu.memory_space<hbm>>) dst(%arg13 : memref<64x128xf32, #tpu.memory_space<vmem>>)
      %dma_start3A_174 = arith.constant 3 : i32
      %dma_start3A_175 = arith.constant 0 : i32
      %dma_start3A_176 = tpu.memref_slice %arg8[%dma_start3A_174, %dma_start3A_175] : memref<10x64xi32, #tpu.memory_space<vmem>> -> memref<1x64xi32, #tpu.memory_space<vmem>>
      %dma_start3A_177 = tpu.memref_squeeze %dma_start3A_176 : memref<1x64xi32, #tpu.memory_space<vmem>> -> memref<64xi32, #tpu.memory_space<vmem>>
      %dma_start3A_178 = arith.constant 0 : i32
      %dma_start3A_179 = arith.constant 0 : i32
      %dma_start3A_180 = tpu.memref_slice %arg15[%dma_start3A_178, %dma_start3A_179] : memref<10128x128xf32, #tpu.memory_space<vmem_shared>> -> memref<10128x128xf32, #tpu.memory_space<vmem_shared>>
      tpu.enqueue_indirect_dma source(%arg13 : memref<64x128xf32, #tpu.memory_space<vmem>>) target(%dma_start3A_180 : memref<10128x128xf32, #tpu.memory_space<vmem_shared>>) offsets(%dma_start3A_177 : memref<64xi32, #tpu.memory_space<vmem>>) semaphore(%arg24 : memref<!tpu.dma_semaphore, #tpu.memory_space<semaphore_mem>>) {add = true}
      %dma_wait3A_181 = arith.constant 3 : i32
      %dma_wait3A_182 = arith.constant 0 : i32
      %dma_wait3A_183 = tpu.memref_slice %arg8[%dma_wait3A_181, %dma_wait3A_182] : memref<10x64xi32, #tpu.memory_space<vmem>> -> memref<1x64xi32, #tpu.memory_space<vmem>>
      %dma_wait3A_184 = tpu.memref_squeeze %dma_wait3A_183 : memref<1x64xi32, #tpu.memory_space<vmem>> -> memref<64xi32, #tpu.memory_space<vmem>>
      %dma_wait3A_185 = arith.constant 0 : i32
      %dma_wait3A_186 = arith.constant 0 : i32
      %dma_wait3A_187 = tpu.memref_slice %arg15[%dma_wait3A_185, %dma_wait3A_186] : memref<10128x128xf32, #tpu.memory_space<vmem_shared>> -> memref<10128x128xf32, #tpu.memory_space<vmem_shared>>
      tpu.wait_indirect_dma semaphore(%arg23 : memref<!tpu.dma_semaphore, #tpu.memory_space<semaphore_mem>>) src(%arg12 : memref<64x128xf32, #tpu.memory_space<vmem>>) dst(%dma_wait3A_187 : memref<10128x128xf32, #tpu.memory_space<vmem_shared>>)
      %dma_start3A_188 = arith.constant 7 : i32
      %dma_start3A_189 = arith.constant 0 : i32
      %dma_start3A_190 = tpu.memref_slice %arg6[%dma_start3A_188, %dma_start3A_189] : memref<10x64xi32, #tpu.memory_space<vmem>> -> memref<1x64xi32, #tpu.memory_space<vmem>>
      %dma_start3A_191 = tpu.memref_squeeze %dma_start3A_190 : memref<1x64xi32, #tpu.memory_space<vmem>> -> memref<64xi32, #tpu.memory_space<vmem>>
      %dma_start3A_192 = arith.constant 0 : i32
      %dma_start3A_193 = arith.constant 0 : i32
      %dma_start3A_194 = tpu.memref_slice %arg2[%dma_start3A_192, %dma_start3A_193] : memref<10000x128xf32, #tpu.memory_space<hbm>> -> memref<10000x128xf32, #tpu.memory_space<hbm>>
      tpu.enqueue_indirect_dma source(%dma_start3A_194 : memref<10000x128xf32, #tpu.memory_space<hbm>>) target(%arg12 : memref<64x128xf32, #tpu.memory_space<vmem>>) offsets(%dma_start3A_191 : memref<64xi32, #tpu.memory_space<vmem>>) semaphore(%arg18 : memref<!tpu.dma_semaphore, #tpu.memory_space<semaphore_mem>>)
      %mul3A_195 = arith.constant 10 : i32
      %mul3A_196 = arith.muli %add3A_65, %mul3A_195 : i32
      %add3A_197 = arith.constant 4 : i32
      %add3A_198 = arith.addi %mul3A_196, %add3A_197 : i32
      %dma_wait3A_199 = arith.constant 4 : i32
      %dma_wait3A_200 = arith.constant 0 : i32
      %dma_wait3A_201 = tpu.memref_slice %arg6[%dma_wait3A_199, %dma_wait3A_200] : memref<10x64xi32, #tpu.memory_space<vmem>> -> memref<1x64xi32, #tpu.memory_space<vmem>>
      %dma_wait3A_202 = tpu.memref_squeeze %dma_wait3A_201 : memref<1x64xi32, #tpu.memory_space<vmem>> -> memref<64xi32, #tpu.memory_space<vmem>>
      %dma_wait3A_203 = arith.constant 0 : i32
      %dma_wait3A_204 = arith.constant 0 : i32
      %dma_wait3A_205 = tpu.memref_slice %arg2[%dma_wait3A_203, %dma_wait3A_204] : memref<10000x128xf32, #tpu.memory_space<hbm>> -> memref<10000x128xf32, #tpu.memory_space<hbm>>
      tpu.wait_indirect_dma semaphore(%arg20 : memref<!tpu.dma_semaphore, #tpu.memory_space<semaphore_mem>>) src(%dma_wait3A_205 : memref<10000x128xf32, #tpu.memory_space<hbm>>) dst(%arg14 : memref<64x128xf32, #tpu.memory_space<vmem>>)
      %dma_start3A_206 = arith.constant 4 : i32
      %dma_start3A_207 = arith.constant 0 : i32
      %dma_start3A_208 = tpu.memref_slice %arg8[%dma_start3A_206, %dma_start3A_207] : memref<10x64xi32, #tpu.memory_space<vmem>> -> memref<1x64xi32, #tpu.memory_space<vmem>>
      %dma_start3A_209 = tpu.memref_squeeze %dma_start3A_208 : memref<1x64xi32, #tpu.memory_space<vmem>> -> memref<64xi32, #tpu.memory_space<vmem>>
      %dma_start3A_210 = arith.constant 0 : i32
      %dma_start3A_211 = arith.constant 0 : i32
      %dma_start3A_212 = tpu.memref_slice %arg15[%dma_start3A_210, %dma_start3A_211] : memref<10128x128xf32, #tpu.memory_space<vmem_shared>> -> memref<10128x128xf32, #tpu.memory_space<vmem_shared>>
      tpu.enqueue_indirect_dma source(%arg14 : memref<64x128xf32, #tpu.memory_space<vmem>>) target(%dma_start3A_212 : memref<10128x128xf32, #tpu.memory_space<vmem_shared>>) offsets(%dma_start3A_209 : memref<64xi32, #tpu.memory_space<vmem>>) semaphore(%arg25 : memref<!tpu.dma_semaphore, #tpu.memory_space<semaphore_mem>>) {add = true}
      %dma_wait3A_213 = arith.constant 4 : i32
      %dma_wait3A_214 = arith.constant 0 : i32
      %dma_wait3A_215 = tpu.memref_slice %arg8[%dma_wait3A_213, %dma_wait3A_214] : memref<10x64xi32, #tpu.memory_space<vmem>> -> memref<1x64xi32, #tpu.memory_space<vmem>>
      %dma_wait3A_216 = tpu.memref_squeeze %dma_wait3A_215 : memref<1x64xi32, #tpu.memory_space<vmem>> -> memref<64xi32, #tpu.memory_space<vmem>>
      %dma_wait3A_217 = arith.constant 0 : i32
      %dma_wait3A_218 = arith.constant 0 : i32
      %dma_wait3A_219 = tpu.memref_slice %arg15[%dma_wait3A_217, %dma_wait3A_218] : memref<10128x128xf32, #tpu.memory_space<vmem_shared>> -> memref<10128x128xf32, #tpu.memory_space<vmem_shared>>
      tpu.wait_indirect_dma semaphore(%arg24 : memref<!tpu.dma_semaphore, #tpu.memory_space<semaphore_mem>>) src(%arg13 : memref<64x128xf32, #tpu.memory_space<vmem>>) dst(%dma_wait3A_219 : memref<10128x128xf32, #tpu.memory_space<vmem_shared>>)
      %dma_start3A_220 = arith.constant 8 : i32
      %dma_start3A_221 = arith.constant 0 : i32
      %dma_start3A_222 = tpu.memref_slice %arg6[%dma_start3A_220, %dma_start3A_221] : memref<10x64xi32, #tpu.memory_space<vmem>> -> memref<1x64xi32, #tpu.memory_space<vmem>>
      %dma_start3A_223 = tpu.memref_squeeze %dma_start3A_222 : memref<1x64xi32, #tpu.memory_space<vmem>> -> memref<64xi32, #tpu.memory_space<vmem>>
      %dma_start3A_224 = arith.constant 0 : i32
      %dma_start3A_225 = arith.constant 0 : i32
      %dma_start3A_226 = tpu.memref_slice %arg2[%dma_start3A_224, %dma_start3A_225] : memref<10000x128xf32, #tpu.memory_space<hbm>> -> memref<10000x128xf32, #tpu.memory_space<hbm>>
      tpu.enqueue_indirect_dma source(%dma_start3A_226 : memref<10000x128xf32, #tpu.memory_space<hbm>>) target(%arg13 : memref<64x128xf32, #tpu.memory_space<vmem>>) offsets(%dma_start3A_223 : memref<64xi32, #tpu.memory_space<vmem>>) semaphore(%arg19 : memref<!tpu.dma_semaphore, #tpu.memory_space<semaphore_mem>>)
      %mul3A_227 = arith.constant 10 : i32
      %mul3A_228 = arith.muli %add3A_65, %mul3A_227 : i32
      %add3A_229 = arith.constant 5 : i32
      %add3A_230 = arith.addi %mul3A_228, %add3A_229 : i32
      %dma_wait3A_231 = arith.constant 5 : i32
      %dma_wait3A_232 = arith.constant 0 : i32
      %dma_wait3A_233 = tpu.memref_slice %arg6[%dma_wait3A_231, %dma_wait3A_232] : memref<10x64xi32, #tpu.memory_space<vmem>> -> memref<1x64xi32, #tpu.memory_space<vmem>>
      %dma_wait3A_234 = tpu.memref_squeeze %dma_wait3A_233 : memref<1x64xi32, #tpu.memory_space<vmem>> -> memref<64xi32, #tpu.memory_space<vmem>>
      %dma_wait3A_235 = arith.constant 0 : i32
      %dma_wait3A_236 = arith.constant 0 : i32
      %dma_wait3A_237 = tpu.memref_slice %arg2[%dma_wait3A_235, %dma_wait3A_236] : memref<10000x128xf32, #tpu.memory_space<hbm>> -> memref<10000x128xf32, #tpu.memory_space<hbm>>
      tpu.wait_indirect_dma semaphore(%arg16 : memref<!tpu.dma_semaphore, #tpu.memory_space<semaphore_mem>>) src(%dma_wait3A_237 : memref<10000x128xf32, #tpu.memory_space<hbm>>) dst(%arg10 : memref<64x128xf32, #tpu.memory_space<vmem>>)
      %dma_start3A_238 = arith.constant 5 : i32
      %dma_start3A_239 = arith.constant 0 : i32
      %dma_start3A_240 = tpu.memref_slice %arg8[%dma_start3A_238, %dma_start3A_239] : memref<10x64xi32, #tpu.memory_space<vmem>> -> memref<1x64xi32, #tpu.memory_space<vmem>>
      %dma_start3A_241 = tpu.memref_squeeze %dma_start3A_240 : memref<1x64xi32, #tpu.memory_space<vmem>> -> memref<64xi32, #tpu.memory_space<vmem>>
      %dma_start3A_242 = arith.constant 0 : i32
      %dma_start3A_243 = arith.constant 0 : i32
      %dma_start3A_244 = tpu.memref_slice %arg15[%dma_start3A_242, %dma_start3A_243] : memref<10128x128xf32, #tpu.memory_space<vmem_shared>> -> memref<10128x128xf32, #tpu.memory_space<vmem_shared>>
      tpu.enqueue_indirect_dma source(%arg10 : memref<64x128xf32, #tpu.memory_space<vmem>>) target(%dma_start3A_244 : memref<10128x128xf32, #tpu.memory_space<vmem_shared>>) offsets(%dma_start3A_241 : memref<64xi32, #tpu.memory_space<vmem>>) semaphore(%arg21 : memref<!tpu.dma_semaphore, #tpu.memory_space<semaphore_mem>>) {add = true}
      %dma_wait3A_245 = arith.constant 5 : i32
      %dma_wait3A_246 = arith.constant 0 : i32
      %dma_wait3A_247 = tpu.memref_slice %arg8[%dma_wait3A_245, %dma_wait3A_246] : memref<10x64xi32, #tpu.memory_space<vmem>> -> memref<1x64xi32, #tpu.memory_space<vmem>>
      %dma_wait3A_248 = tpu.memref_squeeze %dma_wait3A_247 : memref<1x64xi32, #tpu.memory_space<vmem>> -> memref<64xi32, #tpu.memory_space<vmem>>
      %dma_wait3A_249 = arith.constant 0 : i32
      %dma_wait3A_250 = arith.constant 0 : i32
      %dma_wait3A_251 = tpu.memref_slice %arg15[%dma_wait3A_249, %dma_wait3A_250] : memref<10128x128xf32, #tpu.memory_space<vmem_shared>> -> memref<10128x128xf32, #tpu.memory_space<vmem_shared>>
      tpu.wait_indirect_dma semaphore(%arg25 : memref<!tpu.dma_semaphore, #tpu.memory_space<semaphore_mem>>) src(%arg14 : memref<64x128xf32, #tpu.memory_space<vmem>>) dst(%dma_wait3A_251 : memref<10128x128xf32, #tpu.memory_space<vmem_shared>>)
      %dma_start3A_252 = arith.constant 9 : i32
      %dma_start3A_253 = arith.constant 0 : i32
      %dma_start3A_254 = tpu.memref_slice %arg6[%dma_start3A_252, %dma_start3A_253] : memref<10x64xi32, #tpu.memory_space<vmem>> -> memref<1x64xi32, #tpu.memory_space<vmem>>
      %dma_start3A_255 = tpu.memref_squeeze %dma_start3A_254 : memref<1x64xi32, #tpu.memory_space<vmem>> -> memref<64xi32, #tpu.memory_space<vmem>>
      %dma_start3A_256 = arith.constant 0 : i32
      %dma_start3A_257 = arith.constant 0 : i32
      %dma_start3A_258 = tpu.memref_slice %arg2[%dma_start3A_256, %dma_start3A_257] : memref<10000x128xf32, #tpu.memory_space<hbm>> -> memref<10000x128xf32, #tpu.memory_space<hbm>>
      tpu.enqueue_indirect_dma source(%dma_start3A_258 : memref<10000x128xf32, #tpu.memory_space<hbm>>) target(%arg14 : memref<64x128xf32, #tpu.memory_space<vmem>>) offsets(%dma_start3A_255 : memref<64xi32, #tpu.memory_space<vmem>>) semaphore(%arg20 : memref<!tpu.dma_semaphore, #tpu.memory_space<semaphore_mem>>)
      %mul3A_259 = arith.constant 10 : i32
      %mul3A_260 = arith.muli %add3A_65, %mul3A_259 : i32
      %add3A_261 = arith.constant 6 : i32
      %add3A_262 = arith.addi %mul3A_260, %add3A_261 : i32
      %dma_wait3A_263 = arith.constant 6 : i32
      %dma_wait3A_264 = arith.constant 0 : i32
      %dma_wait3A_265 = tpu.memref_slice %arg6[%dma_wait3A_263, %dma_wait3A_264] : memref<10x64xi32, #tpu.memory_space<vmem>> -> memref<1x64xi32, #tpu.memory_space<vmem>>
      %dma_wait3A_266 = tpu.memref_squeeze %dma_wait3A_265 : memref<1x64xi32, #tpu.memory_space<vmem>> -> memref<64xi32, #tpu.memory_space<vmem>>
      %dma_wait3A_267 = arith.constant 0 : i32
      %dma_wait3A_268 = arith.constant 0 : i32
      %dma_wait3A_269 = tpu.memref_slice %arg2[%dma_wait3A_267, %dma_wait3A_268] : memref<10000x128xf32, #tpu.memory_space<hbm>> -> memref<10000x128xf32, #tpu.memory_space<hbm>>
      tpu.wait_indirect_dma semaphore(%arg17 : memref<!tpu.dma_semaphore, #tpu.memory_space<semaphore_mem>>) src(%dma_wait3A_269 : memref<10000x128xf32, #tpu.memory_space<hbm>>) dst(%arg11 : memref<64x128xf32, #tpu.memory_space<vmem>>)
      %dma_start3A_270 = arith.constant 6 : i32
      %dma_start3A_271 = arith.constant 0 : i32
      %dma_start3A_272 = tpu.memref_slice %arg8[%dma_start3A_270, %dma_start3A_271] : memref<10x64xi32, #tpu.memory_space<vmem>> -> memref<1x64xi32, #tpu.memory_space<vmem>>
      %dma_start3A_273 = tpu.memref_squeeze %dma_start3A_272 : memref<1x64xi32, #tpu.memory_space<vmem>> -> memref<64xi32, #tpu.memory_space<vmem>>
      %dma_start3A_274 = arith.constant 0 : i32
      %dma_start3A_275 = arith.constant 0 : i32
      %dma_start3A_276 = tpu.memref_slice %arg15[%dma_start3A_274, %dma_start3A_275] : memref<10128x128xf32, #tpu.memory_space<vmem_shared>> -> memref<10128x128xf32, #tpu.memory_space<vmem_shared>>
      tpu.enqueue_indirect_dma source(%arg11 : memref<64x128xf32, #tpu.memory_space<vmem>>) target(%dma_start3A_276 : memref<10128x128xf32, #tpu.memory_space<vmem_shared>>) offsets(%dma_start3A_273 : memref<64xi32, #tpu.memory_space<vmem>>) semaphore(%arg22 : memref<!tpu.dma_semaphore, #tpu.memory_space<semaphore_mem>>) {add = true}
      %dma_wait3A_277 = arith.constant 6 : i32
      %dma_wait3A_278 = arith.constant 0 : i32
      %dma_wait3A_279 = tpu.memref_slice %arg8[%dma_wait3A_277, %dma_wait3A_278] : memref<10x64xi32, #tpu.memory_space<vmem>> -> memref<1x64xi32, #tpu.memory_space<vmem>>
      %dma_wait3A_280 = tpu.memref_squeeze %dma_wait3A_279 : memref<1x64xi32, #tpu.memory_space<vmem>> -> memref<64xi32, #tpu.memory_space<vmem>>
      %dma_wait3A_281 = arith.constant 0 : i32
      %dma_wait3A_282 = arith.constant 0 : i32
      %dma_wait3A_283 = tpu.memref_slice %arg15[%dma_wait3A_281, %dma_wait3A_282] : memref<10128x128xf32, #tpu.memory_space<vmem_shared>> -> memref<10128x128xf32, #tpu.memory_space<vmem_shared>>
      tpu.wait_indirect_dma semaphore(%arg21 : memref<!tpu.dma_semaphore, #tpu.memory_space<semaphore_mem>>) src(%arg10 : memref<64x128xf32, #tpu.memory_space<vmem>>) dst(%dma_wait3A_283 : memref<10128x128xf32, #tpu.memory_space<vmem_shared>>)
      %lt3A_284 = arith.constant 15 : i32
      %lt3A_285 = arith.cmpi slt, %add3A_65, %lt3A_284 : i32
      %convert_element_type3A_286 = arith.extui %lt3A_285 : i1 to i32
      %cond3A_287 = arith.constant 0 : i32
      %cond3A_288 = arith.cmpi ne, %convert_element_type3A_286, %cond3A_287 : i32
      scf.if %cond3A_288 {
        %dma_wait3A_706 = arith.constant 0 : i32
        %dma_wait3A_707 = arith.constant 0 : i32
        %dma_wait3A_708 = arith.constant 0 : i32
        %dma_wait3A_709 = arith.constant 0 : i32
        %dma_wait3A_710 = arith.constant 0 : i32
        %dma_wait3A_711 = tpu.memref_slice %arg3[%scan3A, %dma_wait3A_707, %dma_wait3A_708, %dma_wait3A_709, %dma_wait3A_710] : memref<2x32x16x10x64xi32, #tpu.memory_space<hbm>> -> memref<1x32x16x10x64xi32, #tpu.memory_space<hbm>>
        %dma_wait3A_712 = tpu.memref_squeeze %dma_wait3A_711 : memref<1x32x16x10x64xi32, #tpu.memory_space<hbm>> -> memref<32x16x10x64xi32, #tpu.memory_space<hbm>>
        %dma_wait3A_713 = arith.constant 0 : i32
        %dma_wait3A_714 = arith.constant 0 : i32
        %dma_wait3A_715 = arith.constant 0 : i32
        %dma_wait3A_716 = tpu.memref_slice %dma_wait3A_712[%add3A, %dma_wait3A_713, %dma_wait3A_714, %dma_wait3A_715] : memref<32x16x10x64xi32, #tpu.memory_space<hbm>> -> memref<1x16x10x64xi32, #tpu.memory_space<hbm>>
        %dma_wait3A_717 = tpu.memref_squeeze %dma_wait3A_716 : memref<1x16x10x64xi32, #tpu.memory_space<hbm>> -> memref<16x10x64xi32, #tpu.memory_space<hbm>>
        %dma_wait3A_718 = arith.constant 0 : i32
        %dma_wait3A_719 = arith.constant 0 : i32
        %dma_wait3A_720 = tpu.memref_slice %dma_wait3A_717[%dma_wait3A_706, %dma_wait3A_718, %dma_wait3A_719] : memref<16x10x64xi32, #tpu.memory_space<hbm>> -> memref<1x10x64xi32, #tpu.memory_space<hbm>>
        %dma_wait3A_721 = tpu.memref_squeeze %dma_wait3A_720 : memref<1x10x64xi32, #tpu.memory_space<hbm>> -> memref<10x64xi32, #tpu.memory_space<hbm>>
        %dma_wait3A_722 = arith.constant 0 : i32
        %dma_wait3A_723 = arith.constant 0 : i32
        %dma_wait3A_724 = arith.constant 0 : i32
        %dma_wait3A_725 = arith.constant 0 : i32
        %dma_wait3A_726 = tpu.memref_slice %arg3[%scan3A, %dma_wait3A_722, %dma_wait3A_723, %dma_wait3A_724, %dma_wait3A_725] : memref<2x32x16x10x64xi32, #tpu.memory_space<hbm>> -> memref<1x32x16x10x64xi32, #tpu.memory_space<hbm>>
        %dma_wait3A_727 = tpu.memref_squeeze %dma_wait3A_726 : memref<1x32x16x10x64xi32, #tpu.memory_space<hbm>> -> memref<32x16x10x64xi32, #tpu.memory_space<hbm>>
        %dma_wait3A_728 = arith.constant 0 : i32
        %dma_wait3A_729 = arith.constant 0 : i32
        %dma_wait3A_730 = arith.constant 0 : i32
        %dma_wait3A_731 = tpu.memref_slice %dma_wait3A_727[%add3A, %dma_wait3A_728, %dma_wait3A_729, %dma_wait3A_730] : memref<32x16x10x64xi32, #tpu.memory_space<hbm>> -> memref<1x16x10x64xi32, #tpu.memory_space<hbm>>
        %dma_wait3A_732 = tpu.memref_squeeze %dma_wait3A_731 : memref<1x16x10x64xi32, #tpu.memory_space<hbm>> -> memref<16x10x64xi32, #tpu.memory_space<hbm>>
        %dma_wait3A_733 = arith.constant 0 : i32
        %dma_wait3A_734 = arith.constant 0 : i32
        %dma_wait3A_735 = tpu.memref_slice %dma_wait3A_732[%dma_wait3A_706, %dma_wait3A_733, %dma_wait3A_734] : memref<16x10x64xi32, #tpu.memory_space<hbm>> -> memref<1x10x64xi32, #tpu.memory_space<hbm>>
        %dma_wait3A_736 = tpu.memref_squeeze %dma_wait3A_735 : memref<1x10x64xi32, #tpu.memory_space<hbm>> -> memref<10x64xi32, #tpu.memory_space<hbm>>
        tpu.wait_dma2 semaphore(%arg27 : memref<!tpu.dma_semaphore, #tpu.memory_space<semaphore_mem>>) src(%dma_wait3A_736 : memref<10x64xi32, #tpu.memory_space<hbm>>) dst(%arg7 : memref<10x64xi32, #tpu.memory_space<vmem>>)
        %dma_wait3A_737 = arith.constant 0 : i32
        %dma_wait3A_738 = arith.constant 0 : i32
        %dma_wait3A_739 = arith.constant 0 : i32
        %dma_wait3A_740 = arith.constant 0 : i32
        %dma_wait3A_741 = arith.constant 0 : i32
        %dma_wait3A_742 = tpu.memref_slice %arg3[%scan3A_37, %dma_wait3A_738, %dma_wait3A_739, %dma_wait3A_740, %dma_wait3A_741] : memref<2x32x16x10x64xi32, #tpu.memory_space<hbm>> -> memref<1x32x16x10x64xi32, #tpu.memory_space<hbm>>
        %dma_wait3A_743 = tpu.memref_squeeze %dma_wait3A_742 : memref<1x32x16x10x64xi32, #tpu.memory_space<hbm>> -> memref<32x16x10x64xi32, #tpu.memory_space<hbm>>
        %dma_wait3A_744 = arith.constant 0 : i32
        %dma_wait3A_745 = arith.constant 0 : i32
        %dma_wait3A_746 = arith.constant 0 : i32
        %dma_wait3A_747 = tpu.memref_slice %dma_wait3A_743[%add3A, %dma_wait3A_744, %dma_wait3A_745, %dma_wait3A_746] : memref<32x16x10x64xi32, #tpu.memory_space<hbm>> -> memref<1x16x10x64xi32, #tpu.memory_space<hbm>>
        %dma_wait3A_748 = tpu.memref_squeeze %dma_wait3A_747 : memref<1x16x10x64xi32, #tpu.memory_space<hbm>> -> memref<16x10x64xi32, #tpu.memory_space<hbm>>
        %dma_wait3A_749 = arith.constant 0 : i32
        %dma_wait3A_750 = arith.constant 0 : i32
        %dma_wait3A_751 = tpu.memref_slice %dma_wait3A_748[%dma_wait3A_737, %dma_wait3A_749, %dma_wait3A_750] : memref<16x10x64xi32, #tpu.memory_space<hbm>> -> memref<1x10x64xi32, #tpu.memory_space<hbm>>
        %dma_wait3A_752 = tpu.memref_squeeze %dma_wait3A_751 : memref<1x10x64xi32, #tpu.memory_space<hbm>> -> memref<10x64xi32, #tpu.memory_space<hbm>>
        %dma_wait3A_753 = arith.constant 0 : i32
        %dma_wait3A_754 = arith.constant 0 : i32
        %dma_wait3A_755 = arith.constant 0 : i32
        %dma_wait3A_756 = arith.constant 0 : i32
        %dma_wait3A_757 = tpu.memref_slice %arg3[%scan3A_37, %dma_wait3A_753, %dma_wait3A_754, %dma_wait3A_755, %dma_wait3A_756] : memref<2x32x16x10x64xi32, #tpu.memory_space<hbm>> -> memref<1x32x16x10x64xi32, #tpu.memory_space<hbm>>
        %dma_wait3A_758 = tpu.memref_squeeze %dma_wait3A_757 : memref<1x32x16x10x64xi32, #tpu.memory_space<hbm>> -> memref<32x16x10x64xi32, #tpu.memory_space<hbm>>
        %dma_wait3A_759 = arith.constant 0 : i32
        %dma_wait3A_760 = arith.constant 0 : i32
        %dma_wait3A_761 = arith.constant 0 : i32
        %dma_wait3A_762 = tpu.memref_slice %dma_wait3A_758[%add3A, %dma_wait3A_759, %dma_wait3A_760, %dma_wait3A_761] : memref<32x16x10x64xi32, #tpu.memory_space<hbm>> -> memref<1x16x10x64xi32, #tpu.memory_space<hbm>>
        %dma_wait3A_763 = tpu.memref_squeeze %dma_wait3A_762 : memref<1x16x10x64xi32, #tpu.memory_space<hbm>> -> memref<16x10x64xi32, #tpu.memory_space<hbm>>
        %dma_wait3A_764 = arith.constant 0 : i32
        %dma_wait3A_765 = arith.constant 0 : i32
        %dma_wait3A_766 = tpu.memref_slice %dma_wait3A_763[%dma_wait3A_737, %dma_wait3A_764, %dma_wait3A_765] : memref<16x10x64xi32, #tpu.memory_space<hbm>> -> memref<1x10x64xi32, #tpu.memory_space<hbm>>
        %dma_wait3A_767 = tpu.memref_squeeze %dma_wait3A_766 : memref<1x10x64xi32, #tpu.memory_space<hbm>> -> memref<10x64xi32, #tpu.memory_space<hbm>>
        tpu.wait_dma2 semaphore(%arg27 : memref<!tpu.dma_semaphore, #tpu.memory_space<semaphore_mem>>) src(%dma_wait3A_767 : memref<10x64xi32, #tpu.memory_space<hbm>>) dst(%arg9 : memref<10x64xi32, #tpu.memory_space<vmem>>)
      } else {
      }
      %lt3A_289 = arith.constant 15 : i32
      %lt3A_290 = arith.cmpi slt, %add3A_65, %lt3A_289 : i32
      %convert_element_type3A_291 = arith.extui %lt3A_290 : i1 to i32
      %cond3A_292 = arith.constant 0 : i32
      %cond3A_293 = arith.cmpi ne, %convert_element_type3A_291, %cond3A_292 : i32
      scf.if %cond3A_293 {
        %dma_start3A_706 = arith.constant 0 : i32
        %dma_start3A_707 = arith.constant 0 : i32
        %dma_start3A_708 = tpu.memref_slice %arg7[%dma_start3A_706, %dma_start3A_707] : memref<10x64xi32, #tpu.memory_space<vmem>> -> memref<1x64xi32, #tpu.memory_space<vmem>>
        %dma_start3A_709 = tpu.memref_squeeze %dma_start3A_708 : memref<1x64xi32, #tpu.memory_space<vmem>> -> memref<64xi32, #tpu.memory_space<vmem>>
        %dma_start3A_710 = arith.constant 0 : i32
        %dma_start3A_711 = arith.constant 0 : i32
        %dma_start3A_712 = tpu.memref_slice %arg2[%dma_start3A_710, %dma_start3A_711] : memref<10000x128xf32, #tpu.memory_space<hbm>> -> memref<10000x128xf32, #tpu.memory_space<hbm>>
        tpu.enqueue_indirect_dma source(%dma_start3A_712 : memref<10000x128xf32, #tpu.memory_space<hbm>>) target(%arg10 : memref<64x128xf32, #tpu.memory_space<vmem>>) offsets(%dma_start3A_709 : memref<64xi32, #tpu.memory_space<vmem>>) semaphore(%arg16 : memref<!tpu.dma_semaphore, #tpu.memory_space<semaphore_mem>>)
      } else {
      }
      %mul3A_294 = arith.constant 10 : i32
      %mul3A_295 = arith.muli %add3A_65, %mul3A_294 : i32
      %add3A_296 = arith.constant 7 : i32
      %add3A_297 = arith.addi %mul3A_295, %add3A_296 : i32
      %dma_wait3A_298 = arith.constant 7 : i32
      %dma_wait3A_299 = arith.constant 0 : i32
      %dma_wait3A_300 = tpu.memref_slice %arg6[%dma_wait3A_298, %dma_wait3A_299] : memref<10x64xi32, #tpu.memory_space<vmem>> -> memref<1x64xi32, #tpu.memory_space<vmem>>
      %dma_wait3A_301 = tpu.memref_squeeze %dma_wait3A_300 : memref<1x64xi32, #tpu.memory_space<vmem>> -> memref<64xi32, #tpu.memory_space<vmem>>
      %dma_wait3A_302 = arith.constant 0 : i32
      %dma_wait3A_303 = arith.constant 0 : i32
      %dma_wait3A_304 = tpu.memref_slice %arg2[%dma_wait3A_302, %dma_wait3A_303] : memref<10000x128xf32, #tpu.memory_space<hbm>> -> memref<10000x128xf32, #tpu.memory_space<hbm>>
      tpu.wait_indirect_dma semaphore(%arg18 : memref<!tpu.dma_semaphore, #tpu.memory_space<semaphore_mem>>) src(%dma_wait3A_304 : memref<10000x128xf32, #tpu.memory_space<hbm>>) dst(%arg12 : memref<64x128xf32, #tpu.memory_space<vmem>>)
      %dma_start3A_305 = arith.constant 7 : i32
      %dma_start3A_306 = arith.constant 0 : i32
      %dma_start3A_307 = tpu.memref_slice %arg8[%dma_start3A_305, %dma_start3A_306] : memref<10x64xi32, #tpu.memory_space<vmem>> -> memref<1x64xi32, #tpu.memory_space<vmem>>
      %dma_start3A_308 = tpu.memref_squeeze %dma_start3A_307 : memref<1x64xi32, #tpu.memory_space<vmem>> -> memref<64xi32, #tpu.memory_space<vmem>>
      %dma_start3A_309 = arith.constant 0 : i32
      %dma_start3A_310 = arith.constant 0 : i32
      %dma_start3A_311 = tpu.memref_slice %arg15[%dma_start3A_309, %dma_start3A_310] : memref<10128x128xf32, #tpu.memory_space<vmem_shared>> -> memref<10128x128xf32, #tpu.memory_space<vmem_shared>>
      tpu.enqueue_indirect_dma source(%arg12 : memref<64x128xf32, #tpu.memory_space<vmem>>) target(%dma_start3A_311 : memref<10128x128xf32, #tpu.memory_space<vmem_shared>>) offsets(%dma_start3A_308 : memref<64xi32, #tpu.memory_space<vmem>>) semaphore(%arg23 : memref<!tpu.dma_semaphore, #tpu.memory_space<semaphore_mem>>) {add = true}
      %dma_wait3A_312 = arith.constant 7 : i32
      %dma_wait3A_313 = arith.constant 0 : i32
      %dma_wait3A_314 = tpu.memref_slice %arg8[%dma_wait3A_312, %dma_wait3A_313] : memref<10x64xi32, #tpu.memory_space<vmem>> -> memref<1x64xi32, #tpu.memory_space<vmem>>
      %dma_wait3A_315 = tpu.memref_squeeze %dma_wait3A_314 : memref<1x64xi32, #tpu.memory_space<vmem>> -> memref<64xi32, #tpu.memory_space<vmem>>
      %dma_wait3A_316 = arith.constant 0 : i32
      %dma_wait3A_317 = arith.constant 0 : i32
      %dma_wait3A_318 = tpu.memref_slice %arg15[%dma_wait3A_316, %dma_wait3A_317] : memref<10128x128xf32, #tpu.memory_space<vmem_shared>> -> memref<10128x128xf32, #tpu.memory_space<vmem_shared>>
      tpu.wait_indirect_dma semaphore(%arg22 : memref<!tpu.dma_semaphore, #tpu.memory_space<semaphore_mem>>) src(%arg11 : memref<64x128xf32, #tpu.memory_space<vmem>>) dst(%dma_wait3A_318 : memref<10128x128xf32, #tpu.memory_space<vmem_shared>>)
      %lt3A_319 = arith.constant 15 : i32
      %lt3A_320 = arith.cmpi slt, %add3A_65, %lt3A_319 : i32
      %convert_element_type3A_321 = arith.extui %lt3A_320 : i1 to i32
      %cond3A_322 = arith.constant 0 : i32
      %cond3A_323 = arith.cmpi ne, %convert_element_type3A_321, %cond3A_322 : i32
      scf.if %cond3A_323 {
        %dma_start3A_706 = arith.constant 1 : i32
        %dma_start3A_707 = arith.constant 0 : i32
        %dma_start3A_708 = tpu.memref_slice %arg7[%dma_start3A_706, %dma_start3A_707] : memref<10x64xi32, #tpu.memory_space<vmem>> -> memref<1x64xi32, #tpu.memory_space<vmem>>
        %dma_start3A_709 = tpu.memref_squeeze %dma_start3A_708 : memref<1x64xi32, #tpu.memory_space<vmem>> -> memref<64xi32, #tpu.memory_space<vmem>>
        %dma_start3A_710 = arith.constant 0 : i32
        %dma_start3A_711 = arith.constant 0 : i32
        %dma_start3A_712 = tpu.memref_slice %arg2[%dma_start3A_710, %dma_start3A_711] : memref<10000x128xf32, #tpu.memory_space<hbm>> -> memref<10000x128xf32, #tpu.memory_space<hbm>>
        tpu.enqueue_indirect_dma source(%dma_start3A_712 : memref<10000x128xf32, #tpu.memory_space<hbm>>) target(%arg11 : memref<64x128xf32, #tpu.memory_space<vmem>>) offsets(%dma_start3A_709 : memref<64xi32, #tpu.memory_space<vmem>>) semaphore(%arg17 : memref<!tpu.dma_semaphore, #tpu.memory_space<semaphore_mem>>)
      } else {
      }
      %mul3A_324 = arith.constant 10 : i32
      %mul3A_325 = arith.muli %add3A_65, %mul3A_324 : i32
      %add3A_326 = arith.constant 8 : i32
      %add3A_327 = arith.addi %mul3A_325, %add3A_326 : i32
      %dma_wait3A_328 = arith.constant 8 : i32
      %dma_wait3A_329 = arith.constant 0 : i32
      %dma_wait3A_330 = tpu.memref_slice %arg6[%dma_wait3A_328, %dma_wait3A_329] : memref<10x64xi32, #tpu.memory_space<vmem>> -> memref<1x64xi32, #tpu.memory_space<vmem>>
      %dma_wait3A_331 = tpu.memref_squeeze %dma_wait3A_330 : memref<1x64xi32, #tpu.memory_space<vmem>> -> memref<64xi32, #tpu.memory_space<vmem>>
      %dma_wait3A_332 = arith.constant 0 : i32
      %dma_wait3A_333 = arith.constant 0 : i32
      %dma_wait3A_334 = tpu.memref_slice %arg2[%dma_wait3A_332, %dma_wait3A_333] : memref<10000x128xf32, #tpu.memory_space<hbm>> -> memref<10000x128xf32, #tpu.memory_space<hbm>>
      tpu.wait_indirect_dma semaphore(%arg19 : memref<!tpu.dma_semaphore, #tpu.memory_space<semaphore_mem>>) src(%dma_wait3A_334 : memref<10000x128xf32, #tpu.memory_space<hbm>>) dst(%arg13 : memref<64x128xf32, #tpu.memory_space<vmem>>)
      %dma_start3A_335 = arith.constant 8 : i32
      %dma_start3A_336 = arith.constant 0 : i32
      %dma_start3A_337 = tpu.memref_slice %arg8[%dma_start3A_335, %dma_start3A_336] : memref<10x64xi32, #tpu.memory_space<vmem>> -> memref<1x64xi32, #tpu.memory_space<vmem>>
      %dma_start3A_338 = tpu.memref_squeeze %dma_start3A_337 : memref<1x64xi32, #tpu.memory_space<vmem>> -> memref<64xi32, #tpu.memory_space<vmem>>
      %dma_start3A_339 = arith.constant 0 : i32
      %dma_start3A_340 = arith.constant 0 : i32
      %dma_start3A_341 = tpu.memref_slice %arg15[%dma_start3A_339, %dma_start3A_340] : memref<10128x128xf32, #tpu.memory_space<vmem_shared>> -> memref<10128x128xf32, #tpu.memory_space<vmem_shared>>
      tpu.enqueue_indirect_dma source(%arg13 : memref<64x128xf32, #tpu.memory_space<vmem>>) target(%dma_start3A_341 : memref<10128x128xf32, #tpu.memory_space<vmem_shared>>) offsets(%dma_start3A_338 : memref<64xi32, #tpu.memory_space<vmem>>) semaphore(%arg24 : memref<!tpu.dma_semaphore, #tpu.memory_space<semaphore_mem>>) {add = true}
      %dma_wait3A_342 = arith.constant 8 : i32
      %dma_wait3A_343 = arith.constant 0 : i32
      %dma_wait3A_344 = tpu.memref_slice %arg8[%dma_wait3A_342, %dma_wait3A_343] : memref<10x64xi32, #tpu.memory_space<vmem>> -> memref<1x64xi32, #tpu.memory_space<vmem>>
      %dma_wait3A_345 = tpu.memref_squeeze %dma_wait3A_344 : memref<1x64xi32, #tpu.memory_space<vmem>> -> memref<64xi32, #tpu.memory_space<vmem>>
      %dma_wait3A_346 = arith.constant 0 : i32
      %dma_wait3A_347 = arith.constant 0 : i32
      %dma_wait3A_348 = tpu.memref_slice %arg15[%dma_wait3A_346, %dma_wait3A_347] : memref<10128x128xf32, #tpu.memory_space<vmem_shared>> -> memref<10128x128xf32, #tpu.memory_space<vmem_shared>>
      tpu.wait_indirect_dma semaphore(%arg23 : memref<!tpu.dma_semaphore, #tpu.memory_space<semaphore_mem>>) src(%arg12 : memref<64x128xf32, #tpu.memory_space<vmem>>) dst(%dma_wait3A_348 : memref<10128x128xf32, #tpu.memory_space<vmem_shared>>)
      %lt3A_349 = arith.constant 15 : i32
      %lt3A_350 = arith.cmpi slt, %add3A_65, %lt3A_349 : i32
      %convert_element_type3A_351 = arith.extui %lt3A_350 : i1 to i32
      %cond3A_352 = arith.constant 0 : i32
      %cond3A_353 = arith.cmpi ne, %convert_element_type3A_351, %cond3A_352 : i32
      scf.if %cond3A_353 {
        %dma_start3A_706 = arith.constant 2 : i32
        %dma_start3A_707 = arith.constant 0 : i32
        %dma_start3A_708 = tpu.memref_slice %arg7[%dma_start3A_706, %dma_start3A_707] : memref<10x64xi32, #tpu.memory_space<vmem>> -> memref<1x64xi32, #tpu.memory_space<vmem>>
        %dma_start3A_709 = tpu.memref_squeeze %dma_start3A_708 : memref<1x64xi32, #tpu.memory_space<vmem>> -> memref<64xi32, #tpu.memory_space<vmem>>
        %dma_start3A_710 = arith.constant 0 : i32
        %dma_start3A_711 = arith.constant 0 : i32
        %dma_start3A_712 = tpu.memref_slice %arg2[%dma_start3A_710, %dma_start3A_711] : memref<10000x128xf32, #tpu.memory_space<hbm>> -> memref<10000x128xf32, #tpu.memory_space<hbm>>
        tpu.enqueue_indirect_dma source(%dma_start3A_712 : memref<10000x128xf32, #tpu.memory_space<hbm>>) target(%arg12 : memref<64x128xf32, #tpu.memory_space<vmem>>) offsets(%dma_start3A_709 : memref<64xi32, #tpu.memory_space<vmem>>) semaphore(%arg18 : memref<!tpu.dma_semaphore, #tpu.memory_space<semaphore_mem>>)
      } else {
      }
      %mul3A_354 = arith.constant 10 : i32
      %mul3A_355 = arith.muli %add3A_65, %mul3A_354 : i32
      %add3A_356 = arith.constant 9 : i32
      %add3A_357 = arith.addi %mul3A_355, %add3A_356 : i32
      %dma_wait3A_358 = arith.constant 9 : i32
      %dma_wait3A_359 = arith.constant 0 : i32
      %dma_wait3A_360 = tpu.memref_slice %arg6[%dma_wait3A_358, %dma_wait3A_359] : memref<10x64xi32, #tpu.memory_space<vmem>> -> memref<1x64xi32, #tpu.memory_space<vmem>>
      %dma_wait3A_361 = tpu.memref_squeeze %dma_wait3A_360 : memref<1x64xi32, #tpu.memory_space<vmem>> -> memref<64xi32, #tpu.memory_space<vmem>>
      %dma_wait3A_362 = arith.constant 0 : i32
      %dma_wait3A_363 = arith.constant 0 : i32
      %dma_wait3A_364 = tpu.memref_slice %arg2[%dma_wait3A_362, %dma_wait3A_363] : memref<10000x128xf32, #tpu.memory_space<hbm>> -> memref<10000x128xf32, #tpu.memory_space<hbm>>
      tpu.wait_indirect_dma semaphore(%arg20 : memref<!tpu.dma_semaphore, #tpu.memory_space<semaphore_mem>>) src(%dma_wait3A_364 : memref<10000x128xf32, #tpu.memory_space<hbm>>) dst(%arg14 : memref<64x128xf32, #tpu.memory_space<vmem>>)
      %dma_start3A_365 = arith.constant 9 : i32
      %dma_start3A_366 = arith.constant 0 : i32
      %dma_start3A_367 = tpu.memref_slice %arg8[%dma_start3A_365, %dma_start3A_366] : memref<10x64xi32, #tpu.memory_space<vmem>> -> memref<1x64xi32, #tpu.memory_space<vmem>>
      %dma_start3A_368 = tpu.memref_squeeze %dma_start3A_367 : memref<1x64xi32, #tpu.memory_space<vmem>> -> memref<64xi32, #tpu.memory_space<vmem>>
      %dma_start3A_369 = arith.constant 0 : i32
      %dma_start3A_370 = arith.constant 0 : i32
      %dma_start3A_371 = tpu.memref_slice %arg15[%dma_start3A_369, %dma_start3A_370] : memref<10128x128xf32, #tpu.memory_space<vmem_shared>> -> memref<10128x128xf32, #tpu.memory_space<vmem_shared>>
      tpu.enqueue_indirect_dma source(%arg14 : memref<64x128xf32, #tpu.memory_space<vmem>>) target(%dma_start3A_371 : memref<10128x128xf32, #tpu.memory_space<vmem_shared>>) offsets(%dma_start3A_368 : memref<64xi32, #tpu.memory_space<vmem>>) semaphore(%arg25 : memref<!tpu.dma_semaphore, #tpu.memory_space<semaphore_mem>>) {add = true}
      %dma_wait3A_372 = arith.constant 9 : i32
      %dma_wait3A_373 = arith.constant 0 : i32
      %dma_wait3A_374 = tpu.memref_slice %arg8[%dma_wait3A_372, %dma_wait3A_373] : memref<10x64xi32, #tpu.memory_space<vmem>> -> memref<1x64xi32, #tpu.memory_space<vmem>>
      %dma_wait3A_375 = tpu.memref_squeeze %dma_wait3A_374 : memref<1x64xi32, #tpu.memory_space<vmem>> -> memref<64xi32, #tpu.memory_space<vmem>>
      %dma_wait3A_376 = arith.constant 0 : i32
      %dma_wait3A_377 = arith.constant 0 : i32
      %dma_wait3A_378 = tpu.memref_slice %arg15[%dma_wait3A_376, %dma_wait3A_377] : memref<10128x128xf32, #tpu.memory_space<vmem_shared>> -> memref<10128x128xf32, #tpu.memory_space<vmem_shared>>
      tpu.wait_indirect_dma semaphore(%arg24 : memref<!tpu.dma_semaphore, #tpu.memory_space<semaphore_mem>>) src(%arg13 : memref<64x128xf32, #tpu.memory_space<vmem>>) dst(%dma_wait3A_378 : memref<10128x128xf32, #tpu.memory_space<vmem_shared>>)
      %lt3A_379 = arith.constant 15 : i32
      %lt3A_380 = arith.cmpi slt, %add3A_65, %lt3A_379 : i32
      %convert_element_type3A_381 = arith.extui %lt3A_380 : i1 to i32
      %cond3A_382 = arith.constant 0 : i32
      %cond3A_383 = arith.cmpi ne, %convert_element_type3A_381, %cond3A_382 : i32
      scf.if %cond3A_383 {
        %dma_start3A_706 = arith.constant 3 : i32
        %dma_start3A_707 = arith.constant 0 : i32
        %dma_start3A_708 = tpu.memref_slice %arg7[%dma_start3A_706, %dma_start3A_707] : memref<10x64xi32, #tpu.memory_space<vmem>> -> memref<1x64xi32, #tpu.memory_space<vmem>>
        %dma_start3A_709 = tpu.memref_squeeze %dma_start3A_708 : memref<1x64xi32, #tpu.memory_space<vmem>> -> memref<64xi32, #tpu.memory_space<vmem>>
        %dma_start3A_710 = arith.constant 0 : i32
        %dma_start3A_711 = arith.constant 0 : i32
        %dma_start3A_712 = tpu.memref_slice %arg2[%dma_start3A_710, %dma_start3A_711] : memref<10000x128xf32, #tpu.memory_space<hbm>> -> memref<10000x128xf32, #tpu.memory_space<hbm>>
        tpu.enqueue_indirect_dma source(%dma_start3A_712 : memref<10000x128xf32, #tpu.memory_space<hbm>>) target(%arg13 : memref<64x128xf32, #tpu.memory_space<vmem>>) offsets(%dma_start3A_709 : memref<64xi32, #tpu.memory_space<vmem>>) semaphore(%arg19 : memref<!tpu.dma_semaphore, #tpu.memory_space<semaphore_mem>>)
      } else {
      }
      %add3A_384 = arith.constant 1 : i32
      %add3A_385 = arith.addi %add3A_63, %add3A_384 : i32
      %mul3A_386 = arith.constant 10 : i32
      %mul3A_387 = arith.muli %add3A_385, %mul3A_386 : i32
      %add3A_388 = arith.constant 0 : i32
      %add3A_389 = arith.addi %mul3A_387, %add3A_388 : i32
      %dma_wait3A_390 = arith.constant 0 : i32
      %dma_wait3A_391 = arith.constant 0 : i32
      %dma_wait3A_392 = tpu.memref_slice %arg7[%dma_wait3A_390, %dma_wait3A_391] : memref<10x64xi32, #tpu.memory_space<vmem>> -> memref<1x64xi32, #tpu.memory_space<vmem>>
      %dma_wait3A_393 = tpu.memref_squeeze %dma_wait3A_392 : memref<1x64xi32, #tpu.memory_space<vmem>> -> memref<64xi32, #tpu.memory_space<vmem>>
      %dma_wait3A_394 = arith.constant 0 : i32
      %dma_wait3A_395 = arith.constant 0 : i32
      %dma_wait3A_396 = tpu.memref_slice %arg2[%dma_wait3A_394, %dma_wait3A_395] : memref<10000x128xf32, #tpu.memory_space<hbm>> -> memref<10000x128xf32, #tpu.memory_space<hbm>>
      tpu.wait_indirect_dma semaphore(%arg16 : memref<!tpu.dma_semaphore, #tpu.memory_space<semaphore_mem>>) src(%dma_wait3A_396 : memref<10000x128xf32, #tpu.memory_space<hbm>>) dst(%arg10 : memref<64x128xf32, #tpu.memory_space<vmem>>)
      %dma_start3A_397 = arith.constant 0 : i32
      %dma_start3A_398 = arith.constant 0 : i32
      %dma_start3A_399 = tpu.memref_slice %arg9[%dma_start3A_397, %dma_start3A_398] : memref<10x64xi32, #tpu.memory_space<vmem>> -> memref<1x64xi32, #tpu.memory_space<vmem>>
      %dma_start3A_400 = tpu.memref_squeeze %dma_start3A_399 : memref<1x64xi32, #tpu.memory_space<vmem>> -> memref<64xi32, #tpu.memory_space<vmem>>
      %dma_start3A_401 = arith.constant 0 : i32
      %dma_start3A_402 = arith.constant 0 : i32
      %dma_start3A_403 = tpu.memref_slice %arg15[%dma_start3A_401, %dma_start3A_402] : memref<10128x128xf32, #tpu.memory_space<vmem_shared>> -> memref<10128x128xf32, #tpu.memory_space<vmem_shared>>
      tpu.enqueue_indirect_dma source(%arg10 : memref<64x128xf32, #tpu.memory_space<vmem>>) target(%dma_start3A_403 : memref<10128x128xf32, #tpu.memory_space<vmem_shared>>) offsets(%dma_start3A_400 : memref<64xi32, #tpu.memory_space<vmem>>) semaphore(%arg21 : memref<!tpu.dma_semaphore, #tpu.memory_space<semaphore_mem>>) {add = true}
      %ge3A_404 = arith.constant 1 : i32
      %ge3A_405 = arith.cmpi sge, %add3A_389, %ge3A_404 : i32
      %convert_element_type3A_406 = arith.extui %ge3A_405 : i1 to i32
      %cond3A_407 = arith.constant 0 : i32
      %cond3A_408 = arith.cmpi ne, %convert_element_type3A_406, %cond3A_407 : i32
      scf.if %cond3A_408 {
        %dma_wait3A_706 = arith.constant 0 : i32
        %dma_wait3A_707 = arith.constant 0 : i32
        %dma_wait3A_708 = tpu.memref_slice %arg9[%dma_wait3A_706, %dma_wait3A_707] : memref<10x64xi32, #tpu.memory_space<vmem>> -> memref<1x64xi32, #tpu.memory_space<vmem>>
        %dma_wait3A_709 = tpu.memref_squeeze %dma_wait3A_708 : memref<1x64xi32, #tpu.memory_space<vmem>> -> memref<64xi32, #tpu.memory_space<vmem>>
        %dma_wait3A_710 = arith.constant 0 : i32
        %dma_wait3A_711 = arith.constant 0 : i32
        %dma_wait3A_712 = tpu.memref_slice %arg15[%dma_wait3A_710, %dma_wait3A_711] : memref<10128x128xf32, #tpu.memory_space<vmem_shared>> -> memref<10128x128xf32, #tpu.memory_space<vmem_shared>>
        tpu.wait_indirect_dma semaphore(%arg25 : memref<!tpu.dma_semaphore, #tpu.memory_space<semaphore_mem>>) src(%arg14 : memref<64x128xf32, #tpu.memory_space<vmem>>) dst(%dma_wait3A_712 : memref<10128x128xf32, #tpu.memory_space<vmem_shared>>)
      } else {
      }
      %lt3A_409 = arith.constant 15 : i32
      %lt3A_410 = arith.cmpi slt, %add3A_385, %lt3A_409 : i32
      %convert_element_type3A_411 = arith.extui %lt3A_410 : i1 to i32
      %cond3A_412 = arith.constant 0 : i32
      %cond3A_413 = arith.cmpi ne, %convert_element_type3A_411, %cond3A_412 : i32
      scf.if %cond3A_413 {
        %add3A_706 = arith.constant 1 : i32
        %add3A_707 = arith.addi %add3A_385, %add3A_706 : i32
        %dma_start3A_708 = arith.constant 0 : i32
        %dma_start3A_709 = arith.constant 0 : i32
        %dma_start3A_710 = arith.constant 0 : i32
        %dma_start3A_711 = arith.constant 0 : i32
        %dma_start3A_712 = tpu.memref_slice %arg3[%scan3A, %dma_start3A_708, %dma_start3A_709, %dma_start3A_710, %dma_start3A_711] : memref<2x32x16x10x64xi32, #tpu.memory_space<hbm>> -> memref<1x32x16x10x64xi32, #tpu.memory_space<hbm>>
        %dma_start3A_713 = tpu.memref_squeeze %dma_start3A_712 : memref<1x32x16x10x64xi32, #tpu.memory_space<hbm>> -> memref<32x16x10x64xi32, #tpu.memory_space<hbm>>
        %dma_start3A_714 = arith.constant 0 : i32
        %dma_start3A_715 = arith.constant 0 : i32
        %dma_start3A_716 = arith.constant 0 : i32
        %dma_start3A_717 = tpu.memref_slice %dma_start3A_713[%add3A, %dma_start3A_714, %dma_start3A_715, %dma_start3A_716] : memref<32x16x10x64xi32, #tpu.memory_space<hbm>> -> memref<1x16x10x64xi32, #tpu.memory_space<hbm>>
        %dma_start3A_718 = tpu.memref_squeeze %dma_start3A_717 : memref<1x16x10x64xi32, #tpu.memory_space<hbm>> -> memref<16x10x64xi32, #tpu.memory_space<hbm>>
        %dma_start3A_719 = arith.constant 0 : i32
        %dma_start3A_720 = arith.constant 0 : i32
        %dma_start3A_721 = tpu.memref_slice %dma_start3A_718[%add3A_707, %dma_start3A_719, %dma_start3A_720] : memref<16x10x64xi32, #tpu.memory_space<hbm>> -> memref<1x10x64xi32, #tpu.memory_space<hbm>>
        %dma_start3A_722 = tpu.memref_squeeze %dma_start3A_721 : memref<1x10x64xi32, #tpu.memory_space<hbm>> -> memref<10x64xi32, #tpu.memory_space<hbm>>
        %dma_start3A_723 = arith.constant 0 : i32
        %dma_start3A_724 = arith.constant 0 : i32
        %dma_start3A_725 = arith.constant 0 : i32
        %dma_start3A_726 = arith.constant 0 : i32
        %dma_start3A_727 = tpu.memref_slice %arg3[%scan3A, %dma_start3A_723, %dma_start3A_724, %dma_start3A_725, %dma_start3A_726] : memref<2x32x16x10x64xi32, #tpu.memory_space<hbm>> -> memref<1x32x16x10x64xi32, #tpu.memory_space<hbm>>
        %dma_start3A_728 = tpu.memref_squeeze %dma_start3A_727 : memref<1x32x16x10x64xi32, #tpu.memory_space<hbm>> -> memref<32x16x10x64xi32, #tpu.memory_space<hbm>>
        %dma_start3A_729 = arith.constant 0 : i32
        %dma_start3A_730 = arith.constant 0 : i32
        %dma_start3A_731 = arith.constant 0 : i32
        %dma_start3A_732 = tpu.memref_slice %dma_start3A_728[%add3A, %dma_start3A_729, %dma_start3A_730, %dma_start3A_731] : memref<32x16x10x64xi32, #tpu.memory_space<hbm>> -> memref<1x16x10x64xi32, #tpu.memory_space<hbm>>
        %dma_start3A_733 = tpu.memref_squeeze %dma_start3A_732 : memref<1x16x10x64xi32, #tpu.memory_space<hbm>> -> memref<16x10x64xi32, #tpu.memory_space<hbm>>
        %dma_start3A_734 = arith.constant 0 : i32
        %dma_start3A_735 = arith.constant 0 : i32
        %dma_start3A_736 = tpu.memref_slice %dma_start3A_733[%add3A_707, %dma_start3A_734, %dma_start3A_735] : memref<16x10x64xi32, #tpu.memory_space<hbm>> -> memref<1x10x64xi32, #tpu.memory_space<hbm>>
        %dma_start3A_737 = tpu.memref_squeeze %dma_start3A_736 : memref<1x10x64xi32, #tpu.memory_space<hbm>> -> memref<10x64xi32, #tpu.memory_space<hbm>>
        tpu.enqueue_dma source(%dma_start3A_737 : memref<10x64xi32, #tpu.memory_space<hbm>>) target(%arg6 : memref<10x64xi32, #tpu.memory_space<vmem>>) target_semaphore(%arg26 : memref<!tpu.dma_semaphore, #tpu.memory_space<semaphore_mem>>)
        %add3A_738 = arith.constant 1 : i32
        %add3A_739 = arith.addi %add3A_385, %add3A_738 : i32
        %dma_start3A_740 = arith.constant 0 : i32
        %dma_start3A_741 = arith.constant 0 : i32
        %dma_start3A_742 = arith.constant 0 : i32
        %dma_start3A_743 = arith.constant 0 : i32
        %dma_start3A_744 = tpu.memref_slice %arg3[%scan3A_37, %dma_start3A_740, %dma_start3A_741, %dma_start3A_742, %dma_start3A_743] : memref<2x32x16x10x64xi32, #tpu.memory_space<hbm>> -> memref<1x32x16x10x64xi32, #tpu.memory_space<hbm>>
        %dma_start3A_745 = tpu.memref_squeeze %dma_start3A_744 : memref<1x32x16x10x64xi32, #tpu.memory_space<hbm>> -> memref<32x16x10x64xi32, #tpu.memory_space<hbm>>
        %dma_start3A_746 = arith.constant 0 : i32
        %dma_start3A_747 = arith.constant 0 : i32
        %dma_start3A_748 = arith.constant 0 : i32
        %dma_start3A_749 = tpu.memref_slice %dma_start3A_745[%add3A, %dma_start3A_746, %dma_start3A_747, %dma_start3A_748] : memref<32x16x10x64xi32, #tpu.memory_space<hbm>> -> memref<1x16x10x64xi32, #tpu.memory_space<hbm>>
        %dma_start3A_750 = tpu.memref_squeeze %dma_start3A_749 : memref<1x16x10x64xi32, #tpu.memory_space<hbm>> -> memref<16x10x64xi32, #tpu.memory_space<hbm>>
        %dma_start3A_751 = arith.constant 0 : i32
        %dma_start3A_752 = arith.constant 0 : i32
        %dma_start3A_753 = tpu.memref_slice %dma_start3A_750[%add3A_739, %dma_start3A_751, %dma_start3A_752] : memref<16x10x64xi32, #tpu.memory_space<hbm>> -> memref<1x10x64xi32, #tpu.memory_space<hbm>>
        %dma_start3A_754 = tpu.memref_squeeze %dma_start3A_753 : memref<1x10x64xi32, #tpu.memory_space<hbm>> -> memref<10x64xi32, #tpu.memory_space<hbm>>
        %dma_start3A_755 = arith.constant 0 : i32
        %dma_start3A_756 = arith.constant 0 : i32
        %dma_start3A_757 = arith.constant 0 : i32
        %dma_start3A_758 = arith.constant 0 : i32
        %dma_start3A_759 = tpu.memref_slice %arg3[%scan3A_37, %dma_start3A_755, %dma_start3A_756, %dma_start3A_757, %dma_start3A_758] : memref<2x32x16x10x64xi32, #tpu.memory_space<hbm>> -> memref<1x32x16x10x64xi32, #tpu.memory_space<hbm>>
        %dma_start3A_760 = tpu.memref_squeeze %dma_start3A_759 : memref<1x32x16x10x64xi32, #tpu.memory_space<hbm>> -> memref<32x16x10x64xi32, #tpu.memory_space<hbm>>
        %dma_start3A_761 = arith.constant 0 : i32
        %dma_start3A_762 = arith.constant 0 : i32
        %dma_start3A_763 = arith.constant 0 : i32
        %dma_start3A_764 = tpu.memref_slice %dma_start3A_760[%add3A, %dma_start3A_761, %dma_start3A_762, %dma_start3A_763] : memref<32x16x10x64xi32, #tpu.memory_space<hbm>> -> memref<1x16x10x64xi32, #tpu.memory_space<hbm>>
        %dma_start3A_765 = tpu.memref_squeeze %dma_start3A_764 : memref<1x16x10x64xi32, #tpu.memory_space<hbm>> -> memref<16x10x64xi32, #tpu.memory_space<hbm>>
        %dma_start3A_766 = arith.constant 0 : i32
        %dma_start3A_767 = arith.constant 0 : i32
        %dma_start3A_768 = tpu.memref_slice %dma_start3A_765[%add3A_739, %dma_start3A_766, %dma_start3A_767] : memref<16x10x64xi32, #tpu.memory_space<hbm>> -> memref<1x10x64xi32, #tpu.memory_space<hbm>>
        %dma_start3A_769 = tpu.memref_squeeze %dma_start3A_768 : memref<1x10x64xi32, #tpu.memory_space<hbm>> -> memref<10x64xi32, #tpu.memory_space<hbm>>
        tpu.enqueue_dma source(%dma_start3A_769 : memref<10x64xi32, #tpu.memory_space<hbm>>) target(%arg8 : memref<10x64xi32, #tpu.memory_space<vmem>>) target_semaphore(%arg26 : memref<!tpu.dma_semaphore, #tpu.memory_space<semaphore_mem>>)
      } else {
      }
      %dma_start3A_414 = arith.constant 4 : i32
      %dma_start3A_415 = arith.constant 0 : i32
      %dma_start3A_416 = tpu.memref_slice %arg7[%dma_start3A_414, %dma_start3A_415] : memref<10x64xi32, #tpu.memory_space<vmem>> -> memref<1x64xi32, #tpu.memory_space<vmem>>
      %dma_start3A_417 = tpu.memref_squeeze %dma_start3A_416 : memref<1x64xi32, #tpu.memory_space<vmem>> -> memref<64xi32, #tpu.memory_space<vmem>>
      %dma_start3A_418 = arith.constant 0 : i32
      %dma_start3A_419 = arith.constant 0 : i32
      %dma_start3A_420 = tpu.memref_slice %arg2[%dma_start3A_418, %dma_start3A_419] : memref<10000x128xf32, #tpu.memory_space<hbm>> -> memref<10000x128xf32, #tpu.memory_space<hbm>>
      tpu.enqueue_indirect_dma source(%dma_start3A_420 : memref<10000x128xf32, #tpu.memory_space<hbm>>) target(%arg14 : memref<64x128xf32, #tpu.memory_space<vmem>>) offsets(%dma_start3A_417 : memref<64xi32, #tpu.memory_space<vmem>>) semaphore(%arg20 : memref<!tpu.dma_semaphore, #tpu.memory_space<semaphore_mem>>)
      %mul3A_421 = arith.constant 10 : i32
      %mul3A_422 = arith.muli %add3A_385, %mul3A_421 : i32
      %add3A_423 = arith.constant 1 : i32
      %add3A_424 = arith.addi %mul3A_422, %add3A_423 : i32
      %dma_wait3A_425 = arith.constant 1 : i32
      %dma_wait3A_426 = arith.constant 0 : i32
      %dma_wait3A_427 = tpu.memref_slice %arg7[%dma_wait3A_425, %dma_wait3A_426] : memref<10x64xi32, #tpu.memory_space<vmem>> -> memref<1x64xi32, #tpu.memory_space<vmem>>
      %dma_wait3A_428 = tpu.memref_squeeze %dma_wait3A_427 : memref<1x64xi32, #tpu.memory_space<vmem>> -> memref<64xi32, #tpu.memory_space<vmem>>
      %dma_wait3A_429 = arith.constant 0 : i32
      %dma_wait3A_430 = arith.constant 0 : i32
      %dma_wait3A_431 = tpu.memref_slice %arg2[%dma_wait3A_429, %dma_wait3A_430] : memref<10000x128xf32, #tpu.memory_space<hbm>> -> memref<10000x128xf32, #tpu.memory_space<hbm>>
      tpu.wait_indirect_dma semaphore(%arg17 : memref<!tpu.dma_semaphore, #tpu.memory_space<semaphore_mem>>) src(%dma_wait3A_431 : memref<10000x128xf32, #tpu.memory_space<hbm>>) dst(%arg11 : memref<64x128xf32, #tpu.memory_space<vmem>>)
      %dma_start3A_432 = arith.constant 1 : i32
      %dma_start3A_433 = arith.constant 0 : i32
      %dma_start3A_434 = tpu.memref_slice %arg9[%dma_start3A_432, %dma_start3A_433] : memref<10x64xi32, #tpu.memory_space<vmem>> -> memref<1x64xi32, #tpu.memory_space<vmem>>
      %dma_start3A_435 = tpu.memref_squeeze %dma_start3A_434 : memref<1x64xi32, #tpu.memory_space<vmem>> -> memref<64xi32, #tpu.memory_space<vmem>>
      %dma_start3A_436 = arith.constant 0 : i32
      %dma_start3A_437 = arith.constant 0 : i32
      %dma_start3A_438 = tpu.memref_slice %arg15[%dma_start3A_436, %dma_start3A_437] : memref<10128x128xf32, #tpu.memory_space<vmem_shared>> -> memref<10128x128xf32, #tpu.memory_space<vmem_shared>>
      tpu.enqueue_indirect_dma source(%arg11 : memref<64x128xf32, #tpu.memory_space<vmem>>) target(%dma_start3A_438 : memref<10128x128xf32, #tpu.memory_space<vmem_shared>>) offsets(%dma_start3A_435 : memref<64xi32, #tpu.memory_space<vmem>>) semaphore(%arg22 : memref<!tpu.dma_semaphore, #tpu.memory_space<semaphore_mem>>) {add = true}
      %dma_wait3A_439 = arith.constant 1 : i32
      %dma_wait3A_440 = arith.constant 0 : i32
      %dma_wait3A_441 = tpu.memref_slice %arg9[%dma_wait3A_439, %dma_wait3A_440] : memref<10x64xi32, #tpu.memory_space<vmem>> -> memref<1x64xi32, #tpu.memory_space<vmem>>
      %dma_wait3A_442 = tpu.memref_squeeze %dma_wait3A_441 : memref<1x64xi32, #tpu.memory_space<vmem>> -> memref<64xi32, #tpu.memory_space<vmem>>
      %dma_wait3A_443 = arith.constant 0 : i32
      %dma_wait3A_444 = arith.constant 0 : i32
      %dma_wait3A_445 = tpu.memref_slice %arg15[%dma_wait3A_443, %dma_wait3A_444] : memref<10128x128xf32, #tpu.memory_space<vmem_shared>> -> memref<10128x128xf32, #tpu.memory_space<vmem_shared>>
      tpu.wait_indirect_dma semaphore(%arg21 : memref<!tpu.dma_semaphore, #tpu.memory_space<semaphore_mem>>) src(%arg10 : memref<64x128xf32, #tpu.memory_space<vmem>>) dst(%dma_wait3A_445 : memref<10128x128xf32, #tpu.memory_space<vmem_shared>>)
      %dma_start3A_446 = arith.constant 5 : i32
      %dma_start3A_447 = arith.constant 0 : i32
      %dma_start3A_448 = tpu.memref_slice %arg7[%dma_start3A_446, %dma_start3A_447] : memref<10x64xi32, #tpu.memory_space<vmem>> -> memref<1x64xi32, #tpu.memory_space<vmem>>
      %dma_start3A_449 = tpu.memref_squeeze %dma_start3A_448 : memref<1x64xi32, #tpu.memory_space<vmem>> -> memref<64xi32, #tpu.memory_space<vmem>>
      %dma_start3A_450 = arith.constant 0 : i32
      %dma_start3A_451 = arith.constant 0 : i32
      %dma_start3A_452 = tpu.memref_slice %arg2[%dma_start3A_450, %dma_start3A_451] : memref<10000x128xf32, #tpu.memory_space<hbm>> -> memref<10000x128xf32, #tpu.memory_space<hbm>>
      tpu.enqueue_indirect_dma source(%dma_start3A_452 : memref<10000x128xf32, #tpu.memory_space<hbm>>) target(%arg10 : memref<64x128xf32, #tpu.memory_space<vmem>>) offsets(%dma_start3A_449 : memref<64xi32, #tpu.memory_space<vmem>>) semaphore(%arg16 : memref<!tpu.dma_semaphore, #tpu.memory_space<semaphore_mem>>)
      %mul3A_453 = arith.constant 10 : i32
      %mul3A_454 = arith.muli %add3A_385, %mul3A_453 : i32
      %add3A_455 = arith.constant 2 : i32
      %add3A_456 = arith.addi %mul3A_454, %add3A_455 : i32
      %dma_wait3A_457 = arith.constant 2 : i32
      %dma_wait3A_458 = arith.constant 0 : i32
      %dma_wait3A_459 = tpu.memref_slice %arg7[%dma_wait3A_457, %dma_wait3A_458] : memref<10x64xi32, #tpu.memory_space<vmem>> -> memref<1x64xi32, #tpu.memory_space<vmem>>
      %dma_wait3A_460 = tpu.memref_squeeze %dma_wait3A_459 : memref<1x64xi32, #tpu.memory_space<vmem>> -> memref<64xi32, #tpu.memory_space<vmem>>
      %dma_wait3A_461 = arith.constant 0 : i32
      %dma_wait3A_462 = arith.constant 0 : i32
      %dma_wait3A_463 = tpu.memref_slice %arg2[%dma_wait3A_461, %dma_wait3A_462] : memref<10000x128xf32, #tpu.memory_space<hbm>> -> memref<10000x128xf32, #tpu.memory_space<hbm>>
      tpu.wait_indirect_dma semaphore(%arg18 : memref<!tpu.dma_semaphore, #tpu.memory_space<semaphore_mem>>) src(%dma_wait3A_463 : memref<10000x128xf32, #tpu.memory_space<hbm>>) dst(%arg12 : memref<64x128xf32, #tpu.memory_space<vmem>>)
      %dma_start3A_464 = arith.constant 2 : i32
      %dma_start3A_465 = arith.constant 0 : i32
      %dma_start3A_466 = tpu.memref_slice %arg9[%dma_start3A_464, %dma_start3A_465] : memref<10x64xi32, #tpu.memory_space<vmem>> -> memref<1x64xi32, #tpu.memory_space<vmem>>
      %dma_start3A_467 = tpu.memref_squeeze %dma_start3A_466 : memref<1x64xi32, #tpu.memory_space<vmem>> -> memref<64xi32, #tpu.memory_space<vmem>>
      %dma_start3A_468 = arith.constant 0 : i32
      %dma_start3A_469 = arith.constant 0 : i32
      %dma_start3A_470 = tpu.memref_slice %arg15[%dma_start3A_468, %dma_start3A_469] : memref<10128x128xf32, #tpu.memory_space<vmem_shared>> -> memref<10128x128xf32, #tpu.memory_space<vmem_shared>>
      tpu.enqueue_indirect_dma source(%arg12 : memref<64x128xf32, #tpu.memory_space<vmem>>) target(%dma_start3A_470 : memref<10128x128xf32, #tpu.memory_space<vmem_shared>>) offsets(%dma_start3A_467 : memref<64xi32, #tpu.memory_space<vmem>>) semaphore(%arg23 : memref<!tpu.dma_semaphore, #tpu.memory_space<semaphore_mem>>) {add = true}
      %dma_wait3A_471 = arith.constant 2 : i32
      %dma_wait3A_472 = arith.constant 0 : i32
      %dma_wait3A_473 = tpu.memref_slice %arg9[%dma_wait3A_471, %dma_wait3A_472] : memref<10x64xi32, #tpu.memory_space<vmem>> -> memref<1x64xi32, #tpu.memory_space<vmem>>
      %dma_wait3A_474 = tpu.memref_squeeze %dma_wait3A_473 : memref<1x64xi32, #tpu.memory_space<vmem>> -> memref<64xi32, #tpu.memory_space<vmem>>
      %dma_wait3A_475 = arith.constant 0 : i32
      %dma_wait3A_476 = arith.constant 0 : i32
      %dma_wait3A_477 = tpu.memref_slice %arg15[%dma_wait3A_475, %dma_wait3A_476] : memref<10128x128xf32, #tpu.memory_space<vmem_shared>> -> memref<10128x128xf32, #tpu.memory_space<vmem_shared>>
      tpu.wait_indirect_dma semaphore(%arg22 : memref<!tpu.dma_semaphore, #tpu.memory_space<semaphore_mem>>) src(%arg11 : memref<64x128xf32, #tpu.memory_space<vmem>>) dst(%dma_wait3A_477 : memref<10128x128xf32, #tpu.memory_space<vmem_shared>>)
      %dma_start3A_478 = arith.constant 6 : i32
      %dma_start3A_479 = arith.constant 0 : i32
      %dma_start3A_480 = tpu.memref_slice %arg7[%dma_start3A_478, %dma_start3A_479] : memref<10x64xi32, #tpu.memory_space<vmem>> -> memref<1x64xi32, #tpu.memory_space<vmem>>
      %dma_start3A_481 = tpu.memref_squeeze %dma_start3A_480 : memref<1x64xi32, #tpu.memory_space<vmem>> -> memref<64xi32, #tpu.memory_space<vmem>>
      %dma_start3A_482 = arith.constant 0 : i32
      %dma_start3A_483 = arith.constant 0 : i32
      %dma_start3A_484 = tpu.memref_slice %arg2[%dma_start3A_482, %dma_start3A_483] : memref<10000x128xf32, #tpu.memory_space<hbm>> -> memref<10000x128xf32, #tpu.memory_space<hbm>>
      tpu.enqueue_indirect_dma source(%dma_start3A_484 : memref<10000x128xf32, #tpu.memory_space<hbm>>) target(%arg11 : memref<64x128xf32, #tpu.memory_space<vmem>>) offsets(%dma_start3A_481 : memref<64xi32, #tpu.memory_space<vmem>>) semaphore(%arg17 : memref<!tpu.dma_semaphore, #tpu.memory_space<semaphore_mem>>)
      %mul3A_485 = arith.constant 10 : i32
      %mul3A_486 = arith.muli %add3A_385, %mul3A_485 : i32
      %add3A_487 = arith.constant 3 : i32
      %add3A_488 = arith.addi %mul3A_486, %add3A_487 : i32
      %dma_wait3A_489 = arith.constant 3 : i32
      %dma_wait3A_490 = arith.constant 0 : i32
      %dma_wait3A_491 = tpu.memref_slice %arg7[%dma_wait3A_489, %dma_wait3A_490] : memref<10x64xi32, #tpu.memory_space<vmem>> -> memref<1x64xi32, #tpu.memory_space<vmem>>
      %dma_wait3A_492 = tpu.memref_squeeze %dma_wait3A_491 : memref<1x64xi32, #tpu.memory_space<vmem>> -> memref<64xi32, #tpu.memory_space<vmem>>
      %dma_wait3A_493 = arith.constant 0 : i32
      %dma_wait3A_494 = arith.constant 0 : i32
      %dma_wait3A_495 = tpu.memref_slice %arg2[%dma_wait3A_493, %dma_wait3A_494] : memref<10000x128xf32, #tpu.memory_space<hbm>> -> memref<10000x128xf32, #tpu.memory_space<hbm>>
      tpu.wait_indirect_dma semaphore(%arg19 : memref<!tpu.dma_semaphore, #tpu.memory_space<semaphore_mem>>) src(%dma_wait3A_495 : memref<10000x128xf32, #tpu.memory_space<hbm>>) dst(%arg13 : memref<64x128xf32, #tpu.memory_space<vmem>>)
      %dma_start3A_496 = arith.constant 3 : i32
      %dma_start3A_497 = arith.constant 0 : i32
      %dma_start3A_498 = tpu.memref_slice %arg9[%dma_start3A_496, %dma_start3A_497] : memref<10x64xi32, #tpu.memory_space<vmem>> -> memref<1x64xi32, #tpu.memory_space<vmem>>
      %dma_start3A_499 = tpu.memref_squeeze %dma_start3A_498 : memref<1x64xi32, #tpu.memory_space<vmem>> -> memref<64xi32, #tpu.memory_space<vmem>>
      %dma_start3A_500 = arith.constant 0 : i32
      %dma_start3A_501 = arith.constant 0 : i32
      %dma_start3A_502 = tpu.memref_slice %arg15[%dma_start3A_500, %dma_start3A_501] : memref<10128x128xf32, #tpu.memory_space<vmem_shared>> -> memref<10128x128xf32, #tpu.memory_space<vmem_shared>>
      tpu.enqueue_indirect_dma source(%arg13 : memref<64x128xf32, #tpu.memory_space<vmem>>) target(%dma_start3A_502 : memref<10128x128xf32, #tpu.memory_space<vmem_shared>>) offsets(%dma_start3A_499 : memref<64xi32, #tpu.memory_space<vmem>>) semaphore(%arg24 : memref<!tpu.dma_semaphore, #tpu.memory_space<semaphore_mem>>) {add = true}
      %dma_wait3A_503 = arith.constant 3 : i32
      %dma_wait3A_504 = arith.constant 0 : i32
      %dma_wait3A_505 = tpu.memref_slice %arg9[%dma_wait3A_503, %dma_wait3A_504] : memref<10x64xi32, #tpu.memory_space<vmem>> -> memref<1x64xi32, #tpu.memory_space<vmem>>
      %dma_wait3A_506 = tpu.memref_squeeze %dma_wait3A_505 : memref<1x64xi32, #tpu.memory_space<vmem>> -> memref<64xi32, #tpu.memory_space<vmem>>
      %dma_wait3A_507 = arith.constant 0 : i32
      %dma_wait3A_508 = arith.constant 0 : i32
      %dma_wait3A_509 = tpu.memref_slice %arg15[%dma_wait3A_507, %dma_wait3A_508] : memref<10128x128xf32, #tpu.memory_space<vmem_shared>> -> memref<10128x128xf32, #tpu.memory_space<vmem_shared>>
      tpu.wait_indirect_dma semaphore(%arg23 : memref<!tpu.dma_semaphore, #tpu.memory_space<semaphore_mem>>) src(%arg12 : memref<64x128xf32, #tpu.memory_space<vmem>>) dst(%dma_wait3A_509 : memref<10128x128xf32, #tpu.memory_space<vmem_shared>>)
      %dma_start3A_510 = arith.constant 7 : i32
      %dma_start3A_511 = arith.constant 0 : i32
      %dma_start3A_512 = tpu.memref_slice %arg7[%dma_start3A_510, %dma_start3A_511] : memref<10x64xi32, #tpu.memory_space<vmem>> -> memref<1x64xi32, #tpu.memory_space<vmem>>
      %dma_start3A_513 = tpu.memref_squeeze %dma_start3A_512 : memref<1x64xi32, #tpu.memory_space<vmem>> -> memref<64xi32, #tpu.memory_space<vmem>>
      %dma_start3A_514 = arith.constant 0 : i32
      %dma_start3A_515 = arith.constant 0 : i32
      %dma_start3A_516 = tpu.memref_slice %arg2[%dma_start3A_514, %dma_start3A_515] : memref<10000x128xf32, #tpu.memory_space<hbm>> -> memref<10000x128xf32, #tpu.memory_space<hbm>>
      tpu.enqueue_indirect_dma source(%dma_start3A_516 : memref<10000x128xf32, #tpu.memory_space<hbm>>) target(%arg12 : memref<64x128xf32, #tpu.memory_space<vmem>>) offsets(%dma_start3A_513 : memref<64xi32, #tpu.memory_space<vmem>>) semaphore(%arg18 : memref<!tpu.dma_semaphore, #tpu.memory_space<semaphore_mem>>)
      %mul3A_517 = arith.constant 10 : i32
      %mul3A_518 = arith.muli %add3A_385, %mul3A_517 : i32
      %add3A_519 = arith.constant 4 : i32
      %add3A_520 = arith.addi %mul3A_518, %add3A_519 : i32
      %dma_wait3A_521 = arith.constant 4 : i32
      %dma_wait3A_522 = arith.constant 0 : i32
      %dma_wait3A_523 = tpu.memref_slice %arg7[%dma_wait3A_521, %dma_wait3A_522] : memref<10x64xi32, #tpu.memory_space<vmem>> -> memref<1x64xi32, #tpu.memory_space<vmem>>
      %dma_wait3A_524 = tpu.memref_squeeze %dma_wait3A_523 : memref<1x64xi32, #tpu.memory_space<vmem>> -> memref<64xi32, #tpu.memory_space<vmem>>
      %dma_wait3A_525 = arith.constant 0 : i32
      %dma_wait3A_526 = arith.constant 0 : i32
      %dma_wait3A_527 = tpu.memref_slice %arg2[%dma_wait3A_525, %dma_wait3A_526] : memref<10000x128xf32, #tpu.memory_space<hbm>> -> memref<10000x128xf32, #tpu.memory_space<hbm>>
      tpu.wait_indirect_dma semaphore(%arg20 : memref<!tpu.dma_semaphore, #tpu.memory_space<semaphore_mem>>) src(%dma_wait3A_527 : memref<10000x128xf32, #tpu.memory_space<hbm>>) dst(%arg14 : memref<64x128xf32, #tpu.memory_space<vmem>>)
      %dma_start3A_528 = arith.constant 4 : i32
      %dma_start3A_529 = arith.constant 0 : i32
      %dma_start3A_530 = tpu.memref_slice %arg9[%dma_start3A_528, %dma_start3A_529] : memref<10x64xi32, #tpu.memory_space<vmem>> -> memref<1x64xi32, #tpu.memory_space<vmem>>
      %dma_start3A_531 = tpu.memref_squeeze %dma_start3A_530 : memref<1x64xi32, #tpu.memory_space<vmem>> -> memref<64xi32, #tpu.memory_space<vmem>>
      %dma_start3A_532 = arith.constant 0 : i32
      %dma_start3A_533 = arith.constant 0 : i32
      %dma_start3A_534 = tpu.memref_slice %arg15[%dma_start3A_532, %dma_start3A_533] : memref<10128x128xf32, #tpu.memory_space<vmem_shared>> -> memref<10128x128xf32, #tpu.memory_space<vmem_shared>>
      tpu.enqueue_indirect_dma source(%arg14 : memref<64x128xf32, #tpu.memory_space<vmem>>) target(%dma_start3A_534 : memref<10128x128xf32, #tpu.memory_space<vmem_shared>>) offsets(%dma_start3A_531 : memref<64xi32, #tpu.memory_space<vmem>>) semaphore(%arg25 : memref<!tpu.dma_semaphore, #tpu.memory_space<semaphore_mem>>) {add = true}
      %dma_wait3A_535 = arith.constant 4 : i32
      %dma_wait3A_536 = arith.constant 0 : i32
      %dma_wait3A_537 = tpu.memref_slice %arg9[%dma_wait3A_535, %dma_wait3A_536] : memref<10x64xi32, #tpu.memory_space<vmem>> -> memref<1x64xi32, #tpu.memory_space<vmem>>
      %dma_wait3A_538 = tpu.memref_squeeze %dma_wait3A_537 : memref<1x64xi32, #tpu.memory_space<vmem>> -> memref<64xi32, #tpu.memory_space<vmem>>
      %dma_wait3A_539 = arith.constant 0 : i32
      %dma_wait3A_540 = arith.constant 0 : i32
      %dma_wait3A_541 = tpu.memref_slice %arg15[%dma_wait3A_539, %dma_wait3A_540] : memref<10128x128xf32, #tpu.memory_space<vmem_shared>> -> memref<10128x128xf32, #tpu.memory_space<vmem_shared>>
      tpu.wait_indirect_dma semaphore(%arg24 : memref<!tpu.dma_semaphore, #tpu.memory_space<semaphore_mem>>) src(%arg13 : memref<64x128xf32, #tpu.memory_space<vmem>>) dst(%dma_wait3A_541 : memref<10128x128xf32, #tpu.memory_space<vmem_shared>>)
      %dma_start3A_542 = arith.constant 8 : i32
      %dma_start3A_543 = arith.constant 0 : i32
      %dma_start3A_544 = tpu.memref_slice %arg7[%dma_start3A_542, %dma_start3A_543] : memref<10x64xi32, #tpu.memory_space<vmem>> -> memref<1x64xi32, #tpu.memory_space<vmem>>
      %dma_start3A_545 = tpu.memref_squeeze %dma_start3A_544 : memref<1x64xi32, #tpu.memory_space<vmem>> -> memref<64xi32, #tpu.memory_space<vmem>>
      %dma_start3A_546 = arith.constant 0 : i32
      %dma_start3A_547 = arith.constant 0 : i32
      %dma_start3A_548 = tpu.memref_slice %arg2[%dma_start3A_546, %dma_start3A_547] : memref<10000x128xf32, #tpu.memory_space<hbm>> -> memref<10000x128xf32, #tpu.memory_space<hbm>>
      tpu.enqueue_indirect_dma source(%dma_start3A_548 : memref<10000x128xf32, #tpu.memory_space<hbm>>) target(%arg13 : memref<64x128xf32, #tpu.memory_space<vmem>>) offsets(%dma_start3A_545 : memref<64xi32, #tpu.memory_space<vmem>>) semaphore(%arg19 : memref<!tpu.dma_semaphore, #tpu.memory_space<semaphore_mem>>)
      %mul3A_549 = arith.constant 10 : i32
      %mul3A_550 = arith.muli %add3A_385, %mul3A_549 : i32
      %add3A_551 = arith.constant 5 : i32
      %add3A_552 = arith.addi %mul3A_550, %add3A_551 : i32
      %dma_wait3A_553 = arith.constant 5 : i32
      %dma_wait3A_554 = arith.constant 0 : i32
      %dma_wait3A_555 = tpu.memref_slice %arg7[%dma_wait3A_553, %dma_wait3A_554] : memref<10x64xi32, #tpu.memory_space<vmem>> -> memref<1x64xi32, #tpu.memory_space<vmem>>
      %dma_wait3A_556 = tpu.memref_squeeze %dma_wait3A_555 : memref<1x64xi32, #tpu.memory_space<vmem>> -> memref<64xi32, #tpu.memory_space<vmem>>
      %dma_wait3A_557 = arith.constant 0 : i32
      %dma_wait3A_558 = arith.constant 0 : i32
      %dma_wait3A_559 = tpu.memref_slice %arg2[%dma_wait3A_557, %dma_wait3A_558] : memref<10000x128xf32, #tpu.memory_space<hbm>> -> memref<10000x128xf32, #tpu.memory_space<hbm>>
      tpu.wait_indirect_dma semaphore(%arg16 : memref<!tpu.dma_semaphore, #tpu.memory_space<semaphore_mem>>) src(%dma_wait3A_559 : memref<10000x128xf32, #tpu.memory_space<hbm>>) dst(%arg10 : memref<64x128xf32, #tpu.memory_space<vmem>>)
      %dma_start3A_560 = arith.constant 5 : i32
      %dma_start3A_561 = arith.constant 0 : i32
      %dma_start3A_562 = tpu.memref_slice %arg9[%dma_start3A_560, %dma_start3A_561] : memref<10x64xi32, #tpu.memory_space<vmem>> -> memref<1x64xi32, #tpu.memory_space<vmem>>
      %dma_start3A_563 = tpu.memref_squeeze %dma_start3A_562 : memref<1x64xi32, #tpu.memory_space<vmem>> -> memref<64xi32, #tpu.memory_space<vmem>>
      %dma_start3A_564 = arith.constant 0 : i32
      %dma_start3A_565 = arith.constant 0 : i32
      %dma_start3A_566 = tpu.memref_slice %arg15[%dma_start3A_564, %dma_start3A_565] : memref<10128x128xf32, #tpu.memory_space<vmem_shared>> -> memref<10128x128xf32, #tpu.memory_space<vmem_shared>>
      tpu.enqueue_indirect_dma source(%arg10 : memref<64x128xf32, #tpu.memory_space<vmem>>) target(%dma_start3A_566 : memref<10128x128xf32, #tpu.memory_space<vmem_shared>>) offsets(%dma_start3A_563 : memref<64xi32, #tpu.memory_space<vmem>>) semaphore(%arg21 : memref<!tpu.dma_semaphore, #tpu.memory_space<semaphore_mem>>) {add = true}
      %dma_wait3A_567 = arith.constant 5 : i32
      %dma_wait3A_568 = arith.constant 0 : i32
      %dma_wait3A_569 = tpu.memref_slice %arg9[%dma_wait3A_567, %dma_wait3A_568] : memref<10x64xi32, #tpu.memory_space<vmem>> -> memref<1x64xi32, #tpu.memory_space<vmem>>
      %dma_wait3A_570 = tpu.memref_squeeze %dma_wait3A_569 : memref<1x64xi32, #tpu.memory_space<vmem>> -> memref<64xi32, #tpu.memory_space<vmem>>
      %dma_wait3A_571 = arith.constant 0 : i32
      %dma_wait3A_572 = arith.constant 0 : i32
      %dma_wait3A_573 = tpu.memref_slice %arg15[%dma_wait3A_571, %dma_wait3A_572] : memref<10128x128xf32, #tpu.memory_space<vmem_shared>> -> memref<10128x128xf32, #tpu.memory_space<vmem_shared>>
      tpu.wait_indirect_dma semaphore(%arg25 : memref<!tpu.dma_semaphore, #tpu.memory_space<semaphore_mem>>) src(%arg14 : memref<64x128xf32, #tpu.memory_space<vmem>>) dst(%dma_wait3A_573 : memref<10128x128xf32, #tpu.memory_space<vmem_shared>>)
      %dma_start3A_574 = arith.constant 9 : i32
      %dma_start3A_575 = arith.constant 0 : i32
      %dma_start3A_576 = tpu.memref_slice %arg7[%dma_start3A_574, %dma_start3A_575] : memref<10x64xi32, #tpu.memory_space<vmem>> -> memref<1x64xi32, #tpu.memory_space<vmem>>
      %dma_start3A_577 = tpu.memref_squeeze %dma_start3A_576 : memref<1x64xi32, #tpu.memory_space<vmem>> -> memref<64xi32, #tpu.memory_space<vmem>>
      %dma_start3A_578 = arith.constant 0 : i32
      %dma_start3A_579 = arith.constant 0 : i32
      %dma_start3A_580 = tpu.memref_slice %arg2[%dma_start3A_578, %dma_start3A_579] : memref<10000x128xf32, #tpu.memory_space<hbm>> -> memref<10000x128xf32, #tpu.memory_space<hbm>>
      tpu.enqueue_indirect_dma source(%dma_start3A_580 : memref<10000x128xf32, #tpu.memory_space<hbm>>) target(%arg14 : memref<64x128xf32, #tpu.memory_space<vmem>>) offsets(%dma_start3A_577 : memref<64xi32, #tpu.memory_space<vmem>>) semaphore(%arg20 : memref<!tpu.dma_semaphore, #tpu.memory_space<semaphore_mem>>)
      %mul3A_581 = arith.constant 10 : i32
      %mul3A_582 = arith.muli %add3A_385, %mul3A_581 : i32
      %add3A_583 = arith.constant 6 : i32
      %add3A_584 = arith.addi %mul3A_582, %add3A_583 : i32
      %dma_wait3A_585 = arith.constant 6 : i32
      %dma_wait3A_586 = arith.constant 0 : i32
      %dma_wait3A_587 = tpu.memref_slice %arg7[%dma_wait3A_585, %dma_wait3A_586] : memref<10x64xi32, #tpu.memory_space<vmem>> -> memref<1x64xi32, #tpu.memory_space<vmem>>
      %dma_wait3A_588 = tpu.memref_squeeze %dma_wait3A_587 : memref<1x64xi32, #tpu.memory_space<vmem>> -> memref<64xi32, #tpu.memory_space<vmem>>
      %dma_wait3A_589 = arith.constant 0 : i32
      %dma_wait3A_590 = arith.constant 0 : i32
      %dma_wait3A_591 = tpu.memref_slice %arg2[%dma_wait3A_589, %dma_wait3A_590] : memref<10000x128xf32, #tpu.memory_space<hbm>> -> memref<10000x128xf32, #tpu.memory_space<hbm>>
      tpu.wait_indirect_dma semaphore(%arg17 : memref<!tpu.dma_semaphore, #tpu.memory_space<semaphore_mem>>) src(%dma_wait3A_591 : memref<10000x128xf32, #tpu.memory_space<hbm>>) dst(%arg11 : memref<64x128xf32, #tpu.memory_space<vmem>>)
      %dma_start3A_592 = arith.constant 6 : i32
      %dma_start3A_593 = arith.constant 0 : i32
      %dma_start3A_594 = tpu.memref_slice %arg9[%dma_start3A_592, %dma_start3A_593] : memref<10x64xi32, #tpu.memory_space<vmem>> -> memref<1x64xi32, #tpu.memory_space<vmem>>
      %dma_start3A_595 = tpu.memref_squeeze %dma_start3A_594 : memref<1x64xi32, #tpu.memory_space<vmem>> -> memref<64xi32, #tpu.memory_space<vmem>>
      %dma_start3A_596 = arith.constant 0 : i32
      %dma_start3A_597 = arith.constant 0 : i32
      %dma_start3A_598 = tpu.memref_slice %arg15[%dma_start3A_596, %dma_start3A_597] : memref<10128x128xf32, #tpu.memory_space<vmem_shared>> -> memref<10128x128xf32, #tpu.memory_space<vmem_shared>>
      tpu.enqueue_indirect_dma source(%arg11 : memref<64x128xf32, #tpu.memory_space<vmem>>) target(%dma_start3A_598 : memref<10128x128xf32, #tpu.memory_space<vmem_shared>>) offsets(%dma_start3A_595 : memref<64xi32, #tpu.memory_space<vmem>>) semaphore(%arg22 : memref<!tpu.dma_semaphore, #tpu.memory_space<semaphore_mem>>) {add = true}
      %dma_wait3A_599 = arith.constant 6 : i32
      %dma_wait3A_600 = arith.constant 0 : i32
      %dma_wait3A_601 = tpu.memref_slice %arg9[%dma_wait3A_599, %dma_wait3A_600] : memref<10x64xi32, #tpu.memory_space<vmem>> -> memref<1x64xi32, #tpu.memory_space<vmem>>
      %dma_wait3A_602 = tpu.memref_squeeze %dma_wait3A_601 : memref<1x64xi32, #tpu.memory_space<vmem>> -> memref<64xi32, #tpu.memory_space<vmem>>
      %dma_wait3A_603 = arith.constant 0 : i32
      %dma_wait3A_604 = arith.constant 0 : i32
      %dma_wait3A_605 = tpu.memref_slice %arg15[%dma_wait3A_603, %dma_wait3A_604] : memref<10128x128xf32, #tpu.memory_space<vmem_shared>> -> memref<10128x128xf32, #tpu.memory_space<vmem_shared>>
      tpu.wait_indirect_dma semaphore(%arg21 : memref<!tpu.dma_semaphore, #tpu.memory_space<semaphore_mem>>) src(%arg10 : memref<64x128xf32, #tpu.memory_space<vmem>>) dst(%dma_wait3A_605 : memref<10128x128xf32, #tpu.memory_space<vmem_shared>>)
      %lt3A_606 = arith.constant 15 : i32
      %lt3A_607 = arith.cmpi slt, %add3A_385, %lt3A_606 : i32
      %convert_element_type3A_608 = arith.extui %lt3A_607 : i1 to i32
      %cond3A_609 = arith.constant 0 : i32
      %cond3A_610 = arith.cmpi ne, %convert_element_type3A_608, %cond3A_609 : i32
      scf.if %cond3A_610 {
        %dma_wait3A_706 = arith.constant 0 : i32
        %dma_wait3A_707 = arith.constant 0 : i32
        %dma_wait3A_708 = arith.constant 0 : i32
        %dma_wait3A_709 = arith.constant 0 : i32
        %dma_wait3A_710 = arith.constant 0 : i32
        %dma_wait3A_711 = tpu.memref_slice %arg3[%scan3A, %dma_wait3A_707, %dma_wait3A_708, %dma_wait3A_709, %dma_wait3A_710] : memref<2x32x16x10x64xi32, #tpu.memory_space<hbm>> -> memref<1x32x16x10x64xi32, #tpu.memory_space<hbm>>
        %dma_wait3A_712 = tpu.memref_squeeze %dma_wait3A_711 : memref<1x32x16x10x64xi32, #tpu.memory_space<hbm>> -> memref<32x16x10x64xi32, #tpu.memory_space<hbm>>
        %dma_wait3A_713 = arith.constant 0 : i32
        %dma_wait3A_714 = arith.constant 0 : i32
        %dma_wait3A_715 = arith.constant 0 : i32
        %dma_wait3A_716 = tpu.memref_slice %dma_wait3A_712[%add3A, %dma_wait3A_713, %dma_wait3A_714, %dma_wait3A_715] : memref<32x16x10x64xi32, #tpu.memory_space<hbm>> -> memref<1x16x10x64xi32, #tpu.memory_space<hbm>>
        %dma_wait3A_717 = tpu.memref_squeeze %dma_wait3A_716 : memref<1x16x10x64xi32, #tpu.memory_space<hbm>> -> memref<16x10x64xi32, #tpu.memory_space<hbm>>
        %dma_wait3A_718 = arith.constant 0 : i32
        %dma_wait3A_719 = arith.constant 0 : i32
        %dma_wait3A_720 = tpu.memref_slice %dma_wait3A_717[%dma_wait3A_706, %dma_wait3A_718, %dma_wait3A_719] : memref<16x10x64xi32, #tpu.memory_space<hbm>> -> memref<1x10x64xi32, #tpu.memory_space<hbm>>
        %dma_wait3A_721 = tpu.memref_squeeze %dma_wait3A_720 : memref<1x10x64xi32, #tpu.memory_space<hbm>> -> memref<10x64xi32, #tpu.memory_space<hbm>>
        %dma_wait3A_722 = arith.constant 0 : i32
        %dma_wait3A_723 = arith.constant 0 : i32
        %dma_wait3A_724 = arith.constant 0 : i32
        %dma_wait3A_725 = arith.constant 0 : i32
        %dma_wait3A_726 = tpu.memref_slice %arg3[%scan3A, %dma_wait3A_722, %dma_wait3A_723, %dma_wait3A_724, %dma_wait3A_725] : memref<2x32x16x10x64xi32, #tpu.memory_space<hbm>> -> memref<1x32x16x10x64xi32, #tpu.memory_space<hbm>>
        %dma_wait3A_727 = tpu.memref_squeeze %dma_wait3A_726 : memref<1x32x16x10x64xi32, #tpu.memory_space<hbm>> -> memref<32x16x10x64xi32, #tpu.memory_space<hbm>>
        %dma_wait3A_728 = arith.constant 0 : i32
        %dma_wait3A_729 = arith.constant 0 : i32
        %dma_wait3A_730 = arith.constant 0 : i32
        %dma_wait3A_731 = tpu.memref_slice %dma_wait3A_727[%add3A, %dma_wait3A_728, %dma_wait3A_729, %dma_wait3A_730] : memref<32x16x10x64xi32, #tpu.memory_space<hbm>> -> memref<1x16x10x64xi32, #tpu.memory_space<hbm>>
        %dma_wait3A_732 = tpu.memref_squeeze %dma_wait3A_731 : memref<1x16x10x64xi32, #tpu.memory_space<hbm>> -> memref<16x10x64xi32, #tpu.memory_space<hbm>>
        %dma_wait3A_733 = arith.constant 0 : i32
        %dma_wait3A_734 = arith.constant 0 : i32
        %dma_wait3A_735 = tpu.memref_slice %dma_wait3A_732[%dma_wait3A_706, %dma_wait3A_733, %dma_wait3A_734] : memref<16x10x64xi32, #tpu.memory_space<hbm>> -> memref<1x10x64xi32, #tpu.memory_space<hbm>>
        %dma_wait3A_736 = tpu.memref_squeeze %dma_wait3A_735 : memref<1x10x64xi32, #tpu.memory_space<hbm>> -> memref<10x64xi32, #tpu.memory_space<hbm>>
        tpu.wait_dma2 semaphore(%arg26 : memref<!tpu.dma_semaphore, #tpu.memory_space<semaphore_mem>>) src(%dma_wait3A_736 : memref<10x64xi32, #tpu.memory_space<hbm>>) dst(%arg6 : memref<10x64xi32, #tpu.memory_space<vmem>>)
        %dma_wait3A_737 = arith.constant 0 : i32
        %dma_wait3A_738 = arith.constant 0 : i32
        %dma_wait3A_739 = arith.constant 0 : i32
        %dma_wait3A_740 = arith.constant 0 : i32
        %dma_wait3A_741 = arith.constant 0 : i32
        %dma_wait3A_742 = tpu.memref_slice %arg3[%scan3A_37, %dma_wait3A_738, %dma_wait3A_739, %dma_wait3A_740, %dma_wait3A_741] : memref<2x32x16x10x64xi32, #tpu.memory_space<hbm>> -> memref<1x32x16x10x64xi32, #tpu.memory_space<hbm>>
        %dma_wait3A_743 = tpu.memref_squeeze %dma_wait3A_742 : memref<1x32x16x10x64xi32, #tpu.memory_space<hbm>> -> memref<32x16x10x64xi32, #tpu.memory_space<hbm>>
        %dma_wait3A_744 = arith.constant 0 : i32
        %dma_wait3A_745 = arith.constant 0 : i32
        %dma_wait3A_746 = arith.constant 0 : i32
        %dma_wait3A_747 = tpu.memref_slice %dma_wait3A_743[%add3A, %dma_wait3A_744, %dma_wait3A_745, %dma_wait3A_746] : memref<32x16x10x64xi32, #tpu.memory_space<hbm>> -> memref<1x16x10x64xi32, #tpu.memory_space<hbm>>
        %dma_wait3A_748 = tpu.memref_squeeze %dma_wait3A_747 : memref<1x16x10x64xi32, #tpu.memory_space<hbm>> -> memref<16x10x64xi32, #tpu.memory_space<hbm>>
        %dma_wait3A_749 = arith.constant 0 : i32
        %dma_wait3A_750 = arith.constant 0 : i32
        %dma_wait3A_751 = tpu.memref_slice %dma_wait3A_748[%dma_wait3A_737, %dma_wait3A_749, %dma_wait3A_750] : memref<16x10x64xi32, #tpu.memory_space<hbm>> -> memref<1x10x64xi32, #tpu.memory_space<hbm>>
        %dma_wait3A_752 = tpu.memref_squeeze %dma_wait3A_751 : memref<1x10x64xi32, #tpu.memory_space<hbm>> -> memref<10x64xi32, #tpu.memory_space<hbm>>
        %dma_wait3A_753 = arith.constant 0 : i32
        %dma_wait3A_754 = arith.constant 0 : i32
        %dma_wait3A_755 = arith.constant 0 : i32
        %dma_wait3A_756 = arith.constant 0 : i32
        %dma_wait3A_757 = tpu.memref_slice %arg3[%scan3A_37, %dma_wait3A_753, %dma_wait3A_754, %dma_wait3A_755, %dma_wait3A_756] : memref<2x32x16x10x64xi32, #tpu.memory_space<hbm>> -> memref<1x32x16x10x64xi32, #tpu.memory_space<hbm>>
        %dma_wait3A_758 = tpu.memref_squeeze %dma_wait3A_757 : memref<1x32x16x10x64xi32, #tpu.memory_space<hbm>> -> memref<32x16x10x64xi32, #tpu.memory_space<hbm>>
        %dma_wait3A_759 = arith.constant 0 : i32
        %dma_wait3A_760 = arith.constant 0 : i32
        %dma_wait3A_761 = arith.constant 0 : i32
        %dma_wait3A_762 = tpu.memref_slice %dma_wait3A_758[%add3A, %dma_wait3A_759, %dma_wait3A_760, %dma_wait3A_761] : memref<32x16x10x64xi32, #tpu.memory_space<hbm>> -> memref<1x16x10x64xi32, #tpu.memory_space<hbm>>
        %dma_wait3A_763 = tpu.memref_squeeze %dma_wait3A_762 : memref<1x16x10x64xi32, #tpu.memory_space<hbm>> -> memref<16x10x64xi32, #tpu.memory_space<hbm>>
        %dma_wait3A_764 = arith.constant 0 : i32
        %dma_wait3A_765 = arith.constant 0 : i32
        %dma_wait3A_766 = tpu.memref_slice %dma_wait3A_763[%dma_wait3A_737, %dma_wait3A_764, %dma_wait3A_765] : memref<16x10x64xi32, #tpu.memory_space<hbm>> -> memref<1x10x64xi32, #tpu.memory_space<hbm>>
        %dma_wait3A_767 = tpu.memref_squeeze %dma_wait3A_766 : memref<1x10x64xi32, #tpu.memory_space<hbm>> -> memref<10x64xi32, #tpu.memory_space<hbm>>
        tpu.wait_dma2 semaphore(%arg26 : memref<!tpu.dma_semaphore, #tpu.memory_space<semaphore_mem>>) src(%dma_wait3A_767 : memref<10x64xi32, #tpu.memory_space<hbm>>) dst(%arg8 : memref<10x64xi32, #tpu.memory_space<vmem>>)
      } else {
      }
      %lt3A_611 = arith.constant 15 : i32
      %lt3A_612 = arith.cmpi slt, %add3A_385, %lt3A_611 : i32
      %convert_element_type3A_613 = arith.extui %lt3A_612 : i1 to i32
      %cond3A_614 = arith.constant 0 : i32
      %cond3A_615 = arith.cmpi ne, %convert_element_type3A_613, %cond3A_614 : i32
      scf.if %cond3A_615 {
        %dma_start3A_706 = arith.constant 0 : i32
        %dma_start3A_707 = arith.constant 0 : i32
        %dma_start3A_708 = tpu.memref_slice %arg6[%dma_start3A_706, %dma_start3A_707] : memref<10x64xi32, #tpu.memory_space<vmem>> -> memref<1x64xi32, #tpu.memory_space<vmem>>
        %dma_start3A_709 = tpu.memref_squeeze %dma_start3A_708 : memref<1x64xi32, #tpu.memory_space<vmem>> -> memref<64xi32, #tpu.memory_space<vmem>>
        %dma_start3A_710 = arith.constant 0 : i32
        %dma_start3A_711 = arith.constant 0 : i32
        %dma_start3A_712 = tpu.memref_slice %arg2[%dma_start3A_710, %dma_start3A_711] : memref<10000x128xf32, #tpu.memory_space<hbm>> -> memref<10000x128xf32, #tpu.memory_space<hbm>>
        tpu.enqueue_indirect_dma source(%dma_start3A_712 : memref<10000x128xf32, #tpu.memory_space<hbm>>) target(%arg10 : memref<64x128xf32, #tpu.memory_space<vmem>>) offsets(%dma_start3A_709 : memref<64xi32, #tpu.memory_space<vmem>>) semaphore(%arg16 : memref<!tpu.dma_semaphore, #tpu.memory_space<semaphore_mem>>)
      } else {
      }
      %mul3A_616 = arith.constant 10 : i32
      %mul3A_617 = arith.muli %add3A_385, %mul3A_616 : i32
      %add3A_618 = arith.constant 7 : i32
      %add3A_619 = arith.addi %mul3A_617, %add3A_618 : i32
      %dma_wait3A_620 = arith.constant 7 : i32
      %dma_wait3A_621 = arith.constant 0 : i32
      %dma_wait3A_622 = tpu.memref_slice %arg7[%dma_wait3A_620, %dma_wait3A_621] : memref<10x64xi32, #tpu.memory_space<vmem>> -> memref<1x64xi32, #tpu.memory_space<vmem>>
      %dma_wait3A_623 = tpu.memref_squeeze %dma_wait3A_622 : memref<1x64xi32, #tpu.memory_space<vmem>> -> memref<64xi32, #tpu.memory_space<vmem>>
      %dma_wait3A_624 = arith.constant 0 : i32
      %dma_wait3A_625 = arith.constant 0 : i32
      %dma_wait3A_626 = tpu.memref_slice %arg2[%dma_wait3A_624, %dma_wait3A_625] : memref<10000x128xf32, #tpu.memory_space<hbm>> -> memref<10000x128xf32, #tpu.memory_space<hbm>>
      tpu.wait_indirect_dma semaphore(%arg18 : memref<!tpu.dma_semaphore, #tpu.memory_space<semaphore_mem>>) src(%dma_wait3A_626 : memref<10000x128xf32, #tpu.memory_space<hbm>>) dst(%arg12 : memref<64x128xf32, #tpu.memory_space<vmem>>)
      %dma_start3A_627 = arith.constant 7 : i32
      %dma_start3A_628 = arith.constant 0 : i32
      %dma_start3A_629 = tpu.memref_slice %arg9[%dma_start3A_627, %dma_start3A_628] : memref<10x64xi32, #tpu.memory_space<vmem>> -> memref<1x64xi32, #tpu.memory_space<vmem>>
      %dma_start3A_630 = tpu.memref_squeeze %dma_start3A_629 : memref<1x64xi32, #tpu.memory_space<vmem>> -> memref<64xi32, #tpu.memory_space<vmem>>
      %dma_start3A_631 = arith.constant 0 : i32
      %dma_start3A_632 = arith.constant 0 : i32
      %dma_start3A_633 = tpu.memref_slice %arg15[%dma_start3A_631, %dma_start3A_632] : memref<10128x128xf32, #tpu.memory_space<vmem_shared>> -> memref<10128x128xf32, #tpu.memory_space<vmem_shared>>
      tpu.enqueue_indirect_dma source(%arg12 : memref<64x128xf32, #tpu.memory_space<vmem>>) target(%dma_start3A_633 : memref<10128x128xf32, #tpu.memory_space<vmem_shared>>) offsets(%dma_start3A_630 : memref<64xi32, #tpu.memory_space<vmem>>) semaphore(%arg23 : memref<!tpu.dma_semaphore, #tpu.memory_space<semaphore_mem>>) {add = true}
      %dma_wait3A_634 = arith.constant 7 : i32
      %dma_wait3A_635 = arith.constant 0 : i32
      %dma_wait3A_636 = tpu.memref_slice %arg9[%dma_wait3A_634, %dma_wait3A_635] : memref<10x64xi32, #tpu.memory_space<vmem>> -> memref<1x64xi32, #tpu.memory_space<vmem>>
      %dma_wait3A_637 = tpu.memref_squeeze %dma_wait3A_636 : memref<1x64xi32, #tpu.memory_space<vmem>> -> memref<64xi32, #tpu.memory_space<vmem>>
      %dma_wait3A_638 = arith.constant 0 : i32
      %dma_wait3A_639 = arith.constant 0 : i32
      %dma_wait3A_640 = tpu.memref_slice %arg15[%dma_wait3A_638, %dma_wait3A_639] : memref<10128x128xf32, #tpu.memory_space<vmem_shared>> -> memref<10128x128xf32, #tpu.memory_space<vmem_shared>>
      tpu.wait_indirect_dma semaphore(%arg22 : memref<!tpu.dma_semaphore, #tpu.memory_space<semaphore_mem>>) src(%arg11 : memref<64x128xf32, #tpu.memory_space<vmem>>) dst(%dma_wait3A_640 : memref<10128x128xf32, #tpu.memory_space<vmem_shared>>)
      %lt3A_641 = arith.constant 15 : i32
      %lt3A_642 = arith.cmpi slt, %add3A_385, %lt3A_641 : i32
      %convert_element_type3A_643 = arith.extui %lt3A_642 : i1 to i32
      %cond3A_644 = arith.constant 0 : i32
      %cond3A_645 = arith.cmpi ne, %convert_element_type3A_643, %cond3A_644 : i32
      scf.if %cond3A_645 {
        %dma_start3A_706 = arith.constant 1 : i32
        %dma_start3A_707 = arith.constant 0 : i32
        %dma_start3A_708 = tpu.memref_slice %arg6[%dma_start3A_706, %dma_start3A_707] : memref<10x64xi32, #tpu.memory_space<vmem>> -> memref<1x64xi32, #tpu.memory_space<vmem>>
        %dma_start3A_709 = tpu.memref_squeeze %dma_start3A_708 : memref<1x64xi32, #tpu.memory_space<vmem>> -> memref<64xi32, #tpu.memory_space<vmem>>
        %dma_start3A_710 = arith.constant 0 : i32
        %dma_start3A_711 = arith.constant 0 : i32
        %dma_start3A_712 = tpu.memref_slice %arg2[%dma_start3A_710, %dma_start3A_711] : memref<10000x128xf32, #tpu.memory_space<hbm>> -> memref<10000x128xf32, #tpu.memory_space<hbm>>
        tpu.enqueue_indirect_dma source(%dma_start3A_712 : memref<10000x128xf32, #tpu.memory_space<hbm>>) target(%arg11 : memref<64x128xf32, #tpu.memory_space<vmem>>) offsets(%dma_start3A_709 : memref<64xi32, #tpu.memory_space<vmem>>) semaphore(%arg17 : memref<!tpu.dma_semaphore, #tpu.memory_space<semaphore_mem>>)
      } else {
      }
      %mul3A_646 = arith.constant 10 : i32
      %mul3A_647 = arith.muli %add3A_385, %mul3A_646 : i32
      %add3A_648 = arith.constant 8 : i32
      %add3A_649 = arith.addi %mul3A_647, %add3A_648 : i32
      %dma_wait3A_650 = arith.constant 8 : i32
      %dma_wait3A_651 = arith.constant 0 : i32
      %dma_wait3A_652 = tpu.memref_slice %arg7[%dma_wait3A_650, %dma_wait3A_651] : memref<10x64xi32, #tpu.memory_space<vmem>> -> memref<1x64xi32, #tpu.memory_space<vmem>>
      %dma_wait3A_653 = tpu.memref_squeeze %dma_wait3A_652 : memref<1x64xi32, #tpu.memory_space<vmem>> -> memref<64xi32, #tpu.memory_space<vmem>>
      %dma_wait3A_654 = arith.constant 0 : i32
      %dma_wait3A_655 = arith.constant 0 : i32
      %dma_wait3A_656 = tpu.memref_slice %arg2[%dma_wait3A_654, %dma_wait3A_655] : memref<10000x128xf32, #tpu.memory_space<hbm>> -> memref<10000x128xf32, #tpu.memory_space<hbm>>
      tpu.wait_indirect_dma semaphore(%arg19 : memref<!tpu.dma_semaphore, #tpu.memory_space<semaphore_mem>>) src(%dma_wait3A_656 : memref<10000x128xf32, #tpu.memory_space<hbm>>) dst(%arg13 : memref<64x128xf32, #tpu.memory_space<vmem>>)
      %dma_start3A_657 = arith.constant 8 : i32
      %dma_start3A_658 = arith.constant 0 : i32
      %dma_start3A_659 = tpu.memref_slice %arg9[%dma_start3A_657, %dma_start3A_658] : memref<10x64xi32, #tpu.memory_space<vmem>> -> memref<1x64xi32, #tpu.memory_space<vmem>>
      %dma_start3A_660 = tpu.memref_squeeze %dma_start3A_659 : memref<1x64xi32, #tpu.memory_space<vmem>> -> memref<64xi32, #tpu.memory_space<vmem>>
      %dma_start3A_661 = arith.constant 0 : i32
      %dma_start3A_662 = arith.constant 0 : i32
      %dma_start3A_663 = tpu.memref_slice %arg15[%dma_start3A_661, %dma_start3A_662] : memref<10128x128xf32, #tpu.memory_space<vmem_shared>> -> memref<10128x128xf32, #tpu.memory_space<vmem_shared>>
      tpu.enqueue_indirect_dma source(%arg13 : memref<64x128xf32, #tpu.memory_space<vmem>>) target(%dma_start3A_663 : memref<10128x128xf32, #tpu.memory_space<vmem_shared>>) offsets(%dma_start3A_660 : memref<64xi32, #tpu.memory_space<vmem>>) semaphore(%arg24 : memref<!tpu.dma_semaphore, #tpu.memory_space<semaphore_mem>>) {add = true}
      %dma_wait3A_664 = arith.constant 8 : i32
      %dma_wait3A_665 = arith.constant 0 : i32
      %dma_wait3A_666 = tpu.memref_slice %arg9[%dma_wait3A_664, %dma_wait3A_665] : memref<10x64xi32, #tpu.memory_space<vmem>> -> memref<1x64xi32, #tpu.memory_space<vmem>>
      %dma_wait3A_667 = tpu.memref_squeeze %dma_wait3A_666 : memref<1x64xi32, #tpu.memory_space<vmem>> -> memref<64xi32, #tpu.memory_space<vmem>>
      %dma_wait3A_668 = arith.constant 0 : i32
      %dma_wait3A_669 = arith.constant 0 : i32
      %dma_wait3A_670 = tpu.memref_slice %arg15[%dma_wait3A_668, %dma_wait3A_669] : memref<10128x128xf32, #tpu.memory_space<vmem_shared>> -> memref<10128x128xf32, #tpu.memory_space<vmem_shared>>
      tpu.wait_indirect_dma semaphore(%arg23 : memref<!tpu.dma_semaphore, #tpu.memory_space<semaphore_mem>>) src(%arg12 : memref<64x128xf32, #tpu.memory_space<vmem>>) dst(%dma_wait3A_670 : memref<10128x128xf32, #tpu.memory_space<vmem_shared>>)
      %lt3A_671 = arith.constant 15 : i32
      %lt3A_672 = arith.cmpi slt, %add3A_385, %lt3A_671 : i32
      %convert_element_type3A_673 = arith.extui %lt3A_672 : i1 to i32
      %cond3A_674 = arith.constant 0 : i32
      %cond3A_675 = arith.cmpi ne, %convert_element_type3A_673, %cond3A_674 : i32
      scf.if %cond3A_675 {
        %dma_start3A_706 = arith.constant 2 : i32
        %dma_start3A_707 = arith.constant 0 : i32
        %dma_start3A_708 = tpu.memref_slice %arg6[%dma_start3A_706, %dma_start3A_707] : memref<10x64xi32, #tpu.memory_space<vmem>> -> memref<1x64xi32, #tpu.memory_space<vmem>>
        %dma_start3A_709 = tpu.memref_squeeze %dma_start3A_708 : memref<1x64xi32, #tpu.memory_space<vmem>> -> memref<64xi32, #tpu.memory_space<vmem>>
        %dma_start3A_710 = arith.constant 0 : i32
        %dma_start3A_711 = arith.constant 0 : i32
        %dma_start3A_712 = tpu.memref_slice %arg2[%dma_start3A_710, %dma_start3A_711] : memref<10000x128xf32, #tpu.memory_space<hbm>> -> memref<10000x128xf32, #tpu.memory_space<hbm>>
        tpu.enqueue_indirect_dma source(%dma_start3A_712 : memref<10000x128xf32, #tpu.memory_space<hbm>>) target(%arg12 : memref<64x128xf32, #tpu.memory_space<vmem>>) offsets(%dma_start3A_709 : memref<64xi32, #tpu.memory_space<vmem>>) semaphore(%arg18 : memref<!tpu.dma_semaphore, #tpu.memory_space<semaphore_mem>>)
      } else {
      }
      %mul3A_676 = arith.constant 10 : i32
      %mul3A_677 = arith.muli %add3A_385, %mul3A_676 : i32
      %add3A_678 = arith.constant 9 : i32
      %add3A_679 = arith.addi %mul3A_677, %add3A_678 : i32
      %dma_wait3A_680 = arith.constant 9 : i32
      %dma_wait3A_681 = arith.constant 0 : i32
      %dma_wait3A_682 = tpu.memref_slice %arg7[%dma_wait3A_680, %dma_wait3A_681] : memref<10x64xi32, #tpu.memory_space<vmem>> -> memref<1x64xi32, #tpu.memory_space<vmem>>
      %dma_wait3A_683 = tpu.memref_squeeze %dma_wait3A_682 : memref<1x64xi32, #tpu.memory_space<vmem>> -> memref<64xi32, #tpu.memory_space<vmem>>
      %dma_wait3A_684 = arith.constant 0 : i32
      %dma_wait3A_685 = arith.constant 0 : i32
      %dma_wait3A_686 = tpu.memref_slice %arg2[%dma_wait3A_684, %dma_wait3A_685] : memref<10000x128xf32, #tpu.memory_space<hbm>> -> memref<10000x128xf32, #tpu.memory_space<hbm>>
      tpu.wait_indirect_dma semaphore(%arg20 : memref<!tpu.dma_semaphore, #tpu.memory_space<semaphore_mem>>) src(%dma_wait3A_686 : memref<10000x128xf32, #tpu.memory_space<hbm>>) dst(%arg14 : memref<64x128xf32, #tpu.memory_space<vmem>>)
      %dma_start3A_687 = arith.constant 9 : i32
      %dma_start3A_688 = arith.constant 0 : i32
      %dma_start3A_689 = tpu.memref_slice %arg9[%dma_start3A_687, %dma_start3A_688] : memref<10x64xi32, #tpu.memory_space<vmem>> -> memref<1x64xi32, #tpu.memory_space<vmem>>
      %dma_start3A_690 = tpu.memref_squeeze %dma_start3A_689 : memref<1x64xi32, #tpu.memory_space<vmem>> -> memref<64xi32, #tpu.memory_space<vmem>>
      %dma_start3A_691 = arith.constant 0 : i32
      %dma_start3A_692 = arith.constant 0 : i32
      %dma_start3A_693 = tpu.memref_slice %arg15[%dma_start3A_691, %dma_start3A_692] : memref<10128x128xf32, #tpu.memory_space<vmem_shared>> -> memref<10128x128xf32, #tpu.memory_space<vmem_shared>>
      tpu.enqueue_indirect_dma source(%arg14 : memref<64x128xf32, #tpu.memory_space<vmem>>) target(%dma_start3A_693 : memref<10128x128xf32, #tpu.memory_space<vmem_shared>>) offsets(%dma_start3A_690 : memref<64xi32, #tpu.memory_space<vmem>>) semaphore(%arg25 : memref<!tpu.dma_semaphore, #tpu.memory_space<semaphore_mem>>) {add = true}
      %dma_wait3A_694 = arith.constant 9 : i32
      %dma_wait3A_695 = arith.constant 0 : i32
      %dma_wait3A_696 = tpu.memref_slice %arg9[%dma_wait3A_694, %dma_wait3A_695] : memref<10x64xi32, #tpu.memory_space<vmem>> -> memref<1x64xi32, #tpu.memory_space<vmem>>
      %dma_wait3A_697 = tpu.memref_squeeze %dma_wait3A_696 : memref<1x64xi32, #tpu.memory_space<vmem>> -> memref<64xi32, #tpu.memory_space<vmem>>
      %dma_wait3A_698 = arith.constant 0 : i32
      %dma_wait3A_699 = arith.constant 0 : i32
      %dma_wait3A_700 = tpu.memref_slice %arg15[%dma_wait3A_698, %dma_wait3A_699] : memref<10128x128xf32, #tpu.memory_space<vmem_shared>> -> memref<10128x128xf32, #tpu.memory_space<vmem_shared>>
      tpu.wait_indirect_dma semaphore(%arg24 : memref<!tpu.dma_semaphore, #tpu.memory_space<semaphore_mem>>) src(%arg13 : memref<64x128xf32, #tpu.memory_space<vmem>>) dst(%dma_wait3A_700 : memref<10128x128xf32, #tpu.memory_space<vmem_shared>>)
      %lt3A_701 = arith.constant 15 : i32
      %lt3A_702 = arith.cmpi slt, %add3A_385, %lt3A_701 : i32
      %convert_element_type3A_703 = arith.extui %lt3A_702 : i1 to i32
      %cond3A_704 = arith.constant 0 : i32
      %cond3A_705 = arith.cmpi ne, %convert_element_type3A_703, %cond3A_704 : i32
      scf.if %cond3A_705 {
        %dma_start3A_706 = arith.constant 3 : i32
        %dma_start3A_707 = arith.constant 0 : i32
        %dma_start3A_708 = tpu.memref_slice %arg6[%dma_start3A_706, %dma_start3A_707] : memref<10x64xi32, #tpu.memory_space<vmem>> -> memref<1x64xi32, #tpu.memory_space<vmem>>
        %dma_start3A_709 = tpu.memref_squeeze %dma_start3A_708 : memref<1x64xi32, #tpu.memory_space<vmem>> -> memref<64xi32, #tpu.memory_space<vmem>>
        %dma_start3A_710 = arith.constant 0 : i32
        %dma_start3A_711 = arith.constant 0 : i32
        %dma_start3A_712 = tpu.memref_slice %arg2[%dma_start3A_710, %dma_start3A_711] : memref<10000x128xf32, #tpu.memory_space<hbm>> -> memref<10000x128xf32, #tpu.memory_space<hbm>>
        tpu.enqueue_indirect_dma source(%dma_start3A_712 : memref<10000x128xf32, #tpu.memory_space<hbm>>) target(%arg13 : memref<64x128xf32, #tpu.memory_space<vmem>>) offsets(%dma_start3A_709 : memref<64xi32, #tpu.memory_space<vmem>>) semaphore(%arg19 : memref<!tpu.dma_semaphore, #tpu.memory_space<semaphore_mem>>)
      } else {
      }
    }
    %scan3A_42 = arith.constant 8 : i32
    %dma_wait3A = arith.constant 0 : i32
    %dma_wait3A_43 = arith.constant 0 : i32
    %dma_wait3A_44 = tpu.memref_slice %arg9[%dma_wait3A, %dma_wait3A_43] : memref<10x64xi32, #tpu.memory_space<vmem>> -> memref<1x64xi32, #tpu.memory_space<vmem>>
    %dma_wait3A_45 = tpu.memref_squeeze %dma_wait3A_44 : memref<1x64xi32, #tpu.memory_space<vmem>> -> memref<64xi32, #tpu.memory_space<vmem>>
    %dma_wait3A_46 = arith.constant 0 : i32
    %dma_wait3A_47 = arith.constant 0 : i32
    %dma_wait3A_48 = tpu.memref_slice %arg15[%dma_wait3A_46, %dma_wait3A_47] : memref<10128x128xf32, #tpu.memory_space<vmem_shared>> -> memref<10128x128xf32, #tpu.memory_space<vmem_shared>>
    tpu.wait_indirect_dma semaphore(%arg25 : memref<!tpu.dma_semaphore, #tpu.memory_space<semaphore_mem>>) src(%arg14 : memref<64x128xf32, #tpu.memory_space<vmem>>) dst(%dma_wait3A_48 : memref<10128x128xf32, #tpu.memory_space<vmem_shared>>)
    %barrier3A_49 = arith.constant 0 : index
    tpu.barrier barrier_id(%barrier3A_49)
    %mul3A_50 = arith.constant 624 : i32
    %mul3A_51 = arith.muli %arg1, %mul3A_50 : i32
    %mul3A_52 = arith.constant 624 : i32
    %mul3A_53 = arith.muli %arg1, %mul3A_52 : i32
    "tpu.region"() ({
      %run_scoped3A_59 = tpu.sem_alloc : memref<!tpu.dma_semaphore, #tpu.memory_space<semaphore_mem>>
      %dma_start3A_60 = arith.constant 0 : i32
      %dma_start3A_61 = arith.constant 0 : i32
      %dma_start3A_62 = tpu.memref_slice %arg5[%arg0, %dma_start3A_60, %dma_start3A_61] : memref<2x10000x128xf32, #tpu.memory_space<hbm>> -> memref<1x10000x128xf32, #tpu.memory_space<hbm>>
      %dma_start3A_63 = tpu.memref_squeeze %dma_start3A_62 : memref<1x10000x128xf32, #tpu.memory_space<hbm>> -> memref<10000x128xf32, #tpu.memory_space<hbm>>
      %dma_start3A_64 = arith.constant 0 : i32
      %dma_start3A_65 = tpu.memref_slice %dma_start3A_63[%mul3A_53, %dma_start3A_64] : memref<10000x128xf32, #tpu.memory_space<hbm>> -> memref<624x128xf32, #tpu.memory_space<hbm>>
      %dma_start3A_66 = arith.constant 0 : i32
      %dma_start3A_67 = tpu.memref_slice %arg15[%mul3A_51, %dma_start3A_66] : memref<10128x128xf32, #tpu.memory_space<vmem_shared>> -> memref<624x128xf32, #tpu.memory_space<vmem_shared>>
      tpu.enqueue_dma source(%dma_start3A_67 : memref<624x128xf32, #tpu.memory_space<vmem_shared>>) target(%dma_start3A_65 : memref<624x128xf32, #tpu.memory_space<hbm>>) target_semaphore(%run_scoped3A_59 : memref<!tpu.dma_semaphore, #tpu.memory_space<semaphore_mem>>)
      %dma_wait3A_68 = arith.constant 0 : i32
      %dma_wait3A_69 = arith.constant 0 : i32
      %dma_wait3A_70 = tpu.memref_slice %arg5[%arg0, %dma_wait3A_68, %dma_wait3A_69] : memref<2x10000x128xf32, #tpu.memory_space<hbm>> -> memref<1x10000x128xf32, #tpu.memory_space<hbm>>
      %dma_wait3A_71 = tpu.memref_squeeze %dma_wait3A_70 : memref<1x10000x128xf32, #tpu.memory_space<hbm>> -> memref<10000x128xf32, #tpu.memory_space<hbm>>
      %dma_wait3A_72 = arith.constant 0 : i32
      %dma_wait3A_73 = tpu.memref_slice %dma_wait3A_71[%mul3A_53, %dma_wait3A_72] : memref<10000x128xf32, #tpu.memory_space<hbm>> -> memref<624x128xf32, #tpu.memory_space<hbm>>
      %dma_wait3A_74 = arith.constant 0 : i32
      %dma_wait3A_75 = tpu.memref_slice %arg15[%mul3A_51, %dma_wait3A_74] : memref<10128x128xf32, #tpu.memory_space<vmem_shared>> -> memref<624x128xf32, #tpu.memory_space<vmem_shared>>
      tpu.wait_dma2 semaphore(%run_scoped3A_59 : memref<!tpu.dma_semaphore, #tpu.memory_space<semaphore_mem>>) src(%dma_wait3A_75 : memref<624x128xf32, #tpu.memory_space<vmem_shared>>) dst(%dma_wait3A_73 : memref<624x128xf32, #tpu.memory_space<hbm>>)
      tpu.yield
    }) : () -> ()
    %eq3A_54 = arith.constant 0 : i32
    %eq3A_55 = arith.cmpi eq, %arg1, %eq3A_54 : i32
    %convert_element_type3A_56 = arith.extui %eq3A_55 : i1 to i32
    %cond3A_57 = arith.constant 0 : i32
    %cond3A_58 = arith.cmpi ne, %convert_element_type3A_56, %cond3A_57 : i32
    scf.if %cond3A_58 {
      "tpu.region"() ({
        %run_scoped3A_59 = tpu.sem_alloc : memref<!tpu.dma_semaphore, #tpu.memory_space<semaphore_mem>>
        %dma_start3A_60 = arith.constant 0 : i32
        %dma_start3A_61 = arith.constant 0 : i32
        %dma_start3A_62 = tpu.memref_slice %arg5[%arg0, %dma_start3A_60, %dma_start3A_61] : memref<2x10000x128xf32, #tpu.memory_space<hbm>> -> memref<1x10000x128xf32, #tpu.memory_space<hbm>>
        %dma_start3A_63 = tpu.memref_squeeze %dma_start3A_62 : memref<1x10000x128xf32, #tpu.memory_space<hbm>> -> memref<10000x128xf32, #tpu.memory_space<hbm>>
        %dma_start3A_64 = arith.constant 9984 : i32
        %dma_start3A_65 = arith.constant 0 : i32
        %dma_start3A_66 = tpu.memref_slice %dma_start3A_63[%dma_start3A_64, %dma_start3A_65] : memref<10000x128xf32, #tpu.memory_space<hbm>> -> memref<16x128xf32, #tpu.memory_space<hbm>>
        %dma_start3A_67 = arith.constant 9984 : i32
        %dma_start3A_68 = arith.constant 0 : i32
        %dma_start3A_69 = tpu.memref_slice %arg15[%dma_start3A_67, %dma_start3A_68] : memref<10128x128xf32, #tpu.memory_space<vmem_shared>> -> memref<16x128xf32, #tpu.memory_space<vmem_shared>>
        tpu.enqueue_dma source(%dma_start3A_69 : memref<16x128xf32, #tpu.memory_space<vmem_shared>>) target(%dma_start3A_66 : memref<16x128xf32, #tpu.memory_space<hbm>>) target_semaphore(%run_scoped3A_59 : memref<!tpu.dma_semaphore, #tpu.memory_space<semaphore_mem>>)
        %dma_wait3A_70 = arith.constant 0 : i32
        %dma_wait3A_71 = arith.constant 0 : i32
        %dma_wait3A_72 = tpu.memref_slice %arg5[%arg0, %dma_wait3A_70, %dma_wait3A_71] : memref<2x10000x128xf32, #tpu.memory_space<hbm>> -> memref<1x10000x128xf32, #tpu.memory_space<hbm>>
        %dma_wait3A_73 = tpu.memref_squeeze %dma_wait3A_72 : memref<1x10000x128xf32, #tpu.memory_space<hbm>> -> memref<10000x128xf32, #tpu.memory_space<hbm>>
        %dma_wait3A_74 = arith.constant 9984 : i32
        %dma_wait3A_75 = arith.constant 0 : i32
        %dma_wait3A_76 = tpu.memref_slice %dma_wait3A_73[%dma_wait3A_74, %dma_wait3A_75] : memref<10000x128xf32, #tpu.memory_space<hbm>> -> memref<16x128xf32, #tpu.memory_space<hbm>>
        %dma_wait3A_77 = arith.constant 9984 : i32
        %dma_wait3A_78 = arith.constant 0 : i32
        %dma_wait3A_79 = tpu.memref_slice %arg15[%dma_wait3A_77, %dma_wait3A_78] : memref<10128x128xf32, #tpu.memory_space<vmem_shared>> -> memref<16x128xf32, #tpu.memory_space<vmem_shared>>
        tpu.wait_dma2 semaphore(%run_scoped3A_59 : memref<!tpu.dma_semaphore, #tpu.memory_space<semaphore_mem>>) src(%dma_wait3A_79 : memref<16x128xf32, #tpu.memory_space<vmem_shared>>) dst(%dma_wait3A_76 : memref<16x128xf32, #tpu.memory_space<hbm>>)
        tpu.yield
      }) : () -> ()
    } else {
    }
    return
  }
}

module attributes {stable_mosaic.version = 14 : i64} {
  func.func @body(%arg0: i32, %arg1: memref<2000x128xf32, #tpu.memory_space<vmem>>, %arg2: memref<2x2000x128xf32, #tpu.memory_space<vmem>>, %arg3: memref<128x128xf32, #tpu.memory_space<vmem>>, %arg4: memref<1x128xf32, #tpu.memory_space<vmem>>, %arg5: memref<128x128xf32, #tpu.memory_space<vmem>>, %arg6: memref<1x128xf32, #tpu.memory_space<vmem>>, %arg7: memref<1x1xf32, #tpu.memory_space<vmem>>, %arg8: memref<2000x128xf32, #tpu.memory_space<vmem>>) attributes {dimension_semantics = [#tpu.dimension_semantics<arbitrary>], iteration_bounds = array<i64: 5>, scalar_prefetch = 0 : i64, scratch_operands = 0 : i64, tpu.core_type = #tpu.core_type<tc>, window_params = [{transform_indices = @transform_0, window_bounds = array<i64: 2000, 128>}, {transform_indices = @transform_1, window_bounds = array<i64: 2, 2000, 128>}, {pipeline_mode = #tpu.pipeline_mode<synchronous>, transform_indices = @transform_2, window_bounds = array<i64: 128, 128>}, {pipeline_mode = #tpu.pipeline_mode<synchronous>, transform_indices = @transform_3, window_bounds = array<i64: 1, 128>}, {pipeline_mode = #tpu.pipeline_mode<synchronous>, transform_indices = @transform_4, window_bounds = array<i64: 128, 128>}, {pipeline_mode = #tpu.pipeline_mode<synchronous>, transform_indices = @transform_5, window_bounds = array<i64: 1, 128>}, {pipeline_mode = #tpu.pipeline_mode<synchronous>, transform_indices = @transform_6, window_bounds = array<i64: 1, 1>}, {transform_indices = @transform_7, window_bounds = array<i64: 2000, 128>}]} {
    %get3A = arith.constant 0 : index
    %get3A_0 = arith.constant 0 : index
    %get3A_1 = vector.load %arg7[%get3A, %get3A_0] : memref<1x1xf32, #tpu.memory_space<vmem>>, vector<1x1xf32>
    %get3A_2 = vector.extract %get3A_1[0, 0] : f32 from vector<1x1xf32>
    %add3A = arith.constant 1.000000e+00 : f32
    %add3A_3 = arith.addf %add3A, %get3A_2 : f32
    %get3A_4 = arith.constant 0 : index
    %get3A_5 = arith.constant 0 : index
    %get3A_6 = vector.load %arg1[%get3A_4, %get3A_5] : memref<2000x128xf32, #tpu.memory_space<vmem>>, vector<2000x128xf32>
    %mul3A = vector.broadcast %add3A_3 : f32 to vector<2000x128xf32>
    %mul3A_7 = arith.mulf %mul3A, %get3A_6 : vector<2000x128xf32>
    %get3A_8 = arith.constant 0 : index
    %get3A_9 = arith.constant 0 : index
    %get3A_10 = arith.constant 0 : index
    %get3A_11 = vector.load %arg2[%get3A_8, %get3A_9, %get3A_10] : memref<2x2000x128xf32, #tpu.memory_space<vmem>>, vector<1x2000x128xf32>
    %get3A_12 = vector.shape_cast %get3A_11 : vector<1x2000x128xf32> to vector<2000x128xf32>
    %add3A_13 = arith.addf %mul3A_7, %get3A_12 : vector<2000x128xf32>
    %get3A_14 = arith.constant 1 : index
    %get3A_15 = arith.constant 0 : index
    %get3A_16 = arith.constant 0 : index
    %get3A_17 = vector.load %arg2[%get3A_14, %get3A_15, %get3A_16] : memref<2x2000x128xf32, #tpu.memory_space<vmem>>, vector<1x2000x128xf32>
    %get3A_18 = vector.shape_cast %get3A_17 : vector<1x2000x128xf32> to vector<2000x128xf32>
    %add3A_19 = arith.addf %add3A_13, %get3A_18 : vector<2000x128xf32>
    %get3A_20 = arith.constant 0 : index
    %get3A_21 = arith.constant 0 : index
    %get3A_22 = vector.load %arg3[%get3A_20, %get3A_21] : memref<128x128xf32, #tpu.memory_space<vmem>>, vector<128x128xf32>
    %dot_general3A = arith.constant dense<0.000000e+00> : vector<2000x128xf32>
    %dot_general3A_23 = tpu.matmul %add3A_19, %get3A_22, %dot_general3A {dimension_numbers = #tpu.dot_dimension_numbers<[1], [0], [0], [1], [0, 0, 1, 1], [], []>, transpose_lhs_hint = false} : vector<2000x128xf32>, vector<128x128xf32>, vector<2000x128xf32> -> vector<2000x128xf32>
    %get3A_24 = arith.constant 0 : index
    %get3A_25 = arith.constant 0 : index
    %get3A_26 = vector.load %arg4[%get3A_24, %get3A_25] : memref<1x128xf32, #tpu.memory_space<vmem>>, vector<1x128xf32>
    %add3A_27 = vector.broadcast %get3A_26 : vector<1x128xf32> to vector<2000x128xf32>
    %add3A_28 = arith.addf %dot_general3A_23, %add3A_27 : vector<2000x128xf32>
    %max3A = arith.constant 0.000000e+00 : f32
    %max3A_29 = vector.broadcast %max3A : f32 to vector<2000x128xf32>
    %max3A_30 = arith.maximumf %add3A_28, %max3A_29 : vector<2000x128xf32>
    %get3A_31 = arith.constant 0 : index
    %get3A_32 = arith.constant 0 : index
    %get3A_33 = vector.load %arg5[%get3A_31, %get3A_32] : memref<128x128xf32, #tpu.memory_space<vmem>>, vector<128x128xf32>
    %dot_general3A_34 = arith.constant dense<0.000000e+00> : vector<2000x128xf32>
    %dot_general3A_35 = tpu.matmul %max3A_30, %get3A_33, %dot_general3A_34 {dimension_numbers = #tpu.dot_dimension_numbers<[1], [0], [0], [1], [0, 0, 1, 1], [], []>, transpose_lhs_hint = false} : vector<2000x128xf32>, vector<128x128xf32>, vector<2000x128xf32> -> vector<2000x128xf32>
    %get3A_36 = arith.constant 0 : index
    %get3A_37 = arith.constant 0 : index
    %get3A_38 = vector.load %arg6[%get3A_36, %get3A_37] : memref<1x128xf32, #tpu.memory_space<vmem>>, vector<1x128xf32>
    %add3A_39 = vector.broadcast %get3A_38 : vector<1x128xf32> to vector<2000x128xf32>
    %add3A_40 = arith.addf %dot_general3A_35, %add3A_39 : vector<2000x128xf32>
    %swap3A = arith.constant 0 : index
    %swap3A_41 = arith.constant 0 : index
    %swap3A_42 = vector.load %arg8[%swap3A, %swap3A_41] : memref<2000x128xf32, #tpu.memory_space<vmem>>, vector<2000x128xf32>
    tpu.vector_store %arg8[%swap3A, %swap3A_41], %add3A_40 {strides = array<i32>} : memref<2000x128xf32, #tpu.memory_space<vmem>>, vector<2000x128xf32>,
    return
  }
  func.func @transform_0(%arg0: i32) -> (i32, i32) {
    %c0_i32 = arith.constant 0 : i32
    %c0_i32_0 = arith.constant 0 : i32
    return %arg0, %c0_i32 : i32, i32
  }
  func.func @transform_1(%arg0: i32) -> (i32, i32, i32) {
    %c0_i32 = arith.constant 0 : i32
    %c0_i32_0 = arith.constant 0 : i32
    %c0_i32_1 = arith.constant 0 : i32
    return %c0_i32, %arg0, %c0_i32_0 : i32, i32, i32
  }
  func.func @transform_2(%arg0: i32) -> (i32, i32) {
    %c0_i32 = arith.constant 0 : i32
    %c0_i32_0 = arith.constant 0 : i32
    %c0_i32_1 = arith.constant 0 : i32
    return %c0_i32, %c0_i32_0 : i32, i32
  }
  func.func @transform_3(%arg0: i32) -> (i32, i32) {
    %c0_i32 = arith.constant 0 : i32
    %c0_i32_0 = arith.constant 0 : i32
    %c0_i32_1 = arith.constant 0 : i32
    return %c0_i32, %c0_i32_0 : i32, i32
  }
  func.func @transform_4(%arg0: i32) -> (i32, i32) {
    %c0_i32 = arith.constant 0 : i32
    %c0_i32_0 = arith.constant 0 : i32
    %c0_i32_1 = arith.constant 0 : i32
    return %c0_i32, %c0_i32_0 : i32, i32
  }
  func.func @transform_5(%arg0: i32) -> (i32, i32) {
    %c0_i32 = arith.constant 0 : i32
    %c0_i32_0 = arith.constant 0 : i32
    %c0_i32_1 = arith.constant 0 : i32
    return %c0_i32, %c0_i32_0 : i32, i32
  }
  func.func @transform_6(%arg0: i32) -> (i32, i32) {
    %c0_i32 = arith.constant 0 : i32
    %c0_i32_0 = arith.constant 0 : i32
    %c0_i32_1 = arith.constant 0 : i32
    return %c0_i32, %c0_i32_0 : i32, i32
  }
  func.func @transform_7(%arg0: i32) -> (i32, i32) {
    %c0_i32 = arith.constant 0 : i32
    %c0_i32_0 = arith.constant 0 : i32
    return %arg0, %c0_i32 : i32, i32
  }
}

</mosaic_0001>

<sc_bundles>
// kernel: kernel.4.cloned.1.call-start
scs
__scs_entry_jumppad:
0x0: {  	(pc) =	sbr.rel $0x88, $3  }
0x1: {  	(tag) =	ssettag $0x0;
	lr =	simm.s32 $0x1  }
0x2: {  	[smem:$0x3F9A] =	sst lr;
	_ =	strace $0xD0000000  }
0x3: {  	_ = 	snop  }
0x4: {  	_ = 	snop  }
0x5: {  	_ = 	snop  }
0x6: {  	_ = 	snop  }
0x7: {  	_ = 	snop  }
__scs_overlays_trampoline_lowered:
0x8: {  	[smem:$0x3FA9] =	sst s0  }
0x9: {  	[smem:$0x3FAA] =	sst s1  }
0xa: {  	[smem:$0x3FAB] =	sst s2  }
0xb: {  	[smem:$0x3FAC] =	sst s3  }
0xc: {  	[smem:$0x3FAD] =	sst s4  }
0xd: {  	[smem:$0x3FAE] =	sst s5  }
0xe: {  	[smem:$0x3FAF] =	sst s6  }
0xf: {  	[smem:$0x3FB0] =	sst s7  }
0x10: {  	[smem:$0x3FB1] =	sst s8  }
0x11: {  	[smem:$0x3FB2] =	sst s9;
	s0 =	simm.s32 @!p0 $0x0  }
0x12: {  	s1 =	sld [smem:$0x3F98];
	s0 =	simm.s32 @p0 $0x1  }
0x13: {  	[smem:$0x3FB3] =	sst s0;
	s0 =	simm.s32 @!p1 $0x0  }
0x14: {  	s2 =	sld [smem:$0x3F97];
	s0 =	simm.s32 @p1 $0x1  }
0x15: {  	[smem:$0x3FB4] =	sst s0;
	s0 =	simm.s32 @!p2 $0x0  }
0x16: {  	s3 =	sld [smem:$0x3FDB];
	s0 =	simm.s32 @p2 $0x1  }
0x17: {  	s4 =	simm.s32 $0x1BF5;
	[smem:$0x3FB6] =	sst s0  }
0x18: {  	s0 =	sld [smem:$0x3F99];
	_ =	swait.ge [sflag:s4], $0x0  }
0x19: {  	s7 =	sld [smem:$0x3F9A]  }
0x1a: {  	s8 =	sadd.s32 $0xFFFFE003, lr  }
0x1b: {  	s9 =	sadd.s32 $0xFFFFFEF7, lr;
	s5 =	simm.s32 $0xFFFFFFFF;
	p2 =	slt.u32 s8, $0xFFFFF086  }
0x1c: {  	p1 =	slt.u32 s9, $0xF7A;
	s5 =	simm.s32 @!p2 $0x0  }
0x1d: {  	s5 =	simm.s32 @p1 $0x1;
	p0 =	seq.s32 s7, s2  }
0x1e: {  	s7 =	smul.u32 @!p0 $0xF7A, s2;
	p2 =	seq.s32 @!p0 s5, $0x0  }
0x1f: {  	s9 =	smul.u32 $0xF7A, s1;
	s8 =	simm.s32 @!p0 $0x1BF5;
	p2 =	por !p2, p0  }
0x20: {  	[sflag:s8] =	ssyncset.s32 @!p0 $0xFFFFF086;
	s6 =	sadd.s32 @!p0 s3, s7;
	s7 =	simm.s32 @!p0 $0x108  }
0x21: {  	s3 =	sadd.s32 s3, s9;
	s6 =	sadd.s32 @!p0 $0x88, s6;
	s7 =	simm.s32 @p2 $0x1082  }
0x22: {  	[simem:s7], [sflag:s8] =	dma.local @!p0 [hbm:s6], $0xF7A  }
0x23: {  	s9 =	sor.u32 $0xD0000000, s2;
	s6 =	simm.s32 $0x108;
	_ =	swait.ge @!p0 [sflag:s8], $0x0  }
0x24: {  	s3 =	sadd.s32 $0x88, s3;
	s6 =	simm.s32 @!p1 $0x1082;
	[sflag:s4] =	ssyncset.s32 $0xFFFFF086  }
0x25: {  	[simem:s6], [sflag:s4] =	dma.local [hbm:s3], $0xF7A  }
0x26: {  	[smem:$0x3F9A] =	sst s1;
	(tag) =	ssettag s2;
	_ =	strace s9  }
0x27: {  	s1 =	sld [smem:$0x3FAA]  }
0x28: {  	s2 =	sld [smem:$0x3FAB]  }
0x29: {  	s4 =	sld [smem:$0x3FAD]  }
0x2a: {  	p0 =	seq.s32 s5, $0x0;
	s5 =	sld [smem:$0x3FAE]  }
0x2b: {  	s6 =	sld [smem:$0x3FAF]  }
0x2c: {  	s7 =	sld [smem:$0x3FB0]  }
0x2d: {  	s3 =	simm.s32 $0x108;
	s8 =	sld [smem:$0x3FB1]  }
0x2e: {  	s3 =	simm.s32 @!p0 $0x1082;
	s9 =	sld [smem:$0x3FB2]  }
0x2f: {  	lr =	sadd.s32 s0, s3;
	s0 =	sld [smem:$0x3FA9]  }
0x30: {  	s3 =	sld [smem:$0x3FAC]  }
0x31: {  	[smem:$0x3FB5] =	sst s10  }
0x32: {  	s10 =	sld [smem:$0x3FB3];
	_ =	sdelay $0x3  }
0x33: {  	p0 =	seq.s32 s10, $0x1;
	s10 =	sld [smem:$0x3FB5];
	_ =	sdelay $0x3  }
0x34: {  	[smem:$0x3FB5] =	sst s10  }
0x35: {  	s10 =	sld [smem:$0x3FB4];
	_ =	sdelay $0x3  }
0x36: {  	p1 =	seq.s32 s10, $0x1;
	s10 =	sld [smem:$0x3FB5];
	_ =	sdelay $0x3  }
0x37: {  	[smem:$0x3FB5] =	sst s10  }
0x38: {  	s10 =	sld [smem:$0x3FB6]  }
0x39: {  	_ = 	snop;
	(pc) =	sbr.ind lr, $3  }
0x3a: {  	_ = 	snop  }
0x3b: {  	_ = 	snop  }
0x3c: {  	p2 =	seq.s32 s10, $0x1;
	s10 =	sld [smem:$0x3FB5]  }
0x3d: {  	_ =	shalt  }
0x3e: {  	_ =	shalt  }
0x3f: {  	_ =	shalt  }
0x40: {  	_ =	shalt  }
0x41: {  	_ =	shalt  }
0x42: {  	_ =	shalt  }
0x43: {  	_ =	shalt  }
0x44: {  	_ =	shalt  }
0x45: {  	_ =	shalt  }
0x46: {  	_ =	shalt  }
0x47: {  	_ =	shalt  }
0x48: {  	_ =	shalt  }
0x49: {  	_ =	shalt  }
0x4a: {  	_ =	shalt  }
0x4b: {  	_ =	shalt  }
0x4c: {  	_ =	shalt  }
0x4d: {  	_ =	shalt  }
0x4e: {  	_ =	shalt  }
0x4f: {  	_ =	shalt  }
0x50: {  	_ =	shalt  }
0x51: {  	_ =	shalt  }
0x52: {  	_ =	shalt  }
0x53: {  	_ =	shalt  }
0x54: {  	_ =	shalt  }
0x55: {  	_ =	shalt  }
0x56: {  	_ =	shalt  }
0x57: {  	_ =	shalt  }
0x58: {  	_ =	shalt  }
0x59: {  	_ =	shalt  }
0x5a: {  	_ =	shalt  }
0x5b: {  	_ =	shalt  }
0x5c: {  	_ =	shalt  }
0x5d: {  	_ =	shalt  }
0x5e: {  	_ =	shalt  }
0x5f: {  	_ =	shalt  }
0x60: {  	_ =	shalt  }
0x61: {  	_ =	shalt  }
0x62: {  	_ =	shalt  }
0x63: {  	_ =	shalt  }
0x64: {  	_ =	shalt  }
0x65: {  	_ =	shalt  }
0x66: {  	_ =	shalt  }
0x67: {  	_ =	shalt  }
0x68: {  	_ =	shalt  }
0x69: {  	_ =	shalt  }
0x6a: {  	_ =	shalt  }
0x6b: {  	_ =	shalt  }
0x6c: {  	_ =	shalt  }
0x6d: {  	_ =	shalt  }
0x6e: {  	_ =	shalt  }
0x6f: {  	_ =	shalt  }
0x70: {  	_ =	shalt  }
0x71: {  	_ =	shalt  }
0x72: {  	_ =	shalt  }
0x73: {  	_ =	shalt  }
0x74: {  	_ =	shalt  }
0x75: {  	_ =	shalt  }
0x76: {  	_ =	shalt  }
0x77: {  	_ =	shalt  }
0x78: {  	_ =	shalt  }
0x79: {  	_ =	shalt  }
0x7a: {  	_ =	shalt  }
0x7b: {  	_ =	shalt  }
0x7c: {  	_ =	shalt  }
0x7d: {  	_ =	shalt  }
0x7e: {  	_ =	shalt  }
0x7f: {  	_ =	shalt  }
0x80: {  	_ =	shalt  }
0x81: {  	_ =	shalt  }
0x82: {  	_ =	shalt  }
0x83: {  	_ =	shalt  }
0x84: {  	_ =	shalt  }
0x85: {  	_ =	shalt  }
0x86: {  	_ =	shalt  }
0x87: {  	_ =	shalt  }
.Lfunc_end0:
.L_simem_size_0:
called_computation_lowered:
.L_overlay_start_0:
0x88: {  	s2 =	sld [smem:$0x3FD9]  }
0x89: {  	s3 =	sld [smem:$0x3FFE];
	_ =	sdelay $0x1  }
0x8a: {  	s1 =	srdreg.scid  }
0x8b: {  	s0 =	sand.u32 $0x1, s1  }
0x8c: {  	s17 =	sshll.u32 s0, $0xA;
	s2 =	sadd.s32 s3, s2  }
0x8d: {  	s2 =	sadd.s32 s2, s17  }
0x8e: {  	[smem:$0x3FC1] =	sst s2  }
0x8f: {  	_ = 	snop  }
0x90: {  	s2 =	sld [smem:$0x3FC9]  }
0x91: {  	s18 =	sld [smem:$0x3FD0];
	(tm) =	ssettm $0x1  }
0x92: {  	s4 =	sld [smem:$0x3FFB];
	_ =	sdelay $0x3  }
0x93: {  	_ =	strace s4  }
0x94: {  	s4 =	sld [smem:$0x3FFC];
	_ =	sdelay $0x3  }
0x95: {  	_ =	strace s4  }
0x96: {  	s4 =	sld [smem:$0x3FFD];
	_ =	sdelay $0x3  }
0x97: {  	_ =	strace s4  }
0x98: {  	_ =	strace $0x8FFFFFFF  }
0x99: {  	s19 =	sld [smem:$0x3FDB];
	_ =	sdelay $0x1  }
0x9a: {  	s5 =	simm.s32 $_scs_section_size  }
0x9b: {  	s6 =	simm.s32 $_size__tile_overlayer_lowered;
	s7 =	simm.s32 $_tile_overlayer_lowered  }
0x9c: {  	s22 =	simm.s32 $0x1BFF;
	s21 =	sshll.u32 s7, $0x1;
	s4 =	sadd.s32 s5, s19  }
0x9d: {  	s8 =	simm.s32 $0x0;
	s20 =	sshll.u32 s6, $0x1;
	s6 =	sadd.s32 s21, s4  }
0x9e: {  	[timem:s8], [sflag:s22] =	dma.local [hbm:s6], s20  }
0x9f: {  	_ =	swait.ge [sflag:s22], s20  }
0xa0: {  	s5 =	ssub.s32 $0x0, s20;
	[sflag:s22] =	ssyncset.done $0x0  }
0xa1: {  	[sflag:s22] =	ssyncadd.s32 s5;
	_ =	sdelay $0x1  }
0xa2: {  	s23 =	simm.s32 $0x1B8B  }
0xa3: {  	_ =	swait.ge [sflag:s23], $0x1  }
0xa4: {  	[sflag:s23] =	ssyncset.done $0x0  }
0xa5: {  	s25 =	simm.s32 $0x1B8E;
	s24 =	sld [smem:$0x3FFE];
	[sflag:s23] =	ssyncadd.s32 $0xFFFFFFFF  }
0xa6: {  	s26 =	simm.s32 $execute0_lowered;
	[smem:$0x3FD2] =	sst s25  }
0xa7: {  	s6 =	sshll.u32 s26, $0x1;
	_ =	strace $0x80000046;
	[dreg:$0x1] =	wrdreg $0xFFFFFFFF  }
0xa8: {  	s28 =	simm.s32 $_size_execute0_lowered;
	s4 =	sadd.s32 s4, s6;
	[dreg:$0x0] =	wrdreg $0x0  }
0xa9: {  	s6 =	sshll.u32 s28, $0x1;
	[dreg:$0x2] =	wrdreg s4  }
0xaa: {  	[dreg:$0x3] =	wrdreg s6  }
0xab: {  	[dreg:$0x4] =	wrdreg $0xC0  }
0xac: {  	_ =	task [dreg:s8], $0x5FFFF  }
0xad: {  	[dreg:$0x1] =	wrdreg $0xFFFFFFFF  }
0xae: {  	[dreg:$0x0] =	wrdreg $0x60  }
0xaf: {  	[dreg:$0x2] =	wrdreg s2  }
0xb0: {  	[dreg:$0x3] =	wrdreg s24  }
0xb1: {  	[dreg:$0x4] =	wrdreg s18  }
0xb2: {  	[dreg:$0x5] =	wrdreg $0xC0000  }
0xb3: {  	[dreg:$0x6] =	wrdreg $0x9  }
0xb4: {  	_ =	task.clear_ibuf [dreg:s8], $0x7FFFF;
	_ =	strace $0x90000046  }
0xb5: {  	s29 =	simm.s32 $0x9;
	_ =	strace $0x80000048  }
0xb6: {  	_ =	swait.ge [sflag:s29], $0x1  }
0xb7: {  	[sflag:s29] =	ssyncadd.s32 $0xFFFFFFFF  }
0xb8: {  	_ =	strace $0x90000048  }
0xb9: {  	_ =	sfence  }
0xba: {  	s30 =	sld [smem:$0x0];
	_ =	sdelay $0x2  }
0xbb: {  	s31 =	sshll.u32 s1, $0xD;
	s1 =	sshrl.u32 s1, $0x2  }
0xbc: {  	s3 =	sand.u32 $0x4000, s31;
	s1 =	sadd.s32 s1, s30  }
0xbd: {  	s0 =	sor.u32 s3, s0;
	s1 =	sshll.u32 s1, $0x11  }
0xbe: {  	s0 =	sor.u32 s1, s0  }
0xbf: {  	s0 =	sadd.s32 $0x8F2B, s0  }
0xc0: {  	[sflag:s0] =	ssyncadd.remote.s32 $0x1  }
0xc1: {  	_ =	sfence.sel $0xFFFF  }
0xc2: {  	[dreg:$0x0] =	wrdreg $0xFFFFFFFF;
	(pc) =	sbr.abs _section_cstart, $3  }
0xc3: {  	[dreg:$0x1] =	wrdreg $0xFFFFFFFF  }
0xc4: {  	_ =	task.clear_ibuf [dreg:s8], $0x2FFFF;
	_ =	strace $0x9FFFFFFF  }
0xc5: {  	(tm) =	ssettm $0x7FFFFFFF  }
tec
execute0_lowered:
.L_overlay_start_1:
0x0: {  	(tag) =	ssettag $0x1  }
0x1: {  	s1 =	rddreg [dreg:$0x0]  }
0x2: {  	s4 =	rddreg [dreg:$0x1]  }
0x3: {  	s5 =	rddreg [dreg:$0x2]  }
0x4: {  	s2 =	rddreg [dreg:$0x3];
	s3 =	simm.s32 $0x0  }
0x5: {  	s0 =	srdreg.scid;
	s24 =	simm.s32 $0x200;
	[smem:$0x7FF] =	sst s3  }
0x6: {  	s25 =	simm.s32 $0x1080;
	_ =	strace $0x80000047;
	[dreg:$0x5] =	wrdreg s24  }
0x7: {  	s6 =	stileid.u32;
	s26 =	simm.s32 $0x280;
	[dreg:$0x6] =	wrdreg s25  }
0x8: {  	s13 =	simm.s32 $0x300;
	s15 =	simm.s32 $0x1180;
	[dreg:$0x7] =	wrdreg s26  }
0x9: {  	s16 =	simm.s32 $0x380;
	s17 =	simm.s32 $0x1200;
	[dreg:$0x9] =	wrdreg s13  }
0xa: {  	s19 =	simm.s32 $0x400;
	s20 =	simm.s32 $0x1280;
	[dreg:$0xa] =	wrdreg s15  }
0xb: {  	s21 =	simm.s32 $0x480;
	s22 =	simm.s32 $0x1300;
	[dreg:$0xb] =	wrdreg s16  }
0xc: {  	s28 =	simm.s32 $0xA000;
	s29 =	simm.s32 $0x2;
	[dreg:$0xc] =	wrdreg s17  }
0xd: {  	s30 =	simm.s32 $0x6;
	s31 =	simm.s32 $0x3;
	[dreg:$0xd] =	wrdreg s19  }
0xe: {  	s7 =	sand.u32 $0x1, s0;
	s12 =	smul.u32 $0x4E000, s6;
	[dreg:$0xe] =	wrdreg s20  }
0xf: {  	s8 =	sshll.u32 s6, $0xC;
	s14 =	smul.u32 $0x2700, s6;
	[dreg:$0xf] =	wrdreg s21  }
0x10: {  	s18 =	sshll.u32 s6, $0x6;
	p0 =	sne.s32 s6, $0x0;
	[dreg:$0x10] =	wrdreg s22  }
0x11: {  	s0 =	sshll.u32 s7, $0x10;
	s24 =	simm.s32 $0x880;
	[smem:$0x7F2] =	sst s14  }
0x12: {  	s23 =	smul.u32 $0x27100, s7;
	s26 =	simm.s32 $0x1400;
	[dreg:$0x12] =	wrdreg s24  }
0x13: {  	s7 =	ssub.s32 $0x2, s7;
	s15 =	simm.s32 $0x1880;
	[dreg:$0x13] =	wrdreg s26  }
0x14: {  	s13 =	sor.u32 $0x1C0D, s18;
	s16 =	simm.s32 $0xA80;
	[dreg:$0x18] =	wrdreg s15  }
0x15: {  	s17 =	simm.s32 $0x1900;
	s18 =	simm.s32 $0xB00;
	[dreg:$0x19] =	wrdreg s16  }
0x16: {  	s19 =	simm.s32 $0x1980;
	s20 =	simm.s32 $0xB80;
	[dreg:$0x1a] =	wrdreg s17  }
0x17: {  	s21 =	simm.s32 $0x1A00;
	s22 =	simm.s32 $0xC00;
	[dreg:$0x1b] =	wrdreg s18  }
0x18: {  	s0 =	sor.u32 s8, s0;
	s11 =	sshrl.u32 s7, $0x1;
	[dreg:$0x1c] =	wrdreg s19  }
0x19: {  	s12 =	sshrl.u32 s12, $0x2;
	s16 =	simm.s32 $0x40;
	[dreg:$0x1d] =	wrdreg s20  }
0x1a: {  	s17 =	simm.s32 $0x2000;
	s19 =	simm.s32 $0x4000;
	[dreg:$0x1e] =	wrdreg s21  }
0x1b: {  	s21 =	simm.s32 $0x6000;
	[dreg:$0x1f] =	wrdreg s22;
	s24 =	simm.s32 $0xC80  }
0x1c: {  	s26 =	simm.s32 $0x1C00;
	s15 =	simm.s32 $0x800;
	s18 =	simm.s32 $0x4  }
0x1d: {  	s20 =	simm.s32 $0x8;
	s22 =	simm.s32 $0x5;
	[smem:$0x7FB] =	sst s13  }
0x1e: {  	s9 =	sadd.s32 s0, s4;
	s10 =	sadd.s32 s23, s4;
	[smem:$0x7F8] =	sst s24  }
0x1f: {  	s7 =	ssub.s32 s7, s11;
	s11 =	simm.s32 $0x1100;
	[smem:$0x7FA] =	sst s26  }
0x20: {  	s23 =	simm.s32 $0x1380;
	s4 =	sadd.s32 $0x21600, s4;
	[dreg:$0x8] =	wrdreg s11  }
0x21: {  	s11 =	sadd.s32 s12, s2;
	s12 =	sadd.s32 s5, s14;
	[dreg:$0x11] =	wrdreg s23  }
0x22: {  	s24 =	simm.s32 $0x1;
	s5 =	sadd.s32 $0x27000, s5;
	[smem:$0x7F3] =	sst s12  }
0x23: {  	s26 =	simm.s32 $0x0;
	s25 =	sadd.s32 $0x41600, s10;
	[smem:$0x7F4] =	sst s5  }
0x24: {  	s8 =	sadd.s32 $0x1600, s9;
	s7 =	smax.u32 s7, $0x1;
	[smem:$0x7F5] =	sst s25  }
0x25: {  	s9 =	simm.s32 $0x900;
	s10 =	simm.s32 $0x1480;
	[smem:$0x7F6] =	sst s7  }
0x26: {  	s14 =	simm.s32 $0xA00;
	s23 =	simm.s32 $0x1A80;
	[dreg:$0x14] =	wrdreg s9  }
0x27: {  	s12 =	sadd.s32 $0x138000, s2;
	s9 =	sshrl.u32 s11, $0x3;
	[dreg:$0x15] =	wrdreg s10  }
0x28: {  	s11 =	simm.s32 $0x980;
	s10 =	simm.s32 $0xD;
	[dreg:$0x17] =	wrdreg s14  }
0x29: {  	s14 =	sadd.s32 s0, s4;
	[smem:$0x7F7] =	sst s23;
	s23 =	simm.s32 $0x8000  }
0x2a: {  	s25 =	simm.s32 $0x1B00;
	s0 =	simm.s32 $0x7;
	[dreg:$0x16] =	wrdreg s11  }
0x2b: {  	s5 =	simm.s32 $0x9;
	s7 =	simm.s32 $0xA;
	[smem:$0x7F9] =	sst s25  }
0x2c: {  	s4 =	simm.s32 $0xC;
	s11 =	sshrl.u32 @!p0 s12, $0x3;
	[smem:$0x7FC] =	sst s9  }
0x2d: {  	s12 =	simm.s32 $0x1000;
	s25 =	simm.s32 $0x1800;
	[smem:$0x7FD] =	sst s11  }
.LBB2_1:
0x2e: {  	s6 =	sld [smem:$0x7F3];
	_ =	sdelay $0x1  }
0x2f: {  	[smem:$0x7F1] =	sst s26  }
0x30: {  	[spmem:s9], [sflag:s13] =	dma.local [hbm:s6], $0x2700  }
0x31: {  	_ =	swait.ge [sflag:s10], $0x2700  }
0x32: {  	s6 =	sld [smem:$0x7F4]  }
0x33: {  	[sflag:s10] =	ssyncset.done $0x0  }
0x34: {  	[sflag:s10] =	ssyncadd.s32 $0xFFFFD900  }
0x35: {  	[spmem:s11], [sflag:s13] =	dma.local @!p0 [hbm:s6], $0x100  }
0x36: {  	s6 =	simm.s32 @!p0 $0xD  }
0x37: {  	_ =	swait.ge @!p0 [sflag:s6], $0x100  }
0x38: {  	[sflag:s6] =	ssyncset.done @!p0 $0x0  }
0x39: {  	[sflag:s6] =	ssyncadd.s32 @!p0 $0xFFFFFF00  }
0x3a: {  	[bflag:$0x0] =	sbarrier.arrive $0xFFFF  }
0x3b: {  	[tilespmem:s3], [sflag:$0xD] =	stream.linear.gather [hbm4b:s8+s3], $0x500, $0x38;
	[tilespmem:$0x1FC80] =	vst v63  }
0x3c: {  	_ =	swait.ge [sflag:s10], $0x500  }
0x3d: {  	[sflag:s10] =	ssyncset.done $0x0  }
0x3e: {  	[sflag:s10] =	ssyncadd.s32 $0xFFFFFB00  }
0x3f: {  	[tilespmem:s12], [sflag:$0xD] =	stream.linear.gather [hbm4b:s14+s3], $0x500, $0x38;
	[tilespmem:$0x1FC80] =	vst v63  }
0x40: {  	_ =	swait.ge [sflag:s10], $0x500  }
0x41: {  	[sflag:s10] =	ssyncset.done $0x0  }
0x42: {  	[sflag:s10] =	ssyncadd.s32 $0xFFFFFB00  }
0x43: {  	[tilespmem:s17], [sflag:$0x1] =	stream.indirect.gather [hbm4b:s1+s16], $0x80, s3, s16, $0xb8;
	[tilespmem:$0x1FC80] =	vst v63  }
0x44: {  	s9 =	simm.s32 $0x80  }
0x45: {  	[tilespmem:s19], [sflag:$0x2] =	stream.indirect.gather [hbm4b:s1+s16], $0x80, s9, s16, $0xb8;
	[tilespmem:$0x1FC80] =	vst v63  }
0x46: {  	s10 =	simm.s32 $0x100  }
0x47: {  	[tilespmem:s21], [sflag:$0x3] =	stream.indirect.gather [hbm4b:s1+s16], $0x80, s10, s16, $0xb8;
	[tilespmem:$0x1FC80] =	vst v63  }
0x48: {  	s11 =	simm.s32 $0x180  }
0x49: {  	[tilespmem:s23], [sflag:$0x4] =	stream.indirect.gather [hbm4b:s1+s16], $0x80, s11, s16, $0xb8;
	[tilespmem:$0x1FC80] =	vst v63  }
0x4a: {  	_ =	swait.ge [sflag:s24], $0x2000  }
0x4b: {  	p1 =	por $0x1, $0x1;
	[sflag:s24] =	ssyncset.done $0x0  }
0x4c: {  	s6 =	simm.s32 @!p1 $0xA;
	[sflag:s24] =	ssyncadd.s32 $0xFFFFE000  }
0x4d: {  	[spmem:s2] =	stream.indirect.scatter.add.f32 [tilespmem:s17], [sflag:$0x6], $0x80, s12, s16, $0xb8;
	[tilespmem:$0x1FC80] =	vst v63  }
0x4e: {  	_ =	swait.ge @!p1 [sflag:s6], $0x2000  }
0x4f: {  	s12 =	sadd.s32 $0x0, s8;
	[sflag:s6] =	ssyncset.done @!p1 $0x0  }
0x50: {  	s13 =	sadd.s32 $0x0, s14;
	s9 =	sadd.s32 $0x100, s12;
	[sflag:s6] =	ssyncadd.s32 @!p1 $0xFFFFE000  }
0x51: {  	[tilespmem:s15], [sflag:$0xC] =	stream.linear.gather [hbm4b:s9+s3], $0x500, $0x38;
	[tilespmem:$0x1FC80] =	vst v63  }
0x52: {  	s6 =	sadd.s32 $0x100, s13  }
0x53: {  	[tilespmem:s25], [sflag:$0xC] =	stream.linear.gather [hbm4b:s6+s3], $0x500, $0x38;
	[tilespmem:$0x1FC80] =	vst v63  }
0x54: {  	s26 =	rddreg [dreg:$0x5]  }
0x55: {  	[tilespmem:s28], [sflag:$0x5] =	stream.indirect.gather [hbm4b:s1+s16], $0x80, s26, s16, $0xb8;
	[tilespmem:$0x1FC80] =	vst v63  }
0x56: {  	_ =	swait.ge [sflag:s29], $0x2000  }
0x57: {  	[sflag:s29] =	ssyncset.done $0x0  }
0x58: {  	s10 =	rddreg [dreg:$0x6];
	[sflag:s29] =	ssyncadd.s32 $0xFFFFE000  }
0x59: {  	[spmem:s2] =	stream.indirect.scatter.add.f32 [tilespmem:s19], [sflag:$0x7], $0x80, s10, s16, $0xb8;
	[tilespmem:$0x1FC80] =	vst v63  }
0x5a: {  	_ =	swait.ge [sflag:s30], $0x2000  }
0x5b: {  	[sflag:s30] =	ssyncset.done $0x0  }
0x5c: {  	s11 =	rddreg [dreg:$0x7];
	[sflag:s30] =	ssyncadd.s32 $0xFFFFE000  }
0x5d: {  	[tilespmem:s17], [sflag:$0x1] =	stream.indirect.gather [hbm4b:s1+s16], $0x80, s11, s16, $0xb8;
	[tilespmem:$0x1FC80] =	vst v63  }
0x5e: {  	_ =	swait.ge [sflag:s31], $0x2000  }
0x5f: {  	[sflag:s31] =	ssyncset.done $0x0  }
0x60: {  	s12 =	rddreg [dreg:$0x8];
	[sflag:s31] =	ssyncadd.s32 $0xFFFFE000  }
0x61: {  	[spmem:s2] =	stream.indirect.scatter.add.f32 [tilespmem:s21], [sflag:$0x8], $0x80, s12, s16, $0xb8;
	[tilespmem:$0x1FC80] =	vst v63  }
0x62: {  	_ =	swait.ge [sflag:s0], $0x2000  }
0x63: {  	[sflag:s0] =	ssyncset.done $0x0  }
0x64: {  	s13 =	rddreg [dreg:$0x9];
	[sflag:s0] =	ssyncadd.s32 $0xFFFFE000  }
0x65: {  	[tilespmem:s19], [sflag:$0x2] =	stream.indirect.gather [hbm4b:s1+s16], $0x80, s13, s16, $0xb8;
	[tilespmem:$0x1FC80] =	vst v63  }
0x66: {  	_ =	swait.ge [sflag:s18], $0x2000  }
0x67: {  	[sflag:s18] =	ssyncset.done $0x0  }
0x68: {  	s26 =	rddreg [dreg:$0xa];
	[sflag:s18] =	ssyncadd.s32 $0xFFFFE000  }
0x69: {  	[spmem:s2] =	stream.indirect.scatter.add.f32 [tilespmem:s23], [sflag:$0x9], $0x80, s26, s16, $0xb8;
	[tilespmem:$0x1FC80] =	vst v63  }
0x6a: {  	_ =	swait.ge [sflag:s20], $0x2000  }
0x6b: {  	[sflag:s20] =	ssyncset.done $0x0  }
0x6c: {  	s3 =	rddreg [dreg:$0xb];
	[sflag:s20] =	ssyncadd.s32 $0xFFFFE000  }
0x6d: {  	[tilespmem:s21], [sflag:$0x3] =	stream.indirect.gather [hbm4b:s1+s16], $0x80, s3, s16, $0xb8;
	[tilespmem:$0x1FC80] =	vst v63  }
0x6e: {  	_ =	swait.ge [sflag:s22], $0x2000  }
0x6f: {  	[sflag:s22] =	ssyncset.done $0x0  }
0x70: {  	s9 =	rddreg [dreg:$0xc];
	[sflag:s22] =	ssyncadd.s32 $0xFFFFE000  }
0x71: {  	[spmem:s2] =	stream.indirect.scatter.add.f32 [tilespmem:s28], [sflag:$0xA], $0x80, s9, s16, $0xb8;
	[tilespmem:$0x1FC80] =	vst v63  }
0x72: {  	_ =	swait.ge [sflag:s5], $0x2000  }
0x73: {  	[sflag:s5] =	ssyncset.done $0x0  }
0x74: {  	s10 =	rddreg [dreg:$0xd];
	[sflag:s5] =	ssyncadd.s32 $0xFFFFE000  }
0x75: {  	[tilespmem:s23], [sflag:$0x4] =	stream.indirect.gather [hbm4b:s1+s16], $0x80, s10, s16, $0xb8;
	[tilespmem:$0x1FC80] =	vst v63  }
0x76: {  	_ =	swait.ge [sflag:s24], $0x2000  }
0x77: {  	[sflag:s24] =	ssyncset.done $0x0  }
0x78: {  	s11 =	rddreg [dreg:$0xe];
	[sflag:s24] =	ssyncadd.s32 $0xFFFFE000  }
0x79: {  	[spmem:s2] =	stream.indirect.scatter.add.f32 [tilespmem:s17], [sflag:$0x6], $0x80, s11, s16, $0xb8;
	[tilespmem:$0x1FC80] =	vst v63  }
0x7a: {  	_ =	swait.ge [sflag:s7], $0x2000  }
0x7b: {  	[sflag:s7] =	ssyncset.done $0x0  }
0x7c: {  	s12 =	rddreg [dreg:$0xf];
	[sflag:s7] =	ssyncadd.s32 $0xFFFFE000  }
0x7d: {  	[tilespmem:s28], [sflag:$0x5] =	stream.indirect.gather [hbm4b:s1+s16], $0x80, s12, s16, $0xb8;
	[tilespmem:$0x1FC80] =	vst v63  }
0x7e: {  	_ =	swait.ge [sflag:s29], $0x2000  }
0x7f: {  	[sflag:s29] =	ssyncset.done $0x0  }
0x80: {  	s13 =	rddreg [dreg:$0x10];
	[sflag:s29] =	ssyncadd.s32 $0xFFFFE000  }
0x81: {  	[spmem:s2] =	stream.indirect.scatter.add.f32 [tilespmem:s19], [sflag:$0x7], $0x80, s13, s16, $0xb8;
	[tilespmem:$0x1FC80] =	vst v63  }
0x82: {  	_ =	swait.ge [sflag:s30], $0x2000  }
0x83: {  	[sflag:s30] =	ssyncset.done $0x0  }
0x84: {  	[sflag:s30] =	ssyncadd.s32 $0xFFFFE000  }
0x85: {  	_ =	swait.ge [sflag:s4], $0x500  }
0x86: {  	[sflag:s4] =	ssyncset.done $0x0  }
0x87: {  	[sflag:s4] =	ssyncadd.s32 $0xFFFFFB00  }
0x88: {  	_ =	swait.ge [sflag:s4], $0x500  }
0x89: {  	[sflag:s4] =	ssyncset.done $0x0  }
0x8a: {  	[sflag:s4] =	ssyncadd.s32 $0xFFFFFB00  }
0x8b: {  	[tilespmem:s17], [sflag:$0x1] =	stream.indirect.gather [hbm4b:s1+s16], $0x80, s15, s16, $0xb8;
	[tilespmem:$0x1FC80] =	vst v63  }
0x8c: {  	_ =	swait.ge [sflag:s31], $0x2000  }
0x8d: {  	[sflag:s31] =	ssyncset.done $0x0  }
0x8e: {  	s15 =	rddreg [dreg:$0x11];
	[sflag:s31] =	ssyncadd.s32 $0xFFFFE000  }
0x8f: {  	[spmem:s2] =	stream.indirect.scatter.add.f32 [tilespmem:s21], [sflag:$0x8], $0x80, s15, s16, $0xb8;
	[tilespmem:$0x1FC80] =	vst v63  }
0x90: {  	_ =	swait.ge [sflag:s0], $0x2000  }
0x91: {  	[sflag:s0] =	ssyncset.done $0x0  }
0x92: {  	s26 =	rddreg [dreg:$0x12];
	[sflag:s0] =	ssyncadd.s32 $0xFFFFE000  }
0x93: {  	[tilespmem:s19], [sflag:$0x2] =	stream.indirect.gather [hbm4b:s1+s16], $0x80, s26, s16, $0xb8;
	[tilespmem:$0x1FC80] =	vst v63  }
0x94: {  	_ =	swait.ge [sflag:s18], $0x2000  }
0x95: {  	[sflag:s18] =	ssyncset.done $0x0  }
0x96: {  	s3 =	rddreg [dreg:$0x13];
	[sflag:s18] =	ssyncadd.s32 $0xFFFFE000  }
0x97: {  	[spmem:s2] =	stream.indirect.scatter.add.f32 [tilespmem:s23], [sflag:$0x9], $0x80, s3, s16, $0xb8;
	[tilespmem:$0x1FC80] =	vst v63  }
0x98: {  	_ =	swait.ge [sflag:s20], $0x2000  }
0x99: {  	[sflag:s20] =	ssyncset.done $0x0  }
0x9a: {  	s9 =	rddreg [dreg:$0x14];
	[sflag:s20] =	ssyncadd.s32 $0xFFFFE000  }
0x9b: {  	[tilespmem:s21], [sflag:$0x3] =	stream.indirect.gather [hbm4b:s1+s16], $0x80, s9, s16, $0xb8;
	[tilespmem:$0x1FC80] =	vst v63  }
0x9c: {  	_ =	swait.ge [sflag:s22], $0x2000  }
0x9d: {  	[sflag:s22] =	ssyncset.done $0x0  }
0x9e: {  	s10 =	rddreg [dreg:$0x15];
	[sflag:s22] =	ssyncadd.s32 $0xFFFFE000  }
0x9f: {  	[spmem:s2] =	stream.indirect.scatter.add.f32 [tilespmem:s28], [sflag:$0xA], $0x80, s10, s16, $0xb8;
	[tilespmem:$0x1FC80] =	vst v63  }
0xa0: {  	_ =	swait.ge [sflag:s5], $0x2000  }
0xa1: {  	[sflag:s5] =	ssyncset.done $0x0  }
0xa2: {  	s11 =	rddreg [dreg:$0x16];
	[sflag:s5] =	ssyncadd.s32 $0xFFFFE000  }
0xa3: {  	[tilespmem:s23], [sflag:$0x4] =	stream.indirect.gather [hbm4b:s1+s16], $0x80, s11, s16, $0xb8;
	[tilespmem:$0x1FC80] =	vst v63  }
0xa4: {  	_ =	swait.ge [sflag:s24], $0x2000  }
0xa5: {  	[sflag:s24] =	ssyncset.done $0x0  }
0xa6: {  	p2 =	por $0x0, $0x0;
	[sflag:s24] =	ssyncadd.s32 $0xFFFFE000  }
0xa7: {  	[spmem:s2] =	stream.indirect.scatter.add.f32 [tilespmem:s17], [sflag:$0x6], $0x80, s25, s16, $0xb8;
	[tilespmem:$0x1FC80] =	vst v63  }
0xa8: {  	s6 =	sadd.s32 @!p2 $0x0, s8;
	_ =	swait.ge [sflag:s7], $0x2000  }
0xa9: {  	s6 =	sadd.s32 @!p2 $0x200, s6;
	[sflag:s7] =	ssyncset.done $0x0  }
0xaa: {  	s9 =	simm.s32 @!p2 $0x0;
	s10 =	sadd.s32 @!p2 $0x0, s14;
	[sflag:s7] =	ssyncadd.s32 $0xFFFFE000  }
0xab: {  	[tilespmem:s9], [sflag:$0xB] =	stream.linear.gather @!p2 [hbm4b:s6+s9], $0x500, $0x38;
	[tilespmem:$0x1FC80] =	vst v63  }
0xac: {  	s11 =	simm.s32 @!p2 $0x1000;
	s6 =	sadd.s32 @!p2 $0x200, s10  }
0xad: {  	[tilespmem:s11], [sflag:$0xB] =	stream.linear.gather @!p2 [hbm4b:s6+s9], $0x500, $0x38;
	[tilespmem:$0x1FC80] =	vst v63  }
0xae: {  	s12 =	rddreg [dreg:$0x17]  }
0xaf: {  	[tilespmem:s28], [sflag:$0x5] =	stream.indirect.gather [hbm4b:s1+s16], $0x80, s12, s16, $0xb8;
	[tilespmem:$0x1FC80] =	vst v63  }
0xb0: {  	_ =	swait.ge [sflag:s29], $0x2000  }
0xb1: {  	[sflag:s29] =	ssyncset.done $0x0  }
0xb2: {  	s13 =	rddreg [dreg:$0x18];
	[sflag:s29] =	ssyncadd.s32 $0xFFFFE000  }
0xb3: {  	[spmem:s2] =	stream.indirect.scatter.add.f32 [tilespmem:s19], [sflag:$0x7], $0x80, s13, s16, $0xb8;
	[tilespmem:$0x1FC80] =	vst v63  }
0xb4: {  	_ =	swait.ge [sflag:s30], $0x2000  }
0xb5: {  	[sflag:s30] =	ssyncset.done $0x0  }
0xb6: {  	s15 =	rddreg [dreg:$0x19];
	[sflag:s30] =	ssyncadd.s32 $0xFFFFE000  }
0xb7: {  	[tilespmem:s17], [sflag:$0x1] =	stream.indirect.gather [hbm4b:s1+s16], $0x80, s15, s16, $0xb8;
	[tilespmem:$0x1FC80] =	vst v63  }
0xb8: {  	_ =	swait.ge [sflag:s31], $0x2000  }
0xb9: {  	[sflag:s31] =	ssyncset.done $0x0  }
0xba: {  	s25 =	rddreg [dreg:$0x1a];
	[sflag:s31] =	ssyncadd.s32 $0xFFFFE000  }
0xbb: {  	[spmem:s2] =	stream.indirect.scatter.add.f32 [tilespmem:s21], [sflag:$0x8], $0x80, s25, s16, $0xb8;
	[tilespmem:$0x1FC80] =	vst v63  }
0xbc: {  	_ =	swait.ge [sflag:s0], $0x2000  }
0xbd: {  	[sflag:s0] =	ssyncset.done $0x0  }
0xbe: {  	s26 =	rddreg [dreg:$0x1b];
	[sflag:s0] =	ssyncadd.s32 $0xFFFFE000  }
0xbf: {  	[tilespmem:s19], [sflag:$0x2] =	stream.indirect.gather [hbm4b:s1+s16], $0x80, s26, s16, $0xb8;
	[tilespmem:$0x1FC80] =	vst v63  }
0xc0: {  	_ =	swait.ge [sflag:s18], $0x2000  }
0xc1: {  	[sflag:s18] =	ssyncset.done $0x0  }
0xc2: {  	s3 =	rddreg [dreg:$0x1c];
	[sflag:s18] =	ssyncadd.s32 $0xFFFFE000  }
0xc3: {  	[spmem:s2] =	stream.indirect.scatter.add.f32 [tilespmem:s23], [sflag:$0x9], $0x80, s3, s16, $0xb8;
	[tilespmem:$0x1FC80] =	vst v63  }
0xc4: {  	_ =	swait.ge [sflag:s20], $0x2000  }
0xc5: {  	[sflag:s20] =	ssyncset.done $0x0  }
0xc6: {  	s10 =	rddreg [dreg:$0x1d];
	[sflag:s20] =	ssyncadd.s32 $0xFFFFE000  }
0xc7: {  	[tilespmem:s21], [sflag:$0x3] =	stream.indirect.gather [hbm4b:s1+s16], $0x80, s10, s16, $0xb8;
	[tilespmem:$0x1FC80] =	vst v63  }
0xc8: {  	_ =	swait.ge [sflag:s22], $0x2000  }
0xc9: {  	[sflag:s22] =	ssyncset.done $0x0  }
0xca: {  	s11 =	rddreg [dreg:$0x1e];
	[sflag:s22] =	ssyncadd.s32 $0xFFFFE000  }
0xcb: {  	[spmem:s2] =	stream.indirect.scatter.add.f32 [tilespmem:s28], [sflag:$0xA], $0x80, s11, s16, $0xb8;
	[tilespmem:$0x1FC80] =	vst v63  }
0xcc: {  	_ =	swait.ge [sflag:s5], $0x2000  }
0xcd: {  	[sflag:s5] =	ssyncset.done $0x0  }
0xce: {  	s12 =	rddreg [dreg:$0x1f];
	[sflag:s5] =	ssyncadd.s32 $0xFFFFE000  }
0xcf: {  	[tilespmem:s23], [sflag:$0x4] =	stream.indirect.gather [hbm4b:s1+s16], $0x80, s12, s16, $0xb8;
	[tilespmem:$0x1FC80] =	vst v63  }
0xd0: {  	_ =	swait.ge [sflag:s24], $0x2000  }
0xd1: {  	s13 =	sld [smem:$0x7F7]  }
0xd2: {  	[sflag:s24] =	ssyncset.done $0x0  }
0xd3: {  	[sflag:s24] =	ssyncadd.s32 $0xFFFFE000  }
0xd4: {  	[spmem:s2] =	stream.indirect.scatter.add.f32 [tilespmem:s17], [sflag:$0x6], $0x80, s13, s16, $0xb8;
	[tilespmem:$0x1FC80] =	vst v63  }
0xd5: {  	_ =	swait.ge [sflag:s7], $0x2000  }
0xd6: {  	s15 =	sld [smem:$0x7F8]  }
0xd7: {  	[sflag:s7] =	ssyncset.done $0x0  }
0xd8: {  	[sflag:s7] =	ssyncadd.s32 $0xFFFFE000  }
0xd9: {  	[tilespmem:s28], [sflag:$0x5] =	stream.indirect.gather [hbm4b:s1+s16], $0x80, s15, s16, $0xb8;
	[tilespmem:$0x1FC80] =	vst v63  }
0xda: {  	_ =	swait.ge [sflag:s29], $0x2000  }
0xdb: {  	s25 =	sld [smem:$0x7F9]  }
0xdc: {  	[sflag:s29] =	ssyncset.done $0x0  }
0xdd: {  	[sflag:s29] =	ssyncadd.s32 $0xFFFFE000  }
0xde: {  	[spmem:s2] =	stream.indirect.scatter.add.f32 [tilespmem:s19], [sflag:$0x7], $0x80, s25, s16, $0xb8;
	[tilespmem:$0x1FC80] =	vst v63  }
0xdf: {  	_ =	swait.ge [sflag:s30], $0x2000  }
0xe0: {  	[sflag:s30] =	ssyncset.done $0x0  }
0xe1: {  	s6 =	simm.s32 @p2 $0x3;
	[sflag:s30] =	ssyncadd.s32 $0xFFFFE000  }
0xe2: {  	_ =	swait.ge @p2 [sflag:s6], $0x2000  }
0xe3: {  	s10 =	simm.s32 @p2 $0x6000;
	s11 =	simm.s32 @p2 $0x40;
	[sflag:s6] =	ssyncset.done @p2 $0x0  }
0xe4: {  	s12 =	simm.s32 @p2 $0x1B80;
	[sflag:s6] =	ssyncadd.s32 @p2 $0xFFFFE000;
	s6 =	simm.s32 @p2 $0x7  }
0xe5: {  	[spmem:s2] =	stream.indirect.scatter.add.f32 @p2 [tilespmem:s10], [sflag:$0x8], $0x80, s12, s11, $0xb8;
	[tilespmem:$0x1FC80] =	vst v63  }
0xe6: {  	_ =	swait.ge @p2 [sflag:s6], $0x2000  }
0xe7: {  	[sflag:s6] =	ssyncset.done @p2 $0x0  }
0xe8: {  	s10 =	simm.s32 @!p2 $0xB;
	[sflag:s6] =	ssyncadd.s32 @p2 $0xFFFFE000  }
0xe9: {  	_ =	swait.ge @!p2 [sflag:s10], $0x500  }
0xea: {  	[sflag:s10] =	ssyncset.done @!p2 $0x0  }
0xeb: {  	[sflag:s10] =	ssyncadd.s32 @!p2 $0xFFFFFB00  }
0xec: {  	_ =	swait.ge @!p2 [sflag:s10], $0x500  }
0xed: {  	s12 =	simm.s32 @!p2 $0x2000;
	[sflag:s10] =	ssyncset.done @!p2 $0x0  }
0xee: {  	s6 =	simm.s32 @!p2 $0x40;
	[sflag:s10] =	ssyncadd.s32 @!p2 $0xFFFFFB00;
	s10 =	simm.s32 @!p2 $0x3  }
0xef: {  	[tilespmem:s12], [sflag:$0x1] =	stream.indirect.gather @!p2 [hbm4b:s1+s6], $0x80, s9, s6, $0xb8;
	[tilespmem:$0x1FC80] =	vst v63  }
0xf0: {  	_ =	swait.ge @!p2 [sflag:s10], $0x2000  }
0xf1: {  	s9 =	simm.s32 @!p2 $0x1B80;
	[sflag:s10] =	ssyncset.done @!p2 $0x0  }
0xf2: {  	s12 =	simm.s32 @!p2 $0x6000;
	[sflag:s10] =	ssyncadd.s32 @!p2 $0xFFFFE000;
	s10 =	simm.s32 @!p2 $0x7  }
0xf3: {  	[spmem:s2] =	stream.indirect.scatter.add.f32 @!p2 [tilespmem:s12], [sflag:$0x8], $0x80, s9, s6, $0xb8;
	[tilespmem:$0x1FC80] =	vst v63  }
0xf4: {  	_ =	swait.ge @!p2 [sflag:s10], $0x2000  }
0xf5: {  	[sflag:s10] =	ssyncset.done @!p2 $0x0  }
0xf6: {  	s13 =	simm.s32 @!p2 $0x4000;
	s9 =	simm.s32 @!p2 $0x80;
	[sflag:s10] =	ssyncadd.s32 @!p2 $0xFFFFE000  }
0xf7: {  	[tilespmem:s13], [sflag:$0x2] =	stream.indirect.gather @!p2 [hbm4b:s1+s6], $0x80, s9, s6, $0xb8;
	[tilespmem:$0x1FC80] =	vst v63  }
0xf8: {  	_ =	swait.ge [sflag:s18], $0x2000  }
0xf9: {  	s26 =	sld [smem:$0x7FA]  }
0xfa: {  	[sflag:s18] =	ssyncset.done $0x0  }
0xfb: {  	[sflag:s18] =	ssyncadd.s32 $0xFFFFE000  }
0xfc: {  	[spmem:s2] =	stream.indirect.scatter.add.f32 [tilespmem:s23], [sflag:$0x9], $0x80, s26, s16, $0xb8;
	[tilespmem:$0x1FC80] =	vst v63  }
0xfd: {  	_ =	swait.ge [sflag:s20], $0x2000  }
0xfe: {  	[sflag:s20] =	ssyncset.done $0x0  }
0xff: {  	s9 =	simm.s32 @p2 $0x5;
	[sflag:s20] =	ssyncadd.s32 $0xFFFFE000  }
0x100: {  	_ =	swait.ge @p2 [sflag:s9], $0x2000  }
0x101: {  	s10 =	simm.s32 @p2 $0x1C80;
	[sflag:s9] =	ssyncset.done @p2 $0x0  }
0x102: {  	s13 =	simm.s32 @p2 $0xA000;
	[sflag:s9] =	ssyncadd.s32 @p2 $0xFFFFE000;
	s9 =	simm.s32 @p2 $0x9  }
0x103: {  	[spmem:s2] =	stream.indirect.scatter.add.f32 @p2 [tilespmem:s13], [sflag:$0xA], $0x80, s10, s11, $0xb8;
	[tilespmem:$0x1FC80] =	vst v63  }
0x104: {  	_ =	swait.ge @p2 [sflag:s9], $0x2000  }
0x105: {  	[sflag:s9] =	ssyncset.done @p2 $0x0  }
0x106: {  	s10 =	simm.s32 @!p2 $0x100;
	[sflag:s9] =	ssyncadd.s32 @p2 $0xFFFFE000;
	s9 =	simm.s32 @!p2 $0x5  }
0x107: {  	[tilespmem:s12], [sflag:$0x3] =	stream.indirect.gather @!p2 [hbm4b:s1+s6], $0x80, s10, s6, $0xb8;
	[tilespmem:$0x1FC80] =	vst v63  }
0x108: {  	s15 =	simm.s32 @!p2 $0x8000;
	_ =	swait.ge @!p2 [sflag:s9], $0x2000  }
0x109: {  	s25 =	simm.s32 $0x0;
	s11 =	simm.s32 @!p2 $0x1C80;
	[sflag:s9] =	ssyncset.done @!p2 $0x0  }
0x10a: {  	s10 =	simm.s32 @!p2 $0xA000;
	s12 =	simm.s32 @!p2 $0x9;
	[sflag:s9] =	ssyncadd.s32 @!p2 $0xFFFFE000  }
0x10b: {  	[spmem:s2] =	stream.indirect.scatter.add.f32 @!p2 [tilespmem:s10], [sflag:$0xA], $0x80, s11, s6, $0xb8;
	[tilespmem:$0x1FC80] =	vst v63  }
0x10c: {  	s26 =	simm.s32 $0x1800;
	s9 =	simm.s32 $0x200;
	_ =	swait.ge @!p2 [sflag:s12], $0x2000  }
0x10d: {  	s10 =	simm.s32 @!p2 $0x180;
	s11 =	simm.s32 $0x0;
	[sflag:s12] =	ssyncset.done @!p2 $0x0  }
.LBB2_2:
0x10e: {  	[sflag:s12] =	ssyncadd.s32 @!p2 $0xFFFFE000  }
0x10f: {  	[tilespmem:s15], [sflag:$0x4] =	stream.indirect.gather @!p2 [hbm4b:s1+s6], $0x80, s10, s6, $0xb8;
	[tilespmem:$0x1FC80] =	vst v63  }
0x110: {  	s13 =	smov.u32 s9;
	_ =	swait.ge [sflag:s24], $0x2000  }
0x111: {  	p2 =	seq.s32 s13, $0x0;
	[sflag:s24] =	ssyncset.done $0x0  }
0x112: {  	s3 =	simm.s32 $0x1000;
	s6 =	simm.s32 @!p2 $0xA;
	[sflag:s24] =	ssyncadd.s32 $0xFFFFE000  }
0x113: {  	[spmem:s2] =	stream.indirect.scatter.add.f32 [tilespmem:s17], [sflag:$0x6], $0x80, s3, s16, $0xb8;
	[tilespmem:$0x1FC80] =	vst v63  }
0x114: {  	_ =	swait.ge @!p2 [sflag:s6], $0x2000  }
0x115: {  	s12 =	sadd.s32 s13, s14;
	s3 =	sadd.s32 s13, s8;
	[sflag:s6] =	ssyncset.done @!p2 $0x0  }
0x116: {  	s10 =	sadd.s32 $0x100, s3;
	s3 =	simm.s32 $0x800;
	[sflag:s6] =	ssyncadd.s32 @!p2 $0xFFFFE000  }
0x117: {  	[tilespmem:s3], [sflag:$0xC] =	stream.linear.gather [hbm4b:s10+s25], $0x500, $0x38;
	[tilespmem:$0x1FC80] =	vst v63  }
0x118: {  	s6 =	sadd.s32 $0x100, s12  }
0x119: {  	[tilespmem:s26], [sflag:$0xC] =	stream.linear.gather [hbm4b:s6+s25], $0x500, $0x38;
	[tilespmem:$0x1FC80] =	vst v63  }
0x11a: {  	s15 =	rddreg [dreg:$0x5]  }
0x11b: {  	[tilespmem:s28], [sflag:$0x5] =	stream.indirect.gather [hbm4b:s1+s16], $0x80, s15, s16, $0xb8;
	[tilespmem:$0x1FC80] =	vst v63  }
0x11c: {  	_ =	swait.ge [sflag:s29], $0x2000  }
0x11d: {  	[sflag:s29] =	ssyncset.done $0x0  }
0x11e: {  	s12 =	rddreg [dreg:$0x6];
	[sflag:s29] =	ssyncadd.s32 $0xFFFFE000  }
0x11f: {  	[spmem:s2] =	stream.indirect.scatter.add.f32 [tilespmem:s19], [sflag:$0x7], $0x80, s12, s16, $0xb8;
	[tilespmem:$0x1FC80] =	vst v63  }
0x120: {  	_ =	swait.ge [sflag:s30], $0x2000  }
0x121: {  	[sflag:s30] =	ssyncset.done $0x0  }
0x122: {  	s15 =	rddreg [dreg:$0x7];
	[sflag:s30] =	ssyncadd.s32 $0xFFFFE000  }
0x123: {  	[tilespmem:s17], [sflag:$0x1] =	stream.indirect.gather [hbm4b:s1+s16], $0x80, s15, s16, $0xb8;
	[tilespmem:$0x1FC80] =	vst v63  }
0x124: {  	_ =	swait.ge [sflag:s31], $0x2000  }
0x125: {  	[sflag:s31] =	ssyncset.done $0x0  }
0x126: {  	s10 =	rddreg [dreg:$0x8];
	[sflag:s31] =	ssyncadd.s32 $0xFFFFE000  }
0x127: {  	[spmem:s2] =	stream.indirect.scatter.add.f32 [tilespmem:s21], [sflag:$0x8], $0x80, s10, s16, $0xb8;
	[tilespmem:$0x1FC80] =	vst v63  }
0x128: {  	_ =	swait.ge [sflag:s0], $0x2000  }
0x129: {  	[sflag:s0] =	ssyncset.done $0x0  }
0x12a: {  	s12 =	rddreg [dreg:$0x9];
	[sflag:s0] =	ssyncadd.s32 $0xFFFFE000  }
0x12b: {  	[tilespmem:s19], [sflag:$0x2] =	stream.indirect.gather [hbm4b:s1+s16], $0x80, s12, s16, $0xb8;
	[tilespmem:$0x1FC80] =	vst v63  }
0x12c: {  	_ =	swait.ge [sflag:s18], $0x2000  }
0x12d: {  	[sflag:s18] =	ssyncset.done $0x0  }
0x12e: {  	s15 =	rddreg [dreg:$0xa];
	[sflag:s18] =	ssyncadd.s32 $0xFFFFE000  }
0x12f: {  	[spmem:s2] =	stream.indirect.scatter.add.f32 [tilespmem:s23], [sflag:$0x9], $0x80, s15, s16, $0xb8;
	[tilespmem:$0x1FC80] =	vst v63  }
0x130: {  	_ =	swait.ge [sflag:s20], $0x2000  }
0x131: {  	[sflag:s20] =	ssyncset.done $0x0  }
0x132: {  	s10 =	rddreg [dreg:$0xb];
	[sflag:s20] =	ssyncadd.s32 $0xFFFFE000  }
0x133: {  	[tilespmem:s21], [sflag:$0x3] =	stream.indirect.gather [hbm4b:s1+s16], $0x80, s10, s16, $0xb8;
	[tilespmem:$0x1FC80] =	vst v63  }
0x134: {  	_ =	swait.ge [sflag:s22], $0x2000  }
0x135: {  	[sflag:s22] =	ssyncset.done $0x0  }
0x136: {  	s12 =	rddreg [dreg:$0xc];
	[sflag:s22] =	ssyncadd.s32 $0xFFFFE000  }
0x137: {  	[spmem:s2] =	stream.indirect.scatter.add.f32 [tilespmem:s28], [sflag:$0xA], $0x80, s12, s16, $0xb8;
	[tilespmem:$0x1FC80] =	vst v63  }
0x138: {  	_ =	swait.ge [sflag:s5], $0x2000  }
0x139: {  	[sflag:s5] =	ssyncset.done $0x0  }
0x13a: {  	s15 =	rddreg [dreg:$0xd];
	[sflag:s5] =	ssyncadd.s32 $0xFFFFE000  }
0x13b: {  	[tilespmem:s23], [sflag:$0x4] =	stream.indirect.gather [hbm4b:s1+s16], $0x80, s15, s16, $0xb8;
	[tilespmem:$0x1FC80] =	vst v63  }
0x13c: {  	_ =	swait.ge [sflag:s24], $0x2000  }
0x13d: {  	[sflag:s24] =	ssyncset.done $0x0  }
0x13e: {  	s10 =	rddreg [dreg:$0xe];
	[sflag:s24] =	ssyncadd.s32 $0xFFFFE000  }
0x13f: {  	[spmem:s2] =	stream.indirect.scatter.add.f32 [tilespmem:s17], [sflag:$0x6], $0x80, s10, s16, $0xb8;
	[tilespmem:$0x1FC80] =	vst v63  }
0x140: {  	_ =	swait.ge [sflag:s7], $0x2000  }
0x141: {  	[sflag:s7] =	ssyncset.done $0x0  }
0x142: {  	s12 =	rddreg [dreg:$0xf];
	[sflag:s7] =	ssyncadd.s32 $0xFFFFE000  }
0x143: {  	[tilespmem:s28], [sflag:$0x5] =	stream.indirect.gather [hbm4b:s1+s16], $0x80, s12, s16, $0xb8;
	[tilespmem:$0x1FC80] =	vst v63  }
0x144: {  	_ =	swait.ge [sflag:s29], $0x2000  }
0x145: {  	[sflag:s29] =	ssyncset.done $0x0  }
0x146: {  	s15 =	rddreg [dreg:$0x10];
	[sflag:s29] =	ssyncadd.s32 $0xFFFFE000  }
0x147: {  	[spmem:s2] =	stream.indirect.scatter.add.f32 [tilespmem:s19], [sflag:$0x7], $0x80, s15, s16, $0xb8;
	[tilespmem:$0x1FC80] =	vst v63  }
0x148: {  	_ =	swait.ge [sflag:s30], $0x2000  }
0x149: {  	[sflag:s30] =	ssyncset.done $0x0  }
0x14a: {  	[sflag:s30] =	ssyncadd.s32 $0xFFFFE000  }
0x14b: {  	_ =	swait.ge [sflag:s4], $0x500  }
0x14c: {  	[sflag:s4] =	ssyncset.done $0x0  }
0x14d: {  	[sflag:s4] =	ssyncadd.s32 $0xFFFFFB00  }
0x14e: {  	_ =	swait.ge [sflag:s4], $0x500  }
0x14f: {  	[sflag:s4] =	ssyncset.done $0x0  }
0x150: {  	[sflag:s4] =	ssyncadd.s32 $0xFFFFFB00  }
0x151: {  	[tilespmem:s17], [sflag:$0x1] =	stream.indirect.gather [hbm4b:s1+s16], $0x80, s3, s16, $0xb8;
	[tilespmem:$0x1FC80] =	vst v63  }
0x152: {  	_ =	swait.ge [sflag:s31], $0x2000  }
0x153: {  	[sflag:s31] =	ssyncset.done $0x0  }
0x154: {  	s10 =	rddreg [dreg:$0x11];
	[sflag:s31] =	ssyncadd.s32 $0xFFFFE000  }
0x155: {  	[spmem:s2] =	stream.indirect.scatter.add.f32 [tilespmem:s21], [sflag:$0x8], $0x80, s10, s16, $0xb8;
	[tilespmem:$0x1FC80] =	vst v63  }
0x156: {  	_ =	swait.ge [sflag:s0], $0x2000  }
0x157: {  	[sflag:s0] =	ssyncset.done $0x0  }
0x158: {  	s12 =	rddreg [dreg:$0x12];
	[sflag:s0] =	ssyncadd.s32 $0xFFFFE000  }
0x159: {  	[tilespmem:s19], [sflag:$0x2] =	stream.indirect.gather [hbm4b:s1+s16], $0x80, s12, s16, $0xb8;
	[tilespmem:$0x1FC80] =	vst v63  }
0x15a: {  	_ =	swait.ge [sflag:s18], $0x2000  }
0x15b: {  	[sflag:s18] =	ssyncset.done $0x0  }
0x15c: {  	s15 =	rddreg [dreg:$0x13];
	[sflag:s18] =	ssyncadd.s32 $0xFFFFE000  }
0x15d: {  	[spmem:s2] =	stream.indirect.scatter.add.f32 [tilespmem:s23], [sflag:$0x9], $0x80, s15, s16, $0xb8;
	[tilespmem:$0x1FC80] =	vst v63  }
0x15e: {  	_ =	swait.ge [sflag:s20], $0x2000  }
0x15f: {  	[sflag:s20] =	ssyncset.done $0x0  }
0x160: {  	s3 =	rddreg [dreg:$0x14];
	[sflag:s20] =	ssyncadd.s32 $0xFFFFE000  }
0x161: {  	[tilespmem:s21], [sflag:$0x3] =	stream.indirect.gather [hbm4b:s1+s16], $0x80, s3, s16, $0xb8;
	[tilespmem:$0x1FC80] =	vst v63  }
0x162: {  	_ =	swait.ge [sflag:s22], $0x2000  }
0x163: {  	[sflag:s22] =	ssyncset.done $0x0  }
0x164: {  	s10 =	rddreg [dreg:$0x15];
	[sflag:s22] =	ssyncadd.s32 $0xFFFFE000  }
0x165: {  	[spmem:s2] =	stream.indirect.scatter.add.f32 [tilespmem:s28], [sflag:$0xA], $0x80, s10, s16, $0xb8;
	[tilespmem:$0x1FC80] =	vst v63  }
0x166: {  	_ =	swait.ge [sflag:s5], $0x2000  }
0x167: {  	[sflag:s5] =	ssyncset.done $0x0  }
0x168: {  	s12 =	rddreg [dreg:$0x16];
	[sflag:s5] =	ssyncadd.s32 $0xFFFFE000  }
0x169: {  	[tilespmem:s23], [sflag:$0x4] =	stream.indirect.gather [hbm4b:s1+s16], $0x80, s12, s16, $0xb8;
	[tilespmem:$0x1FC80] =	vst v63  }
0x16a: {  	_ =	swait.ge [sflag:s24], $0x2000  }
0x16b: {  	s11 =	sadd.s32 $0x1, s11;
	[sflag:s24] =	ssyncset.done $0x0  }
0x16c: {  	p2 =	sgt.u32 s11, $0x6;
	[sflag:s24] =	ssyncadd.s32 $0xFFFFE000  }
0x16d: {  	[spmem:s2] =	stream.indirect.scatter.add.f32 [tilespmem:s17], [sflag:$0x6], $0x80, s26, s16, $0xb8;
	[tilespmem:$0x1FC80] =	vst v63  }
0x16e: {  	s6 =	sadd.s32 @!p2 s13, s8;
	_ =	swait.ge [sflag:s7], $0x2000  }
0x16f: {  	s6 =	sadd.s32 @!p2 $0x200, s6;
	[sflag:s7] =	ssyncset.done $0x0  }
0x170: {  	s10 =	sadd.s32 @!p2 s13, s14;
	s13 =	simm.s32 @!p2 $0x0;
	[sflag:s7] =	ssyncadd.s32 $0xFFFFE000  }
0x171: {  	[tilespmem:s13], [sflag:$0xB] =	stream.linear.gather @!p2 [hbm4b:s6+s13], $0x500, $0x38;
	[tilespmem:$0x1FC80] =	vst v63  }
0x172: {  	s10 =	sadd.s32 @!p2 $0x200, s10;
	s6 =	simm.s32 @!p2 $0x1000  }
0x173: {  	[tilespmem:s6], [sflag:$0xB] =	stream.linear.gather @!p2 [hbm4b:s10+s13], $0x500, $0x38;
	[tilespmem:$0x1FC80] =	vst v63  }
0x174: {  	s15 =	rddreg [dreg:$0x17]  }
0x175: {  	[tilespmem:s28], [sflag:$0x5] =	stream.indirect.gather [hbm4b:s1+s16], $0x80, s15, s16, $0xb8;
	[tilespmem:$0x1FC80] =	vst v63  }
0x176: {  	_ =	swait.ge [sflag:s29], $0x2000  }
0x177: {  	[sflag:s29] =	ssyncset.done $0x0  }
0x178: {  	s3 =	rddreg [dreg:$0x18];
	[sflag:s29] =	ssyncadd.s32 $0xFFFFE000  }
0x179: {  	[spmem:s2] =	stream.indirect.scatter.add.f32 [tilespmem:s19], [sflag:$0x7], $0x80, s3, s16, $0xb8;
	[tilespmem:$0x1FC80] =	vst v63  }
0x17a: {  	_ =	swait.ge [sflag:s30], $0x2000  }
0x17b: {  	[sflag:s30] =	ssyncset.done $0x0  }
0x17c: {  	s10 =	rddreg [dreg:$0x19];
	[sflag:s30] =	ssyncadd.s32 $0xFFFFE000  }
0x17d: {  	[tilespmem:s17], [sflag:$0x1] =	stream.indirect.gather [hbm4b:s1+s16], $0x80, s10, s16, $0xb8;
	[tilespmem:$0x1FC80] =	vst v63  }
0x17e: {  	_ =	swait.ge [sflag:s31], $0x2000  }
0x17f: {  	[sflag:s31] =	ssyncset.done $0x0  }
0x180: {  	s12 =	rddreg [dreg:$0x1a];
	[sflag:s31] =	ssyncadd.s32 $0xFFFFE000  }
0x181: {  	[spmem:s2] =	stream.indirect.scatter.add.f32 [tilespmem:s21], [sflag:$0x8], $0x80, s12, s16, $0xb8;
	[tilespmem:$0x1FC80] =	vst v63  }
0x182: {  	_ =	swait.ge [sflag:s0], $0x2000  }
0x183: {  	[sflag:s0] =	ssyncset.done $0x0  }
0x184: {  	s15 =	rddreg [dreg:$0x1b];
	[sflag:s0] =	ssyncadd.s32 $0xFFFFE000  }
0x185: {  	[tilespmem:s19], [sflag:$0x2] =	stream.indirect.gather [hbm4b:s1+s16], $0x80, s15, s16, $0xb8;
	[tilespmem:$0x1FC80] =	vst v63  }
0x186: {  	_ =	swait.ge [sflag:s18], $0x2000  }
0x187: {  	[sflag:s18] =	ssyncset.done $0x0  }
0x188: {  	s3 =	rddreg [dreg:$0x1c];
	[sflag:s18] =	ssyncadd.s32 $0xFFFFE000  }
0x189: {  	[spmem:s2] =	stream.indirect.scatter.add.f32 [tilespmem:s23], [sflag:$0x9], $0x80, s3, s16, $0xb8;
	[tilespmem:$0x1FC80] =	vst v63  }
0x18a: {  	_ =	swait.ge [sflag:s20], $0x2000  }
0x18b: {  	[sflag:s20] =	ssyncset.done $0x0  }
0x18c: {  	s10 =	rddreg [dreg:$0x1d];
	[sflag:s20] =	ssyncadd.s32 $0xFFFFE000  }
0x18d: {  	[tilespmem:s21], [sflag:$0x3] =	stream.indirect.gather [hbm4b:s1+s16], $0x80, s10, s16, $0xb8;
	[tilespmem:$0x1FC80] =	vst v63  }
0x18e: {  	_ =	swait.ge [sflag:s22], $0x2000  }
0x18f: {  	[sflag:s22] =	ssyncset.done $0x0  }
0x190: {  	s12 =	rddreg [dreg:$0x1e];
	[sflag:s22] =	ssyncadd.s32 $0xFFFFE000  }
0x191: {  	[spmem:s2] =	stream.indirect.scatter.add.f32 [tilespmem:s28], [sflag:$0xA], $0x80, s12, s16, $0xb8;
	[tilespmem:$0x1FC80] =	vst v63  }
0x192: {  	_ =	swait.ge [sflag:s5], $0x2000  }
0x193: {  	[sflag:s5] =	ssyncset.done $0x0  }
0x194: {  	s15 =	rddreg [dreg:$0x1f];
	[sflag:s5] =	ssyncadd.s32 $0xFFFFE000  }
0x195: {  	[tilespmem:s23], [sflag:$0x4] =	stream.indirect.gather [hbm4b:s1+s16], $0x80, s15, s16, $0xb8;
	[tilespmem:$0x1FC80] =	vst v63  }
0x196: {  	_ =	swait.ge [sflag:s24], $0x2000  }
0x197: {  	s3 =	sld [smem:$0x7F7]  }
0x198: {  	[sflag:s24] =	ssyncset.done $0x0  }
0x199: {  	[sflag:s24] =	ssyncadd.s32 $0xFFFFE000  }
0x19a: {  	[spmem:s2] =	stream.indirect.scatter.add.f32 [tilespmem:s17], [sflag:$0x6], $0x80, s3, s16, $0xb8;
	[tilespmem:$0x1FC80] =	vst v63  }
0x19b: {  	_ =	swait.ge [sflag:s7], $0x2000  }
0x19c: {  	s10 =	sld [smem:$0x7F8]  }
0x19d: {  	[sflag:s7] =	ssyncset.done $0x0  }
0x19e: {  	[sflag:s7] =	ssyncadd.s32 $0xFFFFE000  }
0x19f: {  	[tilespmem:s28], [sflag:$0x5] =	stream.indirect.gather [hbm4b:s1+s16], $0x80, s10, s16, $0xb8;
	[tilespmem:$0x1FC80] =	vst v63  }
0x1a0: {  	_ =	swait.ge [sflag:s29], $0x2000  }
0x1a1: {  	s12 =	sld [smem:$0x7F9]  }
0x1a2: {  	[sflag:s29] =	ssyncset.done $0x0  }
0x1a3: {  	[sflag:s29] =	ssyncadd.s32 $0xFFFFE000  }
0x1a4: {  	[spmem:s2] =	stream.indirect.scatter.add.f32 [tilespmem:s19], [sflag:$0x7], $0x80, s12, s16, $0xb8;
	[tilespmem:$0x1FC80] =	vst v63  }
0x1a5: {  	_ =	swait.ge [sflag:s30], $0x2000  }
0x1a6: {  	[sflag:s30] =	ssyncset.done $0x0  }
0x1a7: {  	s6 =	simm.s32 @p2 $0x3;
	[sflag:s30] =	ssyncadd.s32 $0xFFFFE000  }
0x1a8: {  	_ =	swait.ge @p2 [sflag:s6], $0x2000  }
0x1a9: {  	s15 =	simm.s32 @p2 $0x1B80;
	s10 =	simm.s32 @p2 $0x6000;
	[sflag:s6] =	ssyncset.done @p2 $0x0  }
0x1aa: {  	s12 =	simm.s32 @p2 $0x40;
	[sflag:s6] =	ssyncadd.s32 @p2 $0xFFFFE000;
	s6 =	simm.s32 @p2 $0x7  }
0x1ab: {  	[spmem:s2] =	stream.indirect.scatter.add.f32 @p2 [tilespmem:s10], [sflag:$0x8], $0x80, s15, s12, $0xb8;
	[tilespmem:$0x1FC80] =	vst v63  }
0x1ac: {  	_ =	swait.ge @p2 [sflag:s6], $0x2000  }
0x1ad: {  	[sflag:s6] =	ssyncset.done @p2 $0x0  }
0x1ae: {  	s10 =	simm.s32 @!p2 $0xB;
	[sflag:s6] =	ssyncadd.s32 @p2 $0xFFFFE000  }
0x1af: {  	_ =	swait.ge @!p2 [sflag:s10], $0x500  }
0x1b0: {  	[sflag:s10] =	ssyncset.done @!p2 $0x0  }
0x1b1: {  	[sflag:s10] =	ssyncadd.s32 @!p2 $0xFFFFFB00  }
0x1b2: {  	_ =	swait.ge @!p2 [sflag:s10], $0x500  }
0x1b3: {  	s15 =	simm.s32 @!p2 $0x2000;
	[sflag:s10] =	ssyncset.done @!p2 $0x0  }
0x1b4: {  	s6 =	simm.s32 @!p2 $0x40;
	[sflag:s10] =	ssyncadd.s32 @!p2 $0xFFFFFB00;
	s10 =	simm.s32 @!p2 $0x3  }
0x1b5: {  	[tilespmem:s15], [sflag:$0x1] =	stream.indirect.gather @!p2 [hbm4b:s1+s6], $0x80, s13, s6, $0xb8;
	[tilespmem:$0x1FC80] =	vst v63  }
0x1b6: {  	_ =	swait.ge @!p2 [sflag:s10], $0x2000  }
0x1b7: {  	s13 =	simm.s32 @!p2 $0x1B80;
	[sflag:s10] =	ssyncset.done @!p2 $0x0  }
0x1b8: {  	s15 =	simm.s32 @!p2 $0x6000;
	[sflag:s10] =	ssyncadd.s32 @!p2 $0xFFFFE000;
	s10 =	simm.s32 @!p2 $0x7  }
0x1b9: {  	[spmem:s2] =	stream.indirect.scatter.add.f32 @!p2 [tilespmem:s15], [sflag:$0x8], $0x80, s13, s6, $0xb8;
	[tilespmem:$0x1FC80] =	vst v63  }
0x1ba: {  	_ =	swait.ge @!p2 [sflag:s10], $0x2000  }
0x1bb: {  	[sflag:s10] =	ssyncset.done @!p2 $0x0  }
0x1bc: {  	s3 =	simm.s32 @!p2 $0x4000;
	s13 =	simm.s32 @!p2 $0x80;
	[sflag:s10] =	ssyncadd.s32 @!p2 $0xFFFFE000  }
0x1bd: {  	[tilespmem:s3], [sflag:$0x2] =	stream.indirect.gather @!p2 [hbm4b:s1+s6], $0x80, s13, s6, $0xb8;
	[tilespmem:$0x1FC80] =	vst v63  }
0x1be: {  	_ =	swait.ge [sflag:s18], $0x2000  }
0x1bf: {  	s13 =	sld [smem:$0x7FA]  }
0x1c0: {  	[sflag:s18] =	ssyncset.done $0x0  }
0x1c1: {  	[sflag:s18] =	ssyncadd.s32 $0xFFFFE000  }
0x1c2: {  	[spmem:s2] =	stream.indirect.scatter.add.f32 [tilespmem:s23], [sflag:$0x9], $0x80, s13, s16, $0xb8;
	[tilespmem:$0x1FC80] =	vst v63  }
0x1c3: {  	_ =	swait.ge [sflag:s20], $0x2000  }
0x1c4: {  	[sflag:s20] =	ssyncset.done $0x0  }
0x1c5: {  	s3 =	simm.s32 @p2 $0x5;
	[sflag:s20] =	ssyncadd.s32 $0xFFFFE000  }
0x1c6: {  	_ =	swait.ge @p2 [sflag:s3], $0x2000  }
0x1c7: {  	s10 =	simm.s32 @p2 $0x1C80;
	[sflag:s3] =	ssyncset.done @p2 $0x0  }
0x1c8: {  	s13 =	simm.s32 @p2 $0xA000;
	[sflag:s3] =	ssyncadd.s32 @p2 $0xFFFFE000;
	s3 =	simm.s32 @p2 $0x9  }
0x1c9: {  	[spmem:s2] =	stream.indirect.scatter.add.f32 @p2 [tilespmem:s13], [sflag:$0xA], $0x80, s10, s12, $0xb8;
	[tilespmem:$0x1FC80] =	vst v63  }
0x1ca: {  	_ =	swait.ge @p2 [sflag:s3], $0x2000  }
0x1cb: {  	s9 =	sadd.s32 $0x200, s9;
	[sflag:s3] =	ssyncset.done @p2 $0x0  }
0x1cc: {  	s10 =	simm.s32 @!p2 $0x100;
	[sflag:s3] =	ssyncadd.s32 @p2 $0xFFFFE000;
	s3 =	simm.s32 @!p2 $0x5  }
0x1cd: {  	[tilespmem:s15], [sflag:$0x3] =	stream.indirect.gather @!p2 [hbm4b:s1+s6], $0x80, s10, s6, $0xb8;
	[tilespmem:$0x1FC80] =	vst v63  }
0x1ce: {  	p1 =	sne.s32 s9, $0x1000;
	_ =	swait.ge @!p2 [sflag:s3], $0x2000  }
.Ltmp0:
0x1cf: {  	s13 =	simm.s32 @!p2 $0x1C80;
	[sflag:s3] =	ssyncset.done @!p2 $0x0;
	(pc) =	sbr.rel @p1 .LBB2_2-.Ltmp0, $4  }
0x1d0: {  	s12 =	simm.s32 @!p2 $0x9;
	s10 =	simm.s32 @!p2 $0xA000;
	[sflag:s3] =	ssyncadd.s32 @!p2 $0xFFFFE000  }
0x1d1: {  	[spmem:s2] =	stream.indirect.scatter.add.f32 @!p2 [tilespmem:s10], [sflag:$0xA], $0x80, s13, s6, $0xb8;
	[tilespmem:$0x1FC80] =	vst v63  }
0x1d2: {  	_ =	swait.ge @!p2 [sflag:s12], $0x2000  }
0x1d3: {  	s15 =	simm.s32 @!p2 $0x8000;
	s10 =	simm.s32 @!p2 $0x180;
	[sflag:s12] =	ssyncset.done @!p2 $0x0  }
0x1d4: {  	[sflag:s12] =	ssyncadd.s32 @!p2 $0xFFFFE000  }
0x1d5: {  	[tilespmem:s15], [sflag:$0x4] =	stream.indirect.gather @!p2 [hbm4b:s1+s6], $0x80, s10, s6, $0xb8;
	[tilespmem:$0x1FC80] =	vst v63  }
0x1d6: {  	_ =	swait.ge [sflag:s7], $0x2000  }
0x1d7: {  	[sflag:s7] =	ssyncset.done $0x0  }
0x1d8: {  	[sflag:s7] =	ssyncadd.s32 $0xFFFFE000  }
0x1d9: {  	[bflag:$0x0] =	sbarrier.arrive $0xFFFF  }
0x1da: {  	s3 =	sld [smem:$0x7F2]  }
0x1db: {  	s6 =	sld [smem:$0x7F5]  }
0x1dc: {  	s13 =	sld [smem:$0x7FB]  }
0x1dd: {  	s9 =	sld [smem:$0x7FC];
	_ =	sdelay $0x1  }
0x1de: {  	s10 =	simm.s32 $0xD;
	s3 =	sadd.s32 s3, s6  }
0x1df: {  	[hbm:s3], [sflag:s13] =	dma.local [spmem:s9], $0x2700  }
0x1e0: {  	_ =	swait.ge [sflag:s10], $0x2700  }
0x1e1: {  	s11 =	sld [smem:$0x7FD]  }
0x1e2: {  	[sflag:s10] =	ssyncset.done $0x0  }
0x1e3: {  	s3 =	sadd.s32 @!p0 $0x27000, s6;
	[sflag:s10] =	ssyncadd.s32 $0xFFFFD900  }
0x1e4: {  	[hbm:s3], [sflag:s13] =	dma.local @!p0 [spmem:s11], $0x100  }
0x1e5: {  	s3 =	simm.s32 @!p0 $0xD  }
0x1e6: {  	_ =	swait.ge @!p0 [sflag:s3], $0x100  }
0x1e7: {  	s26 =	sld [smem:$0x7F1]  }
0x1e8: {  	s25 =	sld [smem:$0x7F6];
	_ =	sdelay $0x1  }
0x1e9: {  	s26 =	sadd.s32 $0x1, s26  }
0x1ea: {  	p1 =	sne.s32 s26, s25  }
.Ltmp1:
0x1eb: {  	_ = 	snop;
	(pc) =	sbr.rel @p1 .LBB2_1-.Ltmp1, $3  }
0x1ec: {  	_ =	sdelay $0x1  }
0x1ed: {  	s12 =	simm.s32 $0x1000;
	s15 =	simm.s32 $0x800;
	[sflag:s3] =	ssyncset.done @!p0 $0x0  }
0x1ee: {  	[sflag:s3] =	ssyncadd.s32 @!p0 $0xFFFFFF00;
	s3 =	simm.s32 $0x0;
	s25 =	simm.s32 $0x1800  }
0x1ef: {  	_ =	sfence.sel $0x180000  }
0x1f0: {  	[bflag:$0x0] =	sbarrier.arrive $0xFFFF  }
0x1f1: {  	_ =	strace $0x90000047  }
0x1f2: {  	[bflag:$0x2] =	sbarrier.arrive $0xFFFF  }
0x1f3: {  	s0 =	rddreg [dreg:$0x4]  }
0x1f4: {  	s0 =	sadd.s32 @!p0 $0x100000, s0  }
0x1f5: {  	[sflag:s0] =	ssyncadd.tile.s32 @!p0 $0x1;
	_ =	shalt  }
.Lfunc_end2:
_tile_overlayer_lowered:
.L_overlay_start_2:
0x1f6: {  	(tag) =	ssettag $0x2  }
0x1f7: {  	s0 =	rddreg [dreg:$0x0];
	s2 =	stileid.u32  }
0x1f8: {  	s1 =	rddreg [dreg:$0x1];
	p0 =	sne.s32 s2, $0x0  }
0x1f9: {  	s3 =	rddreg [dreg:$0x2];
	[bflag:$0x3] =	sbarrier.arrive $0xFFFF;
	s2 =	simm.s32 @!p0 $0x1C0D  }
0x1fa: {  	[timem:s3], [sflag:s2] =	dma.local @!p0 [hbm:s0], s1  }
0x1fb: {  	s0 =	simm.s32 @!p0 $0xD  }
0x1fc: {  	_ =	swait.ge @!p0 [sflag:s0], s1  }
0x1fd: {  	s1 =	ssub.s32 @!p0 $0x0, s1;
	[sflag:s0] =	ssyncset.done @!p0 $0x0  }
0x1fe: {  	[sflag:s0] =	ssyncadd.s32 @!p0 s1  }
0x1ff: {  	[bflag:$0x3] =	sbarrier.arrive $0xFFFF  }
0x200: {  	_ =	shalt  }

</sc_bundles>
